<compile_context>
chip_gen: v7x
topology: tpu7x:2x2x1
jax: 0.10.2.dev20260603
libtpu: 0.0.44.dev20260713+nightly
codegen_flags: <defaults>
</compile_context>

<pallas_src>
import functools

import jax
import jax.numpy as jnp
from jax import lax
from jax.experimental import pallas as pl
from jax.experimental.pallas import tpu as pltpu
from jax.experimental.pallas import tpu_sc as plsc

_NW = 16
_L = 16
_CHUNK = 10416
_NCHUNK = 6
_PER_W = _CHUNK * _NCHUNK
_MAIN = (_CHUNK // (4 * _L)) * (4 * _L)


@jax.jit
def _sc_loss(pred, label, target):
    n = pred.shape[-1]
    ntail = n - _NW * _PER_W
    assert 0 <= ntail // _L <= _NW and ntail % _L == 0

    mesh = plsc.VectorSubcoreMesh(core_axis_name="c", subcore_axis_name="s",
                                  num_cores=1)

    @functools.partial(
        pl.kernel,
        mesh=mesh,
        compiler_params=pltpu.CompilerParams(
            needs_layout_passes=False,
            use_tc_tiling_on_sc=False,
            disable_bounds_checks=True,
            disable_semaphore_checks=True,
            skip_device_barrier=True,
        ),
        out_type=jax.ShapeDtypeStruct((2 * _L,), jnp.float32),
        scratch_types=[
            pltpu.VMEM((_CHUNK,), jnp.float32),
            pltpu.VMEM((_CHUNK,), jnp.int32),
            pltpu.VMEM((_CHUNK,), jnp.float32),
            pltpu.VMEM((_CHUNK,), jnp.float32),
            pltpu.VMEM((_CHUNK,), jnp.int32),
            pltpu.VMEM((_CHUNK,), jnp.float32),
            pltpu.VMEM((2 * _L,), jnp.float32),
            pltpu.VMEM((_NW * 2 * _L,), jnp.float32),
            pltpu.VMEM((_L,), jnp.float32),
            pltpu.VMEM_SHARED((_NW * 2 * _L,), jnp.float32),
            pltpu.SemaphoreType.DMA,
            pltpu.SemaphoreType.DMA,
        ],
    )
    def body(pred_h, lab_h, targ_h, out_h,
             p0, l0, t0, p1, l1, t1, stage, rows, tmpv, shared, sem0, sem1):
        wid = lax.axis_index("c") * _NW + lax.axis_index("s")
        start = wid * _PER_W
        bufs = ((p0, l0, t0, sem0), (p1, l1, t1, sem1))

        def fire(k, b):
            base = start + k * _CHUNK
            pltpu.async_copy(pred_h.at[0, 0, pl.ds(base, _CHUNK)], b[0], b[3])
            pltpu.async_copy(lab_h.at[pl.ds(base, _CHUNK)], b[1], b[3])
            pltpu.async_copy(targ_h.at[pl.ds(base, _CHUNK)], b[2], b[3])

        def drain(b):
            pltpu.make_async_copy(pred_h.at[0, 0, pl.ds(0, _CHUNK)], b[0], b[3]).wait()
            pltpu.make_async_copy(lab_h.at[pl.ds(0, _CHUNK)], b[1], b[3]).wait()
            pltpu.make_async_copy(targ_h.at[pl.ds(0, _CHUNK)], b[2], b[3]).wait()

        def masked_terms(p, t, lb):
            d = p - t
            ad = jnp.abs(d)
            elem = jnp.where(ad < 1.0, 0.5 * d * d, ad - 0.5)
            m = jnp.abs(lb) == 1
            return jnp.where(m, elem, 0.0), jnp.where(m, 1.0, 0.0)

        z = jnp.zeros((_L,), jnp.float32)
        accs = [z, z, z, z]
        cvs = [z, z, z, z]
        fire(0, bufs[0])
        for k in range(_NCHUNK):
            b = bufs[k & 1]
            if k + 1 < _NCHUNK:
                fire(k + 1, bufs[(k + 1) & 1])
            drain(b)

            def chunk_body(off, carry, b=b):
                a4 = list(carry[0])
                c4 = list(carry[1])
                for u in range(4):
                    dl, dc = masked_terms(b[0][pl.ds(off + u * _L, _L)],
                                          b[2][pl.ds(off + u * _L, _L)],
                                          b[1][pl.ds(off + u * _L, _L)])
                    a4[u] = a4[u] + dl
                    c4[u] = c4[u] + dc
                return tuple(a4), tuple(c4)

            accs, cvs = plsc.parallel_loop(
                0, _MAIN, 4 * _L, unroll=2,
                carry=(tuple(accs), tuple(cvs)))(chunk_body)
            accs = list(accs)
            cvs = list(cvs)
            for r in range(_MAIN, _CHUNK, _L):
                dl, dc = masked_terms(b[0][pl.ds(r, _L)],
                                      b[2][pl.ds(r, _L)],
                                      b[1][pl.ds(r, _L)])
                accs[0] = accs[0] + dl
                cvs[0] = cvs[0] + dc

        acc = (accs[0] + accs[1]) + (accs[2] + accs[3])
        cv = (cvs[0] + cvs[1]) + (cvs[2] + cvs[3])
        stage[pl.ds(0, _L)] = acc
        stage[pl.ds(_L, _L)] = cv

        @pl.when(wid < ntail // _L)
        def _():
            base = _NW * _PER_W + wid * _L
            pltpu.sync_copy(pred_h.at[0, 0, pl.ds(base, _L)], p0.at[pl.ds(0, _L)])
            pltpu.sync_copy(lab_h.at[pl.ds(base, _L)], l0.at[pl.ds(0, _L)])
            pltpu.sync_copy(targ_h.at[pl.ds(base, _L)], t0.at[pl.ds(0, _L)])
            dl, dc = masked_terms(p0[pl.ds(0, _L)], t0[pl.ds(0, _L)],
                                  l0[pl.ds(0, _L)])
            stage[pl.ds(0, _L)] = stage[pl.ds(0, _L)] + dl
            stage[pl.ds(_L, _L)] = stage[pl.ds(_L, _L)] + dc

        pltpu.sync_copy(stage, shared.at[pl.ds(wid * 2 * _L, 2 * _L)])
        plsc.subcore_barrier()

        @pl.when(wid == 0)
        def _():
            pltpu.sync_copy(shared, rows)
            a = rows[pl.ds(0, _L)]
            c = rows[pl.ds(_L, _L)]
            for r in range(1, _NW):
                a = a + rows[pl.ds(r * 2 * _L, _L)]
                c = c + rows[pl.ds(r * 2 * _L + _L, _L)]
            def allsum(v):
                for sh in (8, 4, 2, 1):
                    tmpv[...] = v
                    idx = lax.iota(jnp.int32, _L) ^ sh
                    v = v + plsc.load_gather(tmpv, [idx])
                return v

            ls = allsum(a)
            cs = allsum(c)
            res = jnp.where(cs > 0, ls / jnp.maximum(cs, 1.0),
                            jnp.zeros((_L,), jnp.float32))
            stage[pl.ds(0, _L)] = res
            stage[pl.ds(_L, _L)] = res
            pltpu.sync_copy(stage, out_h)

    return body(pred, label, target)


def kernel(pred, label, target):
    lb = label.astype(jnp.int32)
    pt = jnp.reshape(pred, (1, 1, pred.shape[0]))
    out = _sc_loss(pt, lb, target)
    return out[0]

# --- scband reference (transcript-rebuilt; emitter-appended) ---
"""Pipeline reference for scband-reg-loss-48275432407612 (READ-ONLY COPY).

The authoritative reference and input builder live on the scoring server;
editing this copy changes nothing except your own understanding.
"""

import jax, jax.numpy as jnp
import numpy as np

N = 1000000

def setup_inputs(seed: int = 0) -> dict:
    key = jax.random.key(seed)
    k1, k2, k3 = jax.random.split(key, 3)
    pred = jax.random.normal(k1, (N, 1, 1), dtype=jnp.float32)
    label = jax.random.randint(k2, (N,), 0, 2, dtype=jnp.int64)
    target = jax.random.normal(k3, (N,), dtype=jnp.float32)
    return {"pred": pred, "label": label, "target": target}

def reference(pred, label, target):
    # pred.squeeze(dim=-1).squeeze(dim=-1)
    p = jnp.squeeze(jnp.squeeze(pred, axis=-1), axis=-1)
    # selected_idx = (abs(label) == 1).nonzero()[:, 0]  -> boolean mask over dim 0
    mask = (jnp.abs(label) == 1)
    # SmoothL1Loss (beta=1.0, mean reduction) over the selected elements
    d = p - target
    ad = jnp.abs(d)
    elem = jnp.where(ad < 1.0, 0.5 * d * d, ad - 0.5)
    cnt = jnp.sum(mask.astype(jnp.float32))
    loss_sum = jnp.sum(elem * mask.astype(elem.dtype))
    reg_loss = jnp.where(cnt > 0, loss_sum / jnp.maximum(cnt, 1.0), jnp.float32(0.0))
    return reg_loss

if __name__ == "__main__":
    import jax
    _d = setup_inputs()
    print(jax.jit(kernel)(*tuple(_d.values())))

</pallas_src>

<mosaic_0001>
#map = affine_map<(d0, d1) -> (0, 0, 0)>
#map1 = affine_map<(d0, d1) -> (0)>
module attributes {stable_mosaic.version = 14 : i64} {
  func.func @body(%arg0: i32, %arg1: i32, %arg2: memref<1x1x1000000xf32, #tpu.memory_space<hbm>>, %arg3: memref<1000000xi32, #tpu.memory_space<hbm>>, %arg4: memref<1000000xf32, #tpu.memory_space<hbm>>, %arg5: memref<32xf32, #tpu.memory_space<hbm>>, %arg6: memref<10416xf32, #tpu.memory_space<vmem>>, %arg7: memref<10416xi32, #tpu.memory_space<vmem>>, %arg8: memref<10416xf32, #tpu.memory_space<vmem>>, %arg9: memref<10416xf32, #tpu.memory_space<vmem>>, %arg10: memref<10416xi32, #tpu.memory_space<vmem>>, %arg11: memref<10416xf32, #tpu.memory_space<vmem>>, %arg12: memref<32xf32, #tpu.memory_space<vmem>>, %arg13: memref<512xf32, #tpu.memory_space<vmem>>, %arg14: memref<16xf32, #tpu.memory_space<vmem>>, %arg15: memref<512xf32, #tpu.memory_space<vmem_shared>>, %arg16: memref<!tpu.dma_semaphore, #tpu.memory_space<semaphore_mem>>, %arg17: memref<!tpu.dma_semaphore, #tpu.memory_space<semaphore_mem>>) attributes {dimension_semantics = [#tpu.dimension_semantics<core_parallel>, #tpu.dimension_semantics<subcore_parallel>], iteration_bounds = array<i64: 1, 16>, scalar_prefetch = 0 : i64, scratch_operands = 12 : i64, tpu.core_type = #tpu.core_type<sc_vector_subcore>, window_params = [{transform_indices = #map}, {transform_indices = #map1}, {transform_indices = #map1}, {transform_indices = #map1}]} {
    %mul3A = arith.constant 16 : i32
    %mul3A_0 = arith.muli %arg0, %mul3A : i32
    %add3A = arith.addi %mul3A_0, %arg1 : i32
    %mul3A_1 = arith.constant 62496 : i32
    %mul3A_2 = arith.muli %add3A, %mul3A_1 : i32
    %broadcast_in_dim3A = arith.constant 0.000000e+00 : f32
    %broadcast_in_dim3A_3 = vector.broadcast %broadcast_in_dim3A : f32 to vector<16xf32>
    %add3A_4 = arith.constant 0 : i32
    %add3A_5 = arith.addi %mul3A_2, %add3A_4 : i32
    %dma_start3A = arith.constant 0 : i32
    %dma_start3A_6 = arith.constant 0 : i32
    %dma_start3A_7 = tpu.memref_slice %arg2[%dma_start3A, %dma_start3A_6, %add3A_5] : memref<1x1x1000000xf32, #tpu.memory_space<hbm>> -> memref<1x1x10416xf32, #tpu.memory_space<hbm>>
    %dma_start3A_8 = tpu.memref_squeeze %dma_start3A_7 : memref<1x1x10416xf32, #tpu.memory_space<hbm>> -> memref<10416xf32, #tpu.memory_space<hbm>>
    %dma_start3A_9 = tpu.memref_slice %arg2[%dma_start3A, %dma_start3A_6, %add3A_5] : memref<1x1x1000000xf32, #tpu.memory_space<hbm>> -> memref<1x1x10416xf32, #tpu.memory_space<hbm>>
    %dma_start3A_10 = tpu.memref_squeeze %dma_start3A_9 : memref<1x1x10416xf32, #tpu.memory_space<hbm>> -> memref<10416xf32, #tpu.memory_space<hbm>>
    tpu.enqueue_dma source(%dma_start3A_10 : memref<10416xf32, #tpu.memory_space<hbm>>) target(%arg6 : memref<10416xf32, #tpu.memory_space<vmem>>) target_semaphore(%arg16 : memref<!tpu.dma_semaphore, #tpu.memory_space<semaphore_mem>>)
    %dma_start3A_11 = tpu.memref_slice %arg3[%add3A_5] : memref<1000000xi32, #tpu.memory_space<hbm>> -> memref<10416xi32, #tpu.memory_space<hbm>>
    %dma_start3A_12 = tpu.memref_slice %arg3[%add3A_5] : memref<1000000xi32, #tpu.memory_space<hbm>> -> memref<10416xi32, #tpu.memory_space<hbm>>
    tpu.enqueue_dma source(%dma_start3A_12 : memref<10416xi32, #tpu.memory_space<hbm>>) target(%arg7 : memref<10416xi32, #tpu.memory_space<vmem>>) target_semaphore(%arg16 : memref<!tpu.dma_semaphore, #tpu.memory_space<semaphore_mem>>)
    %dma_start3A_13 = tpu.memref_slice %arg4[%add3A_5] : memref<1000000xf32, #tpu.memory_space<hbm>> -> memref<10416xf32, #tpu.memory_space<hbm>>
    %dma_start3A_14 = tpu.memref_slice %arg4[%add3A_5] : memref<1000000xf32, #tpu.memory_space<hbm>> -> memref<10416xf32, #tpu.memory_space<hbm>>
    tpu.enqueue_dma source(%dma_start3A_14 : memref<10416xf32, #tpu.memory_space<hbm>>) target(%arg8 : memref<10416xf32, #tpu.memory_space<vmem>>) target_semaphore(%arg16 : memref<!tpu.dma_semaphore, #tpu.memory_space<semaphore_mem>>)
    %add3A_15 = arith.constant 10416 : i32
    %add3A_16 = arith.addi %mul3A_2, %add3A_15 : i32
    %dma_start3A_17 = arith.constant 0 : i32
    %dma_start3A_18 = arith.constant 0 : i32
    %dma_start3A_19 = tpu.memref_slice %arg2[%dma_start3A_17, %dma_start3A_18, %add3A_16] : memref<1x1x1000000xf32, #tpu.memory_space<hbm>> -> memref<1x1x10416xf32, #tpu.memory_space<hbm>>
    %dma_start3A_20 = tpu.memref_squeeze %dma_start3A_19 : memref<1x1x10416xf32, #tpu.memory_space<hbm>> -> memref<10416xf32, #tpu.memory_space<hbm>>
    %dma_start3A_21 = tpu.memref_slice %arg2[%dma_start3A_17, %dma_start3A_18, %add3A_16] : memref<1x1x1000000xf32, #tpu.memory_space<hbm>> -> memref<1x1x10416xf32, #tpu.memory_space<hbm>>
    %dma_start3A_22 = tpu.memref_squeeze %dma_start3A_21 : memref<1x1x10416xf32, #tpu.memory_space<hbm>> -> memref<10416xf32, #tpu.memory_space<hbm>>
    tpu.enqueue_dma source(%dma_start3A_22 : memref<10416xf32, #tpu.memory_space<hbm>>) target(%arg9 : memref<10416xf32, #tpu.memory_space<vmem>>) target_semaphore(%arg17 : memref<!tpu.dma_semaphore, #tpu.memory_space<semaphore_mem>>)
    %dma_start3A_23 = tpu.memref_slice %arg3[%add3A_16] : memref<1000000xi32, #tpu.memory_space<hbm>> -> memref<10416xi32, #tpu.memory_space<hbm>>
    %dma_start3A_24 = tpu.memref_slice %arg3[%add3A_16] : memref<1000000xi32, #tpu.memory_space<hbm>> -> memref<10416xi32, #tpu.memory_space<hbm>>
    tpu.enqueue_dma source(%dma_start3A_24 : memref<10416xi32, #tpu.memory_space<hbm>>) target(%arg10 : memref<10416xi32, #tpu.memory_space<vmem>>) target_semaphore(%arg17 : memref<!tpu.dma_semaphore, #tpu.memory_space<semaphore_mem>>)
    %dma_start3A_25 = tpu.memref_slice %arg4[%add3A_16] : memref<1000000xf32, #tpu.memory_space<hbm>> -> memref<10416xf32, #tpu.memory_space<hbm>>
    %dma_start3A_26 = tpu.memref_slice %arg4[%add3A_16] : memref<1000000xf32, #tpu.memory_space<hbm>> -> memref<10416xf32, #tpu.memory_space<hbm>>
    tpu.enqueue_dma source(%dma_start3A_26 : memref<10416xf32, #tpu.memory_space<hbm>>) target(%arg11 : memref<10416xf32, #tpu.memory_space<vmem>>) target_semaphore(%arg17 : memref<!tpu.dma_semaphore, #tpu.memory_space<semaphore_mem>>)
    %dma_wait3A = arith.constant 0 : i32
    %dma_wait3A_27 = arith.constant 0 : i32
    %dma_wait3A_28 = arith.constant 0 : i32
    %dma_wait3A_29 = tpu.memref_slice %arg2[%dma_wait3A, %dma_wait3A_27, %dma_wait3A_28] : memref<1x1x1000000xf32, #tpu.memory_space<hbm>> -> memref<1x1x10416xf32, #tpu.memory_space<hbm>>
    %dma_wait3A_30 = tpu.memref_squeeze %dma_wait3A_29 : memref<1x1x10416xf32, #tpu.memory_space<hbm>> -> memref<10416xf32, #tpu.memory_space<hbm>>
    %dma_wait3A_31 = arith.constant 0 : i32
    %dma_wait3A_32 = tpu.memref_slice %arg2[%dma_wait3A, %dma_wait3A_27, %dma_wait3A_31] : memref<1x1x1000000xf32, #tpu.memory_space<hbm>> -> memref<1x1x10416xf32, #tpu.memory_space<hbm>>
    %dma_wait3A_33 = tpu.memref_squeeze %dma_wait3A_32 : memref<1x1x10416xf32, #tpu.memory_space<hbm>> -> memref<10416xf32, #tpu.memory_space<hbm>>
    tpu.wait_dma2 semaphore(%arg16 : memref<!tpu.dma_semaphore, #tpu.memory_space<semaphore_mem>>) src(%dma_wait3A_33 : memref<10416xf32, #tpu.memory_space<hbm>>) dst(%arg6 : memref<10416xf32, #tpu.memory_space<vmem>>)
    %dma_wait3A_34 = arith.constant 0 : i32
    %dma_wait3A_35 = tpu.memref_slice %arg3[%dma_wait3A_34] : memref<1000000xi32, #tpu.memory_space<hbm>> -> memref<10416xi32, #tpu.memory_space<hbm>>
    %dma_wait3A_36 = arith.constant 0 : i32
    %dma_wait3A_37 = tpu.memref_slice %arg3[%dma_wait3A_36] : memref<1000000xi32, #tpu.memory_space<hbm>> -> memref<10416xi32, #tpu.memory_space<hbm>>
    tpu.wait_dma2 semaphore(%arg16 : memref<!tpu.dma_semaphore, #tpu.memory_space<semaphore_mem>>) src(%dma_wait3A_37 : memref<10416xi32, #tpu.memory_space<hbm>>) dst(%arg7 : memref<10416xi32, #tpu.memory_space<vmem>>)
    %dma_wait3A_38 = arith.constant 0 : i32
    %dma_wait3A_39 = tpu.memref_slice %arg4[%dma_wait3A_38] : memref<1000000xf32, #tpu.memory_space<hbm>> -> memref<10416xf32, #tpu.memory_space<hbm>>
    %dma_wait3A_40 = arith.constant 0 : i32
    %dma_wait3A_41 = tpu.memref_slice %arg4[%dma_wait3A_40] : memref<1000000xf32, #tpu.memory_space<hbm>> -> memref<10416xf32, #tpu.memory_space<hbm>>
    tpu.wait_dma2 semaphore(%arg16 : memref<!tpu.dma_semaphore, #tpu.memory_space<semaphore_mem>>) src(%dma_wait3A_41 : memref<10416xf32, #tpu.memory_space<hbm>>) dst(%arg8 : memref<10416xf32, #tpu.memory_space<vmem>>)
    %parallel_loop3A = arith.constant 0 : i32
    %parallel_loop3A_42 = arith.constant 10368 : i32
    %parallel_loop3A_43 = arith.constant 64 : i32
    %parallel_loop3A_44:8 = scf.for %parallel_loop3A_801 = %parallel_loop3A to %parallel_loop3A_42 step %parallel_loop3A_43 iter_args(%parallel_loop3A_802 = %broadcast_in_dim3A_3, %parallel_loop3A_803 = %broadcast_in_dim3A_3, %parallel_loop3A_804 = %broadcast_in_dim3A_3, %parallel_loop3A_805 = %broadcast_in_dim3A_3, %parallel_loop3A_806 = %broadcast_in_dim3A_3, %parallel_loop3A_807 = %broadcast_in_dim3A_3, %parallel_loop3A_808 = %broadcast_in_dim3A_3, %parallel_loop3A_809 = %broadcast_in_dim3A_3) -> (vector<16xf32>, vector<16xf32>, vector<16xf32>, vector<16xf32>, vector<16xf32>, vector<16xf32>, vector<16xf32>, vector<16xf32>)  : i32 {
      %parallel_loop3A_810 = arith.constant 0 : i32
      %parallel_loop3A_811 = arith.addi %parallel_loop3A_801, %parallel_loop3A_810 : i32
      %parallel_loop3A_812 = arith.index_cast %parallel_loop3A_811 : i32 to index
      %parallel_loop3A_813 = tpu.vector_load %arg6[%parallel_loop3A_812] {strides = array<i32>} : memref<10416xf32, #tpu.memory_space<vmem>>, vector<16xf32>,
      %parallel_loop3A_814 = arith.constant 0 : i32
      %parallel_loop3A_815 = arith.addi %parallel_loop3A_801, %parallel_loop3A_814 : i32
      %parallel_loop3A_816 = arith.index_cast %parallel_loop3A_815 : i32 to index
      %parallel_loop3A_817 = tpu.vector_load %arg8[%parallel_loop3A_816] {strides = array<i32>} : memref<10416xf32, #tpu.memory_space<vmem>>, vector<16xf32>,
      %parallel_loop3A_818 = arith.constant 0 : i32
      %parallel_loop3A_819 = arith.addi %parallel_loop3A_801, %parallel_loop3A_818 : i32
      %parallel_loop3A_820 = arith.index_cast %parallel_loop3A_819 : i32 to index
      %parallel_loop3A_821 = tpu.vector_load %arg7[%parallel_loop3A_820] {strides = array<i32>} : memref<10416xi32, #tpu.memory_space<vmem>>, vector<16xi32>,
      %parallel_loop3A_822 = arith.subf %parallel_loop3A_813, %parallel_loop3A_817 : vector<16xf32>
      %parallel_loop3A_823 = math.absf %parallel_loop3A_822 : vector<16xf32>
      %parallel_loop3A_824 = arith.constant 1.000000e+00 : f32
      %parallel_loop3A_825 = vector.broadcast %parallel_loop3A_824 : f32 to vector<16xf32>
      %parallel_loop3A_826 = arith.cmpf olt, %parallel_loop3A_823, %parallel_loop3A_825 : vector<16xf32>
      %parallel_loop3A_827 = arith.constant 5.000000e-01 : f32
      %parallel_loop3A_828 = vector.broadcast %parallel_loop3A_827 : f32 to vector<16xf32>
      %parallel_loop3A_829 = arith.mulf %parallel_loop3A_828, %parallel_loop3A_822 : vector<16xf32>
      %parallel_loop3A_830 = arith.mulf %parallel_loop3A_829, %parallel_loop3A_822 : vector<16xf32>
      %parallel_loop3A_831 = arith.constant 5.000000e-01 : f32
      %parallel_loop3A_832 = vector.broadcast %parallel_loop3A_831 : f32 to vector<16xf32>
      %parallel_loop3A_833 = arith.subf %parallel_loop3A_823, %parallel_loop3A_832 : vector<16xf32>
      %parallel_loop3A_834 = arith.select %parallel_loop3A_826, %parallel_loop3A_830, %parallel_loop3A_833 : vector<16xi1>, vector<16xf32>
      %parallel_loop3A_835 = math.absi %parallel_loop3A_821 : vector<16xi32>
      %parallel_loop3A_836 = arith.constant 1 : i32
      %parallel_loop3A_837 = vector.broadcast %parallel_loop3A_836 : i32 to vector<16xi32>
      %parallel_loop3A_838 = arith.cmpi eq, %parallel_loop3A_835, %parallel_loop3A_837 : vector<16xi32>
      %parallel_loop3A_839 = arith.constant 0.000000e+00 : f32
      %parallel_loop3A_840 = vector.broadcast %parallel_loop3A_839 : f32 to vector<16xf32>
      %parallel_loop3A_841 = arith.select %parallel_loop3A_838, %parallel_loop3A_834, %parallel_loop3A_840 : vector<16xi1>, vector<16xf32>
      %parallel_loop3A_842 = arith.constant 1.000000e+00 : f32
      %parallel_loop3A_843 = arith.constant 0.000000e+00 : f32
      %parallel_loop3A_844 = vector.broadcast %parallel_loop3A_842 : f32 to vector<16xf32>
      %parallel_loop3A_845 = vector.broadcast %parallel_loop3A_843 : f32 to vector<16xf32>
      %parallel_loop3A_846 = arith.select %parallel_loop3A_838, %parallel_loop3A_844, %parallel_loop3A_845 : vector<16xi1>, vector<16xf32>
      %parallel_loop3A_847 = arith.addf %parallel_loop3A_802, %parallel_loop3A_841 : vector<16xf32>
      %parallel_loop3A_848 = arith.addf %parallel_loop3A_806, %parallel_loop3A_846 : vector<16xf32>
      %parallel_loop3A_849 = arith.constant 16 : i32
      %parallel_loop3A_850 = arith.addi %parallel_loop3A_801, %parallel_loop3A_849 : i32
      %parallel_loop3A_851 = arith.index_cast %parallel_loop3A_850 : i32 to index
      %parallel_loop3A_852 = tpu.vector_load %arg6[%parallel_loop3A_851] {strides = array<i32>} : memref<10416xf32, #tpu.memory_space<vmem>>, vector<16xf32>,
      %parallel_loop3A_853 = arith.constant 16 : i32
      %parallel_loop3A_854 = arith.addi %parallel_loop3A_801, %parallel_loop3A_853 : i32
      %parallel_loop3A_855 = arith.index_cast %parallel_loop3A_854 : i32 to index
      %parallel_loop3A_856 = tpu.vector_load %arg8[%parallel_loop3A_855] {strides = array<i32>} : memref<10416xf32, #tpu.memory_space<vmem>>, vector<16xf32>,
      %parallel_loop3A_857 = arith.constant 16 : i32
      %parallel_loop3A_858 = arith.addi %parallel_loop3A_801, %parallel_loop3A_857 : i32
      %parallel_loop3A_859 = arith.index_cast %parallel_loop3A_858 : i32 to index
      %parallel_loop3A_860 = tpu.vector_load %arg7[%parallel_loop3A_859] {strides = array<i32>} : memref<10416xi32, #tpu.memory_space<vmem>>, vector<16xi32>,
      %parallel_loop3A_861 = arith.subf %parallel_loop3A_852, %parallel_loop3A_856 : vector<16xf32>
      %parallel_loop3A_862 = math.absf %parallel_loop3A_861 : vector<16xf32>
      %parallel_loop3A_863 = arith.constant 1.000000e+00 : f32
      %parallel_loop3A_864 = vector.broadcast %parallel_loop3A_863 : f32 to vector<16xf32>
      %parallel_loop3A_865 = arith.cmpf olt, %parallel_loop3A_862, %parallel_loop3A_864 : vector<16xf32>
      %parallel_loop3A_866 = arith.constant 5.000000e-01 : f32
      %parallel_loop3A_867 = vector.broadcast %parallel_loop3A_866 : f32 to vector<16xf32>
      %parallel_loop3A_868 = arith.mulf %parallel_loop3A_867, %parallel_loop3A_861 : vector<16xf32>
      %parallel_loop3A_869 = arith.mulf %parallel_loop3A_868, %parallel_loop3A_861 : vector<16xf32>
      %parallel_loop3A_870 = arith.constant 5.000000e-01 : f32
      %parallel_loop3A_871 = vector.broadcast %parallel_loop3A_870 : f32 to vector<16xf32>
      %parallel_loop3A_872 = arith.subf %parallel_loop3A_862, %parallel_loop3A_871 : vector<16xf32>
      %parallel_loop3A_873 = arith.select %parallel_loop3A_865, %parallel_loop3A_869, %parallel_loop3A_872 : vector<16xi1>, vector<16xf32>
      %parallel_loop3A_874 = math.absi %parallel_loop3A_860 : vector<16xi32>
      %parallel_loop3A_875 = arith.constant 1 : i32
      %parallel_loop3A_876 = vector.broadcast %parallel_loop3A_875 : i32 to vector<16xi32>
      %parallel_loop3A_877 = arith.cmpi eq, %parallel_loop3A_874, %parallel_loop3A_876 : vector<16xi32>
      %parallel_loop3A_878 = arith.constant 0.000000e+00 : f32
      %parallel_loop3A_879 = vector.broadcast %parallel_loop3A_878 : f32 to vector<16xf32>
      %parallel_loop3A_880 = arith.select %parallel_loop3A_877, %parallel_loop3A_873, %parallel_loop3A_879 : vector<16xi1>, vector<16xf32>
      %parallel_loop3A_881 = arith.constant 1.000000e+00 : f32
      %parallel_loop3A_882 = arith.constant 0.000000e+00 : f32
      %parallel_loop3A_883 = vector.broadcast %parallel_loop3A_881 : f32 to vector<16xf32>
      %parallel_loop3A_884 = vector.broadcast %parallel_loop3A_882 : f32 to vector<16xf32>
      %parallel_loop3A_885 = arith.select %parallel_loop3A_877, %parallel_loop3A_883, %parallel_loop3A_884 : vector<16xi1>, vector<16xf32>
      %parallel_loop3A_886 = arith.addf %parallel_loop3A_803, %parallel_loop3A_880 : vector<16xf32>
      %parallel_loop3A_887 = arith.addf %parallel_loop3A_807, %parallel_loop3A_885 : vector<16xf32>
      %parallel_loop3A_888 = arith.constant 32 : i32
      %parallel_loop3A_889 = arith.addi %parallel_loop3A_801, %parallel_loop3A_888 : i32
      %parallel_loop3A_890 = arith.index_cast %parallel_loop3A_889 : i32 to index
      %parallel_loop3A_891 = tpu.vector_load %arg6[%parallel_loop3A_890] {strides = array<i32>} : memref<10416xf32, #tpu.memory_space<vmem>>, vector<16xf32>,
      %parallel_loop3A_892 = arith.constant 32 : i32
      %parallel_loop3A_893 = arith.addi %parallel_loop3A_801, %parallel_loop3A_892 : i32
      %parallel_loop3A_894 = arith.index_cast %parallel_loop3A_893 : i32 to index
      %parallel_loop3A_895 = tpu.vector_load %arg8[%parallel_loop3A_894] {strides = array<i32>} : memref<10416xf32, #tpu.memory_space<vmem>>, vector<16xf32>,
      %parallel_loop3A_896 = arith.constant 32 : i32
      %parallel_loop3A_897 = arith.addi %parallel_loop3A_801, %parallel_loop3A_896 : i32
      %parallel_loop3A_898 = arith.index_cast %parallel_loop3A_897 : i32 to index
      %parallel_loop3A_899 = tpu.vector_load %arg7[%parallel_loop3A_898] {strides = array<i32>} : memref<10416xi32, #tpu.memory_space<vmem>>, vector<16xi32>,
      %parallel_loop3A_900 = arith.subf %parallel_loop3A_891, %parallel_loop3A_895 : vector<16xf32>
      %parallel_loop3A_901 = math.absf %parallel_loop3A_900 : vector<16xf32>
      %parallel_loop3A_902 = arith.constant 1.000000e+00 : f32
      %parallel_loop3A_903 = vector.broadcast %parallel_loop3A_902 : f32 to vector<16xf32>
      %parallel_loop3A_904 = arith.cmpf olt, %parallel_loop3A_901, %parallel_loop3A_903 : vector<16xf32>
      %parallel_loop3A_905 = arith.constant 5.000000e-01 : f32
      %parallel_loop3A_906 = vector.broadcast %parallel_loop3A_905 : f32 to vector<16xf32>
      %parallel_loop3A_907 = arith.mulf %parallel_loop3A_906, %parallel_loop3A_900 : vector<16xf32>
      %parallel_loop3A_908 = arith.mulf %parallel_loop3A_907, %parallel_loop3A_900 : vector<16xf32>
      %parallel_loop3A_909 = arith.constant 5.000000e-01 : f32
      %parallel_loop3A_910 = vector.broadcast %parallel_loop3A_909 : f32 to vector<16xf32>
      %parallel_loop3A_911 = arith.subf %parallel_loop3A_901, %parallel_loop3A_910 : vector<16xf32>
      %parallel_loop3A_912 = arith.select %parallel_loop3A_904, %parallel_loop3A_908, %parallel_loop3A_911 : vector<16xi1>, vector<16xf32>
      %parallel_loop3A_913 = math.absi %parallel_loop3A_899 : vector<16xi32>
      %parallel_loop3A_914 = arith.constant 1 : i32
      %parallel_loop3A_915 = vector.broadcast %parallel_loop3A_914 : i32 to vector<16xi32>
      %parallel_loop3A_916 = arith.cmpi eq, %parallel_loop3A_913, %parallel_loop3A_915 : vector<16xi32>
      %parallel_loop3A_917 = arith.constant 0.000000e+00 : f32
      %parallel_loop3A_918 = vector.broadcast %parallel_loop3A_917 : f32 to vector<16xf32>
      %parallel_loop3A_919 = arith.select %parallel_loop3A_916, %parallel_loop3A_912, %parallel_loop3A_918 : vector<16xi1>, vector<16xf32>
      %parallel_loop3A_920 = arith.constant 1.000000e+00 : f32
      %parallel_loop3A_921 = arith.constant 0.000000e+00 : f32
      %parallel_loop3A_922 = vector.broadcast %parallel_loop3A_920 : f32 to vector<16xf32>
      %parallel_loop3A_923 = vector.broadcast %parallel_loop3A_921 : f32 to vector<16xf32>
      %parallel_loop3A_924 = arith.select %parallel_loop3A_916, %parallel_loop3A_922, %parallel_loop3A_923 : vector<16xi1>, vector<16xf32>
      %parallel_loop3A_925 = arith.addf %parallel_loop3A_804, %parallel_loop3A_919 : vector<16xf32>
      %parallel_loop3A_926 = arith.addf %parallel_loop3A_808, %parallel_loop3A_924 : vector<16xf32>
      %parallel_loop3A_927 = arith.constant 48 : i32
      %parallel_loop3A_928 = arith.addi %parallel_loop3A_801, %parallel_loop3A_927 : i32
      %parallel_loop3A_929 = arith.index_cast %parallel_loop3A_928 : i32 to index
      %parallel_loop3A_930 = tpu.vector_load %arg6[%parallel_loop3A_929] {strides = array<i32>} : memref<10416xf32, #tpu.memory_space<vmem>>, vector<16xf32>,
      %parallel_loop3A_931 = arith.constant 48 : i32
      %parallel_loop3A_932 = arith.addi %parallel_loop3A_801, %parallel_loop3A_931 : i32
      %parallel_loop3A_933 = arith.index_cast %parallel_loop3A_932 : i32 to index
      %parallel_loop3A_934 = tpu.vector_load %arg8[%parallel_loop3A_933] {strides = array<i32>} : memref<10416xf32, #tpu.memory_space<vmem>>, vector<16xf32>,
      %parallel_loop3A_935 = arith.constant 48 : i32
      %parallel_loop3A_936 = arith.addi %parallel_loop3A_801, %parallel_loop3A_935 : i32
      %parallel_loop3A_937 = arith.index_cast %parallel_loop3A_936 : i32 to index
      %parallel_loop3A_938 = tpu.vector_load %arg7[%parallel_loop3A_937] {strides = array<i32>} : memref<10416xi32, #tpu.memory_space<vmem>>, vector<16xi32>,
      %parallel_loop3A_939 = arith.subf %parallel_loop3A_930, %parallel_loop3A_934 : vector<16xf32>
      %parallel_loop3A_940 = math.absf %parallel_loop3A_939 : vector<16xf32>
      %parallel_loop3A_941 = arith.constant 1.000000e+00 : f32
      %parallel_loop3A_942 = vector.broadcast %parallel_loop3A_941 : f32 to vector<16xf32>
      %parallel_loop3A_943 = arith.cmpf olt, %parallel_loop3A_940, %parallel_loop3A_942 : vector<16xf32>
      %parallel_loop3A_944 = arith.constant 5.000000e-01 : f32
      %parallel_loop3A_945 = vector.broadcast %parallel_loop3A_944 : f32 to vector<16xf32>
      %parallel_loop3A_946 = arith.mulf %parallel_loop3A_945, %parallel_loop3A_939 : vector<16xf32>
      %parallel_loop3A_947 = arith.mulf %parallel_loop3A_946, %parallel_loop3A_939 : vector<16xf32>
      %parallel_loop3A_948 = arith.constant 5.000000e-01 : f32
      %parallel_loop3A_949 = vector.broadcast %parallel_loop3A_948 : f32 to vector<16xf32>
      %parallel_loop3A_950 = arith.subf %parallel_loop3A_940, %parallel_loop3A_949 : vector<16xf32>
      %parallel_loop3A_951 = arith.select %parallel_loop3A_943, %parallel_loop3A_947, %parallel_loop3A_950 : vector<16xi1>, vector<16xf32>
      %parallel_loop3A_952 = math.absi %parallel_loop3A_938 : vector<16xi32>
      %parallel_loop3A_953 = arith.constant 1 : i32
      %parallel_loop3A_954 = vector.broadcast %parallel_loop3A_953 : i32 to vector<16xi32>
      %parallel_loop3A_955 = arith.cmpi eq, %parallel_loop3A_952, %parallel_loop3A_954 : vector<16xi32>
      %parallel_loop3A_956 = arith.constant 0.000000e+00 : f32
      %parallel_loop3A_957 = vector.broadcast %parallel_loop3A_956 : f32 to vector<16xf32>
      %parallel_loop3A_958 = arith.select %parallel_loop3A_955, %parallel_loop3A_951, %parallel_loop3A_957 : vector<16xi1>, vector<16xf32>
      %parallel_loop3A_959 = arith.constant 1.000000e+00 : f32
      %parallel_loop3A_960 = arith.constant 0.000000e+00 : f32
      %parallel_loop3A_961 = vector.broadcast %parallel_loop3A_959 : f32 to vector<16xf32>
      %parallel_loop3A_962 = vector.broadcast %parallel_loop3A_960 : f32 to vector<16xf32>
      %parallel_loop3A_963 = arith.select %parallel_loop3A_955, %parallel_loop3A_961, %parallel_loop3A_962 : vector<16xi1>, vector<16xf32>
      %parallel_loop3A_964 = arith.addf %parallel_loop3A_805, %parallel_loop3A_958 : vector<16xf32>
      %parallel_loop3A_965 = arith.addf %parallel_loop3A_809, %parallel_loop3A_963 : vector<16xf32>
      scf.yield %parallel_loop3A_847, %parallel_loop3A_886, %parallel_loop3A_925, %parallel_loop3A_964, %parallel_loop3A_848, %parallel_loop3A_887, %parallel_loop3A_926, %parallel_loop3A_965 : vector<16xf32>, vector<16xf32>, vector<16xf32>, vector<16xf32>, vector<16xf32>, vector<16xf32>, vector<16xf32>, vector<16xf32>
    } {sc.loop_unroll_factor = 2 : i64, sc.parallel_access}
    %get3A = arith.constant 10368 : index
    %get3A_45 = tpu.vector_load %arg6[%get3A] {strides = array<i32>} : memref<10416xf32, #tpu.memory_space<vmem>>, vector<16xf32>,
    %get3A_46 = arith.constant 10368 : index
    %get3A_47 = tpu.vector_load %arg8[%get3A_46] {strides = array<i32>} : memref<10416xf32, #tpu.memory_space<vmem>>, vector<16xf32>,
    %get3A_48 = arith.constant 10368 : index
    %get3A_49 = tpu.vector_load %arg7[%get3A_48] {strides = array<i32>} : memref<10416xi32, #tpu.memory_space<vmem>>, vector<16xi32>,
    %sub3A = arith.subf %get3A_45, %get3A_47 : vector<16xf32>
    %abs3A = math.absf %sub3A : vector<16xf32>
    %lt3A = arith.constant 1.000000e+00 : f32
    %lt3A_50 = vector.broadcast %lt3A : f32 to vector<16xf32>
    %lt3A_51 = arith.cmpf olt, %abs3A, %lt3A_50 : vector<16xf32>
    %mul3A_52 = arith.constant 5.000000e-01 : f32
    %mul3A_53 = vector.broadcast %mul3A_52 : f32 to vector<16xf32>
    %mul3A_54 = arith.mulf %mul3A_53, %sub3A : vector<16xf32>
    %mul3A_55 = arith.mulf %mul3A_54, %sub3A : vector<16xf32>
    %sub3A_56 = arith.constant 5.000000e-01 : f32
    %sub3A_57 = vector.broadcast %sub3A_56 : f32 to vector<16xf32>
    %sub3A_58 = arith.subf %abs3A, %sub3A_57 : vector<16xf32>
    %select_n3A = arith.select %lt3A_51, %mul3A_55, %sub3A_58 : vector<16xi1>, vector<16xf32>
    %abs3A_59 = math.absi %get3A_49 : vector<16xi32>
    %eq3A = arith.constant 1 : i32
    %eq3A_60 = vector.broadcast %eq3A : i32 to vector<16xi32>
    %eq3A_61 = arith.cmpi eq, %abs3A_59, %eq3A_60 : vector<16xi32>
    %jit3A = arith.constant 0.000000e+00 : f32
    %broadcast_in_dim3A_62 = vector.broadcast %jit3A : f32 to vector<16xf32>
    %select_n3A_63 = arith.select %eq3A_61, %select_n3A, %broadcast_in_dim3A_62 : vector<16xi1>, vector<16xf32>
    %jit3A_64 = arith.constant 1.000000e+00 : f32
    %jit3A_65 = arith.constant 0.000000e+00 : f32
    %broadcast_in_dim3A_66 = vector.broadcast %jit3A_64 : f32 to vector<16xf32>
    %broadcast_in_dim3A_67 = vector.broadcast %jit3A_65 : f32 to vector<16xf32>
    %select_n3A_68 = arith.select %eq3A_61, %broadcast_in_dim3A_66, %broadcast_in_dim3A_67 : vector<16xi1>, vector<16xf32>
    %add3A_69 = arith.addf %parallel_loop3A_44#0, %select_n3A_63 : vector<16xf32>
    %add3A_70 = arith.addf %parallel_loop3A_44#4, %select_n3A_68 : vector<16xf32>
    %get3A_71 = arith.constant 10384 : index
    %get3A_72 = tpu.vector_load %arg6[%get3A_71] {strides = array<i32>} : memref<10416xf32, #tpu.memory_space<vmem>>, vector<16xf32>,
    %get3A_73 = arith.constant 10384 : index
    %get3A_74 = tpu.vector_load %arg8[%get3A_73] {strides = array<i32>} : memref<10416xf32, #tpu.memory_space<vmem>>, vector<16xf32>,
    %get3A_75 = arith.constant 10384 : index
    %get3A_76 = tpu.vector_load %arg7[%get3A_75] {strides = array<i32>} : memref<10416xi32, #tpu.memory_space<vmem>>, vector<16xi32>,
    %sub3A_77 = arith.subf %get3A_72, %get3A_74 : vector<16xf32>
    %abs3A_78 = math.absf %sub3A_77 : vector<16xf32>
    %lt3A_79 = arith.constant 1.000000e+00 : f32
    %lt3A_80 = vector.broadcast %lt3A_79 : f32 to vector<16xf32>
    %lt3A_81 = arith.cmpf olt, %abs3A_78, %lt3A_80 : vector<16xf32>
    %mul3A_82 = arith.constant 5.000000e-01 : f32
    %mul3A_83 = vector.broadcast %mul3A_82 : f32 to vector<16xf32>
    %mul3A_84 = arith.mulf %mul3A_83, %sub3A_77 : vector<16xf32>
    %mul3A_85 = arith.mulf %mul3A_84, %sub3A_77 : vector<16xf32>
    %sub3A_86 = arith.constant 5.000000e-01 : f32
    %sub3A_87 = vector.broadcast %sub3A_86 : f32 to vector<16xf32>
    %sub3A_88 = arith.subf %abs3A_78, %sub3A_87 : vector<16xf32>
    %select_n3A_89 = arith.select %lt3A_81, %mul3A_85, %sub3A_88 : vector<16xi1>, vector<16xf32>
    %abs3A_90 = math.absi %get3A_76 : vector<16xi32>
    %eq3A_91 = arith.constant 1 : i32
    %eq3A_92 = vector.broadcast %eq3A_91 : i32 to vector<16xi32>
    %eq3A_93 = arith.cmpi eq, %abs3A_90, %eq3A_92 : vector<16xi32>
    %jit3A_94 = arith.constant 0.000000e+00 : f32
    %broadcast_in_dim3A_95 = vector.broadcast %jit3A_94 : f32 to vector<16xf32>
    %select_n3A_96 = arith.select %eq3A_93, %select_n3A_89, %broadcast_in_dim3A_95 : vector<16xi1>, vector<16xf32>
    %jit3A_97 = arith.constant 1.000000e+00 : f32
    %jit3A_98 = arith.constant 0.000000e+00 : f32
    %broadcast_in_dim3A_99 = vector.broadcast %jit3A_97 : f32 to vector<16xf32>
    %broadcast_in_dim3A_100 = vector.broadcast %jit3A_98 : f32 to vector<16xf32>
    %select_n3A_101 = arith.select %eq3A_93, %broadcast_in_dim3A_99, %broadcast_in_dim3A_100 : vector<16xi1>, vector<16xf32>
    %add3A_102 = arith.addf %add3A_69, %select_n3A_96 : vector<16xf32>
    %add3A_103 = arith.addf %add3A_70, %select_n3A_101 : vector<16xf32>
    %get3A_104 = arith.constant 10400 : index
    %get3A_105 = tpu.vector_load %arg6[%get3A_104] {strides = array<i32>} : memref<10416xf32, #tpu.memory_space<vmem>>, vector<16xf32>,
    %get3A_106 = arith.constant 10400 : index
    %get3A_107 = tpu.vector_load %arg8[%get3A_106] {strides = array<i32>} : memref<10416xf32, #tpu.memory_space<vmem>>, vector<16xf32>,
    %get3A_108 = arith.constant 10400 : index
    %get3A_109 = tpu.vector_load %arg7[%get3A_108] {strides = array<i32>} : memref<10416xi32, #tpu.memory_space<vmem>>, vector<16xi32>,
    %sub3A_110 = arith.subf %get3A_105, %get3A_107 : vector<16xf32>
    %abs3A_111 = math.absf %sub3A_110 : vector<16xf32>
    %lt3A_112 = arith.constant 1.000000e+00 : f32
    %lt3A_113 = vector.broadcast %lt3A_112 : f32 to vector<16xf32>
    %lt3A_114 = arith.cmpf olt, %abs3A_111, %lt3A_113 : vector<16xf32>
    %mul3A_115 = arith.constant 5.000000e-01 : f32
    %mul3A_116 = vector.broadcast %mul3A_115 : f32 to vector<16xf32>
    %mul3A_117 = arith.mulf %mul3A_116, %sub3A_110 : vector<16xf32>
    %mul3A_118 = arith.mulf %mul3A_117, %sub3A_110 : vector<16xf32>
    %sub3A_119 = arith.constant 5.000000e-01 : f32
    %sub3A_120 = vector.broadcast %sub3A_119 : f32 to vector<16xf32>
    %sub3A_121 = arith.subf %abs3A_111, %sub3A_120 : vector<16xf32>
    %select_n3A_122 = arith.select %lt3A_114, %mul3A_118, %sub3A_121 : vector<16xi1>, vector<16xf32>
    %abs3A_123 = math.absi %get3A_109 : vector<16xi32>
    %eq3A_124 = arith.constant 1 : i32
    %eq3A_125 = vector.broadcast %eq3A_124 : i32 to vector<16xi32>
    %eq3A_126 = arith.cmpi eq, %abs3A_123, %eq3A_125 : vector<16xi32>
    %jit3A_127 = arith.constant 0.000000e+00 : f32
    %broadcast_in_dim3A_128 = vector.broadcast %jit3A_127 : f32 to vector<16xf32>
    %select_n3A_129 = arith.select %eq3A_126, %select_n3A_122, %broadcast_in_dim3A_128 : vector<16xi1>, vector<16xf32>
    %jit3A_130 = arith.constant 1.000000e+00 : f32
    %jit3A_131 = arith.constant 0.000000e+00 : f32
    %broadcast_in_dim3A_132 = vector.broadcast %jit3A_130 : f32 to vector<16xf32>
    %broadcast_in_dim3A_133 = vector.broadcast %jit3A_131 : f32 to vector<16xf32>
    %select_n3A_134 = arith.select %eq3A_126, %broadcast_in_dim3A_132, %broadcast_in_dim3A_133 : vector<16xi1>, vector<16xf32>
    %add3A_135 = arith.addf %add3A_102, %select_n3A_129 : vector<16xf32>
    %add3A_136 = arith.addf %add3A_103, %select_n3A_134 : vector<16xf32>
    %add3A_137 = arith.constant 20832 : i32
    %add3A_138 = arith.addi %mul3A_2, %add3A_137 : i32
    %dma_start3A_139 = arith.constant 0 : i32
    %dma_start3A_140 = arith.constant 0 : i32
    %dma_start3A_141 = tpu.memref_slice %arg2[%dma_start3A_139, %dma_start3A_140, %add3A_138] : memref<1x1x1000000xf32, #tpu.memory_space<hbm>> -> memref<1x1x10416xf32, #tpu.memory_space<hbm>>
    %dma_start3A_142 = tpu.memref_squeeze %dma_start3A_141 : memref<1x1x10416xf32, #tpu.memory_space<hbm>> -> memref<10416xf32, #tpu.memory_space<hbm>>
    %dma_start3A_143 = tpu.memref_slice %arg2[%dma_start3A_139, %dma_start3A_140, %add3A_138] : memref<1x1x1000000xf32, #tpu.memory_space<hbm>> -> memref<1x1x10416xf32, #tpu.memory_space<hbm>>
    %dma_start3A_144 = tpu.memref_squeeze %dma_start3A_143 : memref<1x1x10416xf32, #tpu.memory_space<hbm>> -> memref<10416xf32, #tpu.memory_space<hbm>>
    tpu.enqueue_dma source(%dma_start3A_144 : memref<10416xf32, #tpu.memory_space<hbm>>) target(%arg6 : memref<10416xf32, #tpu.memory_space<vmem>>) target_semaphore(%arg16 : memref<!tpu.dma_semaphore, #tpu.memory_space<semaphore_mem>>)
    %dma_start3A_145 = tpu.memref_slice %arg3[%add3A_138] : memref<1000000xi32, #tpu.memory_space<hbm>> -> memref<10416xi32, #tpu.memory_space<hbm>>
    %dma_start3A_146 = tpu.memref_slice %arg3[%add3A_138] : memref<1000000xi32, #tpu.memory_space<hbm>> -> memref<10416xi32, #tpu.memory_space<hbm>>
    tpu.enqueue_dma source(%dma_start3A_146 : memref<10416xi32, #tpu.memory_space<hbm>>) target(%arg7 : memref<10416xi32, #tpu.memory_space<vmem>>) target_semaphore(%arg16 : memref<!tpu.dma_semaphore, #tpu.memory_space<semaphore_mem>>)
    %dma_start3A_147 = tpu.memref_slice %arg4[%add3A_138] : memref<1000000xf32, #tpu.memory_space<hbm>> -> memref<10416xf32, #tpu.memory_space<hbm>>
    %dma_start3A_148 = tpu.memref_slice %arg4[%add3A_138] : memref<1000000xf32, #tpu.memory_space<hbm>> -> memref<10416xf32, #tpu.memory_space<hbm>>
    tpu.enqueue_dma source(%dma_start3A_148 : memref<10416xf32, #tpu.memory_space<hbm>>) target(%arg8 : memref<10416xf32, #tpu.memory_space<vmem>>) target_semaphore(%arg16 : memref<!tpu.dma_semaphore, #tpu.memory_space<semaphore_mem>>)
    %dma_wait3A_149 = arith.constant 0 : i32
    %dma_wait3A_150 = arith.constant 0 : i32
    %dma_wait3A_151 = arith.constant 0 : i32
    %dma_wait3A_152 = tpu.memref_slice %arg2[%dma_wait3A_149, %dma_wait3A_150, %dma_wait3A_151] : memref<1x1x1000000xf32, #tpu.memory_space<hbm>> -> memref<1x1x10416xf32, #tpu.memory_space<hbm>>
    %dma_wait3A_153 = tpu.memref_squeeze %dma_wait3A_152 : memref<1x1x10416xf32, #tpu.memory_space<hbm>> -> memref<10416xf32, #tpu.memory_space<hbm>>
    %dma_wait3A_154 = arith.constant 0 : i32
    %dma_wait3A_155 = tpu.memref_slice %arg2[%dma_wait3A_149, %dma_wait3A_150, %dma_wait3A_154] : memref<1x1x1000000xf32, #tpu.memory_space<hbm>> -> memref<1x1x10416xf32, #tpu.memory_space<hbm>>
    %dma_wait3A_156 = tpu.memref_squeeze %dma_wait3A_155 : memref<1x1x10416xf32, #tpu.memory_space<hbm>> -> memref<10416xf32, #tpu.memory_space<hbm>>
    tpu.wait_dma2 semaphore(%arg17 : memref<!tpu.dma_semaphore, #tpu.memory_space<semaphore_mem>>) src(%dma_wait3A_156 : memref<10416xf32, #tpu.memory_space<hbm>>) dst(%arg9 : memref<10416xf32, #tpu.memory_space<vmem>>)
    %dma_wait3A_157 = arith.constant 0 : i32
    %dma_wait3A_158 = tpu.memref_slice %arg3[%dma_wait3A_157] : memref<1000000xi32, #tpu.memory_space<hbm>> -> memref<10416xi32, #tpu.memory_space<hbm>>
    %dma_wait3A_159 = arith.constant 0 : i32
    %dma_wait3A_160 = tpu.memref_slice %arg3[%dma_wait3A_159] : memref<1000000xi32, #tpu.memory_space<hbm>> -> memref<10416xi32, #tpu.memory_space<hbm>>
    tpu.wait_dma2 semaphore(%arg17 : memref<!tpu.dma_semaphore, #tpu.memory_space<semaphore_mem>>) src(%dma_wait3A_160 : memref<10416xi32, #tpu.memory_space<hbm>>) dst(%arg10 : memref<10416xi32, #tpu.memory_space<vmem>>)
    %dma_wait3A_161 = arith.constant 0 : i32
    %dma_wait3A_162 = tpu.memref_slice %arg4[%dma_wait3A_161] : memref<1000000xf32, #tpu.memory_space<hbm>> -> memref<10416xf32, #tpu.memory_space<hbm>>
    %dma_wait3A_163 = arith.constant 0 : i32
    %dma_wait3A_164 = tpu.memref_slice %arg4[%dma_wait3A_163] : memref<1000000xf32, #tpu.memory_space<hbm>> -> memref<10416xf32, #tpu.memory_space<hbm>>
    tpu.wait_dma2 semaphore(%arg17 : memref<!tpu.dma_semaphore, #tpu.memory_space<semaphore_mem>>) src(%dma_wait3A_164 : memref<10416xf32, #tpu.memory_space<hbm>>) dst(%arg11 : memref<10416xf32, #tpu.memory_space<vmem>>)
    %parallel_loop3A_165 = arith.constant 0 : i32
    %parallel_loop3A_166 = arith.constant 10368 : i32
    %parallel_loop3A_167 = arith.constant 64 : i32
    %parallel_loop3A_168:8 = scf.for %parallel_loop3A_801 = %parallel_loop3A_165 to %parallel_loop3A_166 step %parallel_loop3A_167 iter_args(%parallel_loop3A_802 = %add3A_135, %parallel_loop3A_803 = %parallel_loop3A_44#1, %parallel_loop3A_804 = %parallel_loop3A_44#2, %parallel_loop3A_805 = %parallel_loop3A_44#3, %parallel_loop3A_806 = %add3A_136, %parallel_loop3A_807 = %parallel_loop3A_44#5, %parallel_loop3A_808 = %parallel_loop3A_44#6, %parallel_loop3A_809 = %parallel_loop3A_44#7) -> (vector<16xf32>, vector<16xf32>, vector<16xf32>, vector<16xf32>, vector<16xf32>, vector<16xf32>, vector<16xf32>, vector<16xf32>)  : i32 {
      %parallel_loop3A_810 = arith.constant 0 : i32
      %parallel_loop3A_811 = arith.addi %parallel_loop3A_801, %parallel_loop3A_810 : i32
      %parallel_loop3A_812 = arith.index_cast %parallel_loop3A_811 : i32 to index
      %parallel_loop3A_813 = tpu.vector_load %arg9[%parallel_loop3A_812] {strides = array<i32>} : memref<10416xf32, #tpu.memory_space<vmem>>, vector<16xf32>,
      %parallel_loop3A_814 = arith.constant 0 : i32
      %parallel_loop3A_815 = arith.addi %parallel_loop3A_801, %parallel_loop3A_814 : i32
      %parallel_loop3A_816 = arith.index_cast %parallel_loop3A_815 : i32 to index
      %parallel_loop3A_817 = tpu.vector_load %arg11[%parallel_loop3A_816] {strides = array<i32>} : memref<10416xf32, #tpu.memory_space<vmem>>, vector<16xf32>,
      %parallel_loop3A_818 = arith.constant 0 : i32
      %parallel_loop3A_819 = arith.addi %parallel_loop3A_801, %parallel_loop3A_818 : i32
      %parallel_loop3A_820 = arith.index_cast %parallel_loop3A_819 : i32 to index
      %parallel_loop3A_821 = tpu.vector_load %arg10[%parallel_loop3A_820] {strides = array<i32>} : memref<10416xi32, #tpu.memory_space<vmem>>, vector<16xi32>,
      %parallel_loop3A_822 = arith.subf %parallel_loop3A_813, %parallel_loop3A_817 : vector<16xf32>
      %parallel_loop3A_823 = math.absf %parallel_loop3A_822 : vector<16xf32>
      %parallel_loop3A_824 = arith.constant 1.000000e+00 : f32
      %parallel_loop3A_825 = vector.broadcast %parallel_loop3A_824 : f32 to vector<16xf32>
      %parallel_loop3A_826 = arith.cmpf olt, %parallel_loop3A_823, %parallel_loop3A_825 : vector<16xf32>
      %parallel_loop3A_827 = arith.constant 5.000000e-01 : f32
      %parallel_loop3A_828 = vector.broadcast %parallel_loop3A_827 : f32 to vector<16xf32>
      %parallel_loop3A_829 = arith.mulf %parallel_loop3A_828, %parallel_loop3A_822 : vector<16xf32>
      %parallel_loop3A_830 = arith.mulf %parallel_loop3A_829, %parallel_loop3A_822 : vector<16xf32>
      %parallel_loop3A_831 = arith.constant 5.000000e-01 : f32
      %parallel_loop3A_832 = vector.broadcast %parallel_loop3A_831 : f32 to vector<16xf32>
      %parallel_loop3A_833 = arith.subf %parallel_loop3A_823, %parallel_loop3A_832 : vector<16xf32>
      %parallel_loop3A_834 = arith.select %parallel_loop3A_826, %parallel_loop3A_830, %parallel_loop3A_833 : vector<16xi1>, vector<16xf32>
      %parallel_loop3A_835 = math.absi %parallel_loop3A_821 : vector<16xi32>
      %parallel_loop3A_836 = arith.constant 1 : i32
      %parallel_loop3A_837 = vector.broadcast %parallel_loop3A_836 : i32 to vector<16xi32>
      %parallel_loop3A_838 = arith.cmpi eq, %parallel_loop3A_835, %parallel_loop3A_837 : vector<16xi32>
      %parallel_loop3A_839 = arith.constant 0.000000e+00 : f32
      %parallel_loop3A_840 = vector.broadcast %parallel_loop3A_839 : f32 to vector<16xf32>
      %parallel_loop3A_841 = arith.select %parallel_loop3A_838, %parallel_loop3A_834, %parallel_loop3A_840 : vector<16xi1>, vector<16xf32>
      %parallel_loop3A_842 = arith.constant 1.000000e+00 : f32
      %parallel_loop3A_843 = arith.constant 0.000000e+00 : f32
      %parallel_loop3A_844 = vector.broadcast %parallel_loop3A_842 : f32 to vector<16xf32>
      %parallel_loop3A_845 = vector.broadcast %parallel_loop3A_843 : f32 to vector<16xf32>
      %parallel_loop3A_846 = arith.select %parallel_loop3A_838, %parallel_loop3A_844, %parallel_loop3A_845 : vector<16xi1>, vector<16xf32>
      %parallel_loop3A_847 = arith.addf %parallel_loop3A_802, %parallel_loop3A_841 : vector<16xf32>
      %parallel_loop3A_848 = arith.addf %parallel_loop3A_806, %parallel_loop3A_846 : vector<16xf32>
      %parallel_loop3A_849 = arith.constant 16 : i32
      %parallel_loop3A_850 = arith.addi %parallel_loop3A_801, %parallel_loop3A_849 : i32
      %parallel_loop3A_851 = arith.index_cast %parallel_loop3A_850 : i32 to index
      %parallel_loop3A_852 = tpu.vector_load %arg9[%parallel_loop3A_851] {strides = array<i32>} : memref<10416xf32, #tpu.memory_space<vmem>>, vector<16xf32>,
      %parallel_loop3A_853 = arith.constant 16 : i32
      %parallel_loop3A_854 = arith.addi %parallel_loop3A_801, %parallel_loop3A_853 : i32
      %parallel_loop3A_855 = arith.index_cast %parallel_loop3A_854 : i32 to index
      %parallel_loop3A_856 = tpu.vector_load %arg11[%parallel_loop3A_855] {strides = array<i32>} : memref<10416xf32, #tpu.memory_space<vmem>>, vector<16xf32>,
      %parallel_loop3A_857 = arith.constant 16 : i32
      %parallel_loop3A_858 = arith.addi %parallel_loop3A_801, %parallel_loop3A_857 : i32
      %parallel_loop3A_859 = arith.index_cast %parallel_loop3A_858 : i32 to index
      %parallel_loop3A_860 = tpu.vector_load %arg10[%parallel_loop3A_859] {strides = array<i32>} : memref<10416xi32, #tpu.memory_space<vmem>>, vector<16xi32>,
      %parallel_loop3A_861 = arith.subf %parallel_loop3A_852, %parallel_loop3A_856 : vector<16xf32>
      %parallel_loop3A_862 = math.absf %parallel_loop3A_861 : vector<16xf32>
      %parallel_loop3A_863 = arith.constant 1.000000e+00 : f32
      %parallel_loop3A_864 = vector.broadcast %parallel_loop3A_863 : f32 to vector<16xf32>
      %parallel_loop3A_865 = arith.cmpf olt, %parallel_loop3A_862, %parallel_loop3A_864 : vector<16xf32>
      %parallel_loop3A_866 = arith.constant 5.000000e-01 : f32
      %parallel_loop3A_867 = vector.broadcast %parallel_loop3A_866 : f32 to vector<16xf32>
      %parallel_loop3A_868 = arith.mulf %parallel_loop3A_867, %parallel_loop3A_861 : vector<16xf32>
      %parallel_loop3A_869 = arith.mulf %parallel_loop3A_868, %parallel_loop3A_861 : vector<16xf32>
      %parallel_loop3A_870 = arith.constant 5.000000e-01 : f32
      %parallel_loop3A_871 = vector.broadcast %parallel_loop3A_870 : f32 to vector<16xf32>
      %parallel_loop3A_872 = arith.subf %parallel_loop3A_862, %parallel_loop3A_871 : vector<16xf32>
      %parallel_loop3A_873 = arith.select %parallel_loop3A_865, %parallel_loop3A_869, %parallel_loop3A_872 : vector<16xi1>, vector<16xf32>
      %parallel_loop3A_874 = math.absi %parallel_loop3A_860 : vector<16xi32>
      %parallel_loop3A_875 = arith.constant 1 : i32
      %parallel_loop3A_876 = vector.broadcast %parallel_loop3A_875 : i32 to vector<16xi32>
      %parallel_loop3A_877 = arith.cmpi eq, %parallel_loop3A_874, %parallel_loop3A_876 : vector<16xi32>
      %parallel_loop3A_878 = arith.constant 0.000000e+00 : f32
      %parallel_loop3A_879 = vector.broadcast %parallel_loop3A_878 : f32 to vector<16xf32>
      %parallel_loop3A_880 = arith.select %parallel_loop3A_877, %parallel_loop3A_873, %parallel_loop3A_879 : vector<16xi1>, vector<16xf32>
      %parallel_loop3A_881 = arith.constant 1.000000e+00 : f32
      %parallel_loop3A_882 = arith.constant 0.000000e+00 : f32
      %parallel_loop3A_883 = vector.broadcast %parallel_loop3A_881 : f32 to vector<16xf32>
      %parallel_loop3A_884 = vector.broadcast %parallel_loop3A_882 : f32 to vector<16xf32>
      %parallel_loop3A_885 = arith.select %parallel_loop3A_877, %parallel_loop3A_883, %parallel_loop3A_884 : vector<16xi1>, vector<16xf32>
      %parallel_loop3A_886 = arith.addf %parallel_loop3A_803, %parallel_loop3A_880 : vector<16xf32>
      %parallel_loop3A_887 = arith.addf %parallel_loop3A_807, %parallel_loop3A_885 : vector<16xf32>
      %parallel_loop3A_888 = arith.constant 32 : i32
      %parallel_loop3A_889 = arith.addi %parallel_loop3A_801, %parallel_loop3A_888 : i32
      %parallel_loop3A_890 = arith.index_cast %parallel_loop3A_889 : i32 to index
      %parallel_loop3A_891 = tpu.vector_load %arg9[%parallel_loop3A_890] {strides = array<i32>} : memref<10416xf32, #tpu.memory_space<vmem>>, vector<16xf32>,
      %parallel_loop3A_892 = arith.constant 32 : i32
      %parallel_loop3A_893 = arith.addi %parallel_loop3A_801, %parallel_loop3A_892 : i32
      %parallel_loop3A_894 = arith.index_cast %parallel_loop3A_893 : i32 to index
      %parallel_loop3A_895 = tpu.vector_load %arg11[%parallel_loop3A_894] {strides = array<i32>} : memref<10416xf32, #tpu.memory_space<vmem>>, vector<16xf32>,
      %parallel_loop3A_896 = arith.constant 32 : i32
      %parallel_loop3A_897 = arith.addi %parallel_loop3A_801, %parallel_loop3A_896 : i32
      %parallel_loop3A_898 = arith.index_cast %parallel_loop3A_897 : i32 to index
      %parallel_loop3A_899 = tpu.vector_load %arg10[%parallel_loop3A_898] {strides = array<i32>} : memref<10416xi32, #tpu.memory_space<vmem>>, vector<16xi32>,
      %parallel_loop3A_900 = arith.subf %parallel_loop3A_891, %parallel_loop3A_895 : vector<16xf32>
      %parallel_loop3A_901 = math.absf %parallel_loop3A_900 : vector<16xf32>
      %parallel_loop3A_902 = arith.constant 1.000000e+00 : f32
      %parallel_loop3A_903 = vector.broadcast %parallel_loop3A_902 : f32 to vector<16xf32>
      %parallel_loop3A_904 = arith.cmpf olt, %parallel_loop3A_901, %parallel_loop3A_903 : vector<16xf32>
      %parallel_loop3A_905 = arith.constant 5.000000e-01 : f32
      %parallel_loop3A_906 = vector.broadcast %parallel_loop3A_905 : f32 to vector<16xf32>
      %parallel_loop3A_907 = arith.mulf %parallel_loop3A_906, %parallel_loop3A_900 : vector<16xf32>
      %parallel_loop3A_908 = arith.mulf %parallel_loop3A_907, %parallel_loop3A_900 : vector<16xf32>
      %parallel_loop3A_909 = arith.constant 5.000000e-01 : f32
      %parallel_loop3A_910 = vector.broadcast %parallel_loop3A_909 : f32 to vector<16xf32>
      %parallel_loop3A_911 = arith.subf %parallel_loop3A_901, %parallel_loop3A_910 : vector<16xf32>
      %parallel_loop3A_912 = arith.select %parallel_loop3A_904, %parallel_loop3A_908, %parallel_loop3A_911 : vector<16xi1>, vector<16xf32>
      %parallel_loop3A_913 = math.absi %parallel_loop3A_899 : vector<16xi32>
      %parallel_loop3A_914 = arith.constant 1 : i32
      %parallel_loop3A_915 = vector.broadcast %parallel_loop3A_914 : i32 to vector<16xi32>
      %parallel_loop3A_916 = arith.cmpi eq, %parallel_loop3A_913, %parallel_loop3A_915 : vector<16xi32>
      %parallel_loop3A_917 = arith.constant 0.000000e+00 : f32
      %parallel_loop3A_918 = vector.broadcast %parallel_loop3A_917 : f32 to vector<16xf32>
      %parallel_loop3A_919 = arith.select %parallel_loop3A_916, %parallel_loop3A_912, %parallel_loop3A_918 : vector<16xi1>, vector<16xf32>
      %parallel_loop3A_920 = arith.constant 1.000000e+00 : f32
      %parallel_loop3A_921 = arith.constant 0.000000e+00 : f32
      %parallel_loop3A_922 = vector.broadcast %parallel_loop3A_920 : f32 to vector<16xf32>
      %parallel_loop3A_923 = vector.broadcast %parallel_loop3A_921 : f32 to vector<16xf32>
      %parallel_loop3A_924 = arith.select %parallel_loop3A_916, %parallel_loop3A_922, %parallel_loop3A_923 : vector<16xi1>, vector<16xf32>
      %parallel_loop3A_925 = arith.addf %parallel_loop3A_804, %parallel_loop3A_919 : vector<16xf32>
      %parallel_loop3A_926 = arith.addf %parallel_loop3A_808, %parallel_loop3A_924 : vector<16xf32>
      %parallel_loop3A_927 = arith.constant 48 : i32
      %parallel_loop3A_928 = arith.addi %parallel_loop3A_801, %parallel_loop3A_927 : i32
      %parallel_loop3A_929 = arith.index_cast %parallel_loop3A_928 : i32 to index
      %parallel_loop3A_930 = tpu.vector_load %arg9[%parallel_loop3A_929] {strides = array<i32>} : memref<10416xf32, #tpu.memory_space<vmem>>, vector<16xf32>,
      %parallel_loop3A_931 = arith.constant 48 : i32
      %parallel_loop3A_932 = arith.addi %parallel_loop3A_801, %parallel_loop3A_931 : i32
      %parallel_loop3A_933 = arith.index_cast %parallel_loop3A_932 : i32 to index
      %parallel_loop3A_934 = tpu.vector_load %arg11[%parallel_loop3A_933] {strides = array<i32>} : memref<10416xf32, #tpu.memory_space<vmem>>, vector<16xf32>,
      %parallel_loop3A_935 = arith.constant 48 : i32
      %parallel_loop3A_936 = arith.addi %parallel_loop3A_801, %parallel_loop3A_935 : i32
      %parallel_loop3A_937 = arith.index_cast %parallel_loop3A_936 : i32 to index
      %parallel_loop3A_938 = tpu.vector_load %arg10[%parallel_loop3A_937] {strides = array<i32>} : memref<10416xi32, #tpu.memory_space<vmem>>, vector<16xi32>,
      %parallel_loop3A_939 = arith.subf %parallel_loop3A_930, %parallel_loop3A_934 : vector<16xf32>
      %parallel_loop3A_940 = math.absf %parallel_loop3A_939 : vector<16xf32>
      %parallel_loop3A_941 = arith.constant 1.000000e+00 : f32
      %parallel_loop3A_942 = vector.broadcast %parallel_loop3A_941 : f32 to vector<16xf32>
      %parallel_loop3A_943 = arith.cmpf olt, %parallel_loop3A_940, %parallel_loop3A_942 : vector<16xf32>
      %parallel_loop3A_944 = arith.constant 5.000000e-01 : f32
      %parallel_loop3A_945 = vector.broadcast %parallel_loop3A_944 : f32 to vector<16xf32>
      %parallel_loop3A_946 = arith.mulf %parallel_loop3A_945, %parallel_loop3A_939 : vector<16xf32>
      %parallel_loop3A_947 = arith.mulf %parallel_loop3A_946, %parallel_loop3A_939 : vector<16xf32>
      %parallel_loop3A_948 = arith.constant 5.000000e-01 : f32
      %parallel_loop3A_949 = vector.broadcast %parallel_loop3A_948 : f32 to vector<16xf32>
      %parallel_loop3A_950 = arith.subf %parallel_loop3A_940, %parallel_loop3A_949 : vector<16xf32>
      %parallel_loop3A_951 = arith.select %parallel_loop3A_943, %parallel_loop3A_947, %parallel_loop3A_950 : vector<16xi1>, vector<16xf32>
      %parallel_loop3A_952 = math.absi %parallel_loop3A_938 : vector<16xi32>
      %parallel_loop3A_953 = arith.constant 1 : i32
      %parallel_loop3A_954 = vector.broadcast %parallel_loop3A_953 : i32 to vector<16xi32>
      %parallel_loop3A_955 = arith.cmpi eq, %parallel_loop3A_952, %parallel_loop3A_954 : vector<16xi32>
      %parallel_loop3A_956 = arith.constant 0.000000e+00 : f32
      %parallel_loop3A_957 = vector.broadcast %parallel_loop3A_956 : f32 to vector<16xf32>
      %parallel_loop3A_958 = arith.select %parallel_loop3A_955, %parallel_loop3A_951, %parallel_loop3A_957 : vector<16xi1>, vector<16xf32>
      %parallel_loop3A_959 = arith.constant 1.000000e+00 : f32
      %parallel_loop3A_960 = arith.constant 0.000000e+00 : f32
      %parallel_loop3A_961 = vector.broadcast %parallel_loop3A_959 : f32 to vector<16xf32>
      %parallel_loop3A_962 = vector.broadcast %parallel_loop3A_960 : f32 to vector<16xf32>
      %parallel_loop3A_963 = arith.select %parallel_loop3A_955, %parallel_loop3A_961, %parallel_loop3A_962 : vector<16xi1>, vector<16xf32>
      %parallel_loop3A_964 = arith.addf %parallel_loop3A_805, %parallel_loop3A_958 : vector<16xf32>
      %parallel_loop3A_965 = arith.addf %parallel_loop3A_809, %parallel_loop3A_963 : vector<16xf32>
      scf.yield %parallel_loop3A_847, %parallel_loop3A_886, %parallel_loop3A_925, %parallel_loop3A_964, %parallel_loop3A_848, %parallel_loop3A_887, %parallel_loop3A_926, %parallel_loop3A_965 : vector<16xf32>, vector<16xf32>, vector<16xf32>, vector<16xf32>, vector<16xf32>, vector<16xf32>, vector<16xf32>, vector<16xf32>
    } {sc.loop_unroll_factor = 2 : i64, sc.parallel_access}
    %get3A_169 = arith.constant 10368 : index
    %get3A_170 = tpu.vector_load %arg9[%get3A_169] {strides = array<i32>} : memref<10416xf32, #tpu.memory_space<vmem>>, vector<16xf32>,
    %get3A_171 = arith.constant 10368 : index
    %get3A_172 = tpu.vector_load %arg11[%get3A_171] {strides = array<i32>} : memref<10416xf32, #tpu.memory_space<vmem>>, vector<16xf32>,
    %get3A_173 = arith.constant 10368 : index
    %get3A_174 = tpu.vector_load %arg10[%get3A_173] {strides = array<i32>} : memref<10416xi32, #tpu.memory_space<vmem>>, vector<16xi32>,
    %sub3A_175 = arith.subf %get3A_170, %get3A_172 : vector<16xf32>
    %abs3A_176 = math.absf %sub3A_175 : vector<16xf32>
    %lt3A_177 = arith.constant 1.000000e+00 : f32
    %lt3A_178 = vector.broadcast %lt3A_177 : f32 to vector<16xf32>
    %lt3A_179 = arith.cmpf olt, %abs3A_176, %lt3A_178 : vector<16xf32>
    %mul3A_180 = arith.constant 5.000000e-01 : f32
    %mul3A_181 = vector.broadcast %mul3A_180 : f32 to vector<16xf32>
    %mul3A_182 = arith.mulf %mul3A_181, %sub3A_175 : vector<16xf32>
    %mul3A_183 = arith.mulf %mul3A_182, %sub3A_175 : vector<16xf32>
    %sub3A_184 = arith.constant 5.000000e-01 : f32
    %sub3A_185 = vector.broadcast %sub3A_184 : f32 to vector<16xf32>
    %sub3A_186 = arith.subf %abs3A_176, %sub3A_185 : vector<16xf32>
    %select_n3A_187 = arith.select %lt3A_179, %mul3A_183, %sub3A_186 : vector<16xi1>, vector<16xf32>
    %abs3A_188 = math.absi %get3A_174 : vector<16xi32>
    %eq3A_189 = arith.constant 1 : i32
    %eq3A_190 = vector.broadcast %eq3A_189 : i32 to vector<16xi32>
    %eq3A_191 = arith.cmpi eq, %abs3A_188, %eq3A_190 : vector<16xi32>
    %jit3A_192 = arith.constant 0.000000e+00 : f32
    %broadcast_in_dim3A_193 = vector.broadcast %jit3A_192 : f32 to vector<16xf32>
    %select_n3A_194 = arith.select %eq3A_191, %select_n3A_187, %broadcast_in_dim3A_193 : vector<16xi1>, vector<16xf32>
    %jit3A_195 = arith.constant 1.000000e+00 : f32
    %jit3A_196 = arith.constant 0.000000e+00 : f32
    %broadcast_in_dim3A_197 = vector.broadcast %jit3A_195 : f32 to vector<16xf32>
    %broadcast_in_dim3A_198 = vector.broadcast %jit3A_196 : f32 to vector<16xf32>
    %select_n3A_199 = arith.select %eq3A_191, %broadcast_in_dim3A_197, %broadcast_in_dim3A_198 : vector<16xi1>, vector<16xf32>
    %add3A_200 = arith.addf %parallel_loop3A_168#0, %select_n3A_194 : vector<16xf32>
    %add3A_201 = arith.addf %parallel_loop3A_168#4, %select_n3A_199 : vector<16xf32>
    %get3A_202 = arith.constant 10384 : index
    %get3A_203 = tpu.vector_load %arg9[%get3A_202] {strides = array<i32>} : memref<10416xf32, #tpu.memory_space<vmem>>, vector<16xf32>,
    %get3A_204 = arith.constant 10384 : index
    %get3A_205 = tpu.vector_load %arg11[%get3A_204] {strides = array<i32>} : memref<10416xf32, #tpu.memory_space<vmem>>, vector<16xf32>,
    %get3A_206 = arith.constant 10384 : index
    %get3A_207 = tpu.vector_load %arg10[%get3A_206] {strides = array<i32>} : memref<10416xi32, #tpu.memory_space<vmem>>, vector<16xi32>,
    %sub3A_208 = arith.subf %get3A_203, %get3A_205 : vector<16xf32>
    %abs3A_209 = math.absf %sub3A_208 : vector<16xf32>
    %lt3A_210 = arith.constant 1.000000e+00 : f32
    %lt3A_211 = vector.broadcast %lt3A_210 : f32 to vector<16xf32>
    %lt3A_212 = arith.cmpf olt, %abs3A_209, %lt3A_211 : vector<16xf32>
    %mul3A_213 = arith.constant 5.000000e-01 : f32
    %mul3A_214 = vector.broadcast %mul3A_213 : f32 to vector<16xf32>
    %mul3A_215 = arith.mulf %mul3A_214, %sub3A_208 : vector<16xf32>
    %mul3A_216 = arith.mulf %mul3A_215, %sub3A_208 : vector<16xf32>
    %sub3A_217 = arith.constant 5.000000e-01 : f32
    %sub3A_218 = vector.broadcast %sub3A_217 : f32 to vector<16xf32>
    %sub3A_219 = arith.subf %abs3A_209, %sub3A_218 : vector<16xf32>
    %select_n3A_220 = arith.select %lt3A_212, %mul3A_216, %sub3A_219 : vector<16xi1>, vector<16xf32>
    %abs3A_221 = math.absi %get3A_207 : vector<16xi32>
    %eq3A_222 = arith.constant 1 : i32
    %eq3A_223 = vector.broadcast %eq3A_222 : i32 to vector<16xi32>
    %eq3A_224 = arith.cmpi eq, %abs3A_221, %eq3A_223 : vector<16xi32>
    %jit3A_225 = arith.constant 0.000000e+00 : f32
    %broadcast_in_dim3A_226 = vector.broadcast %jit3A_225 : f32 to vector<16xf32>
    %select_n3A_227 = arith.select %eq3A_224, %select_n3A_220, %broadcast_in_dim3A_226 : vector<16xi1>, vector<16xf32>
    %jit3A_228 = arith.constant 1.000000e+00 : f32
    %jit3A_229 = arith.constant 0.000000e+00 : f32
    %broadcast_in_dim3A_230 = vector.broadcast %jit3A_228 : f32 to vector<16xf32>
    %broadcast_in_dim3A_231 = vector.broadcast %jit3A_229 : f32 to vector<16xf32>
    %select_n3A_232 = arith.select %eq3A_224, %broadcast_in_dim3A_230, %broadcast_in_dim3A_231 : vector<16xi1>, vector<16xf32>
    %add3A_233 = arith.addf %add3A_200, %select_n3A_227 : vector<16xf32>
    %add3A_234 = arith.addf %add3A_201, %select_n3A_232 : vector<16xf32>
    %get3A_235 = arith.constant 10400 : index
    %get3A_236 = tpu.vector_load %arg9[%get3A_235] {strides = array<i32>} : memref<10416xf32, #tpu.memory_space<vmem>>, vector<16xf32>,
    %get3A_237 = arith.constant 10400 : index
    %get3A_238 = tpu.vector_load %arg11[%get3A_237] {strides = array<i32>} : memref<10416xf32, #tpu.memory_space<vmem>>, vector<16xf32>,
    %get3A_239 = arith.constant 10400 : index
    %get3A_240 = tpu.vector_load %arg10[%get3A_239] {strides = array<i32>} : memref<10416xi32, #tpu.memory_space<vmem>>, vector<16xi32>,
    %sub3A_241 = arith.subf %get3A_236, %get3A_238 : vector<16xf32>
    %abs3A_242 = math.absf %sub3A_241 : vector<16xf32>
    %lt3A_243 = arith.constant 1.000000e+00 : f32
    %lt3A_244 = vector.broadcast %lt3A_243 : f32 to vector<16xf32>
    %lt3A_245 = arith.cmpf olt, %abs3A_242, %lt3A_244 : vector<16xf32>
    %mul3A_246 = arith.constant 5.000000e-01 : f32
    %mul3A_247 = vector.broadcast %mul3A_246 : f32 to vector<16xf32>
    %mul3A_248 = arith.mulf %mul3A_247, %sub3A_241 : vector<16xf32>
    %mul3A_249 = arith.mulf %mul3A_248, %sub3A_241 : vector<16xf32>
    %sub3A_250 = arith.constant 5.000000e-01 : f32
    %sub3A_251 = vector.broadcast %sub3A_250 : f32 to vector<16xf32>
    %sub3A_252 = arith.subf %abs3A_242, %sub3A_251 : vector<16xf32>
    %select_n3A_253 = arith.select %lt3A_245, %mul3A_249, %sub3A_252 : vector<16xi1>, vector<16xf32>
    %abs3A_254 = math.absi %get3A_240 : vector<16xi32>
    %eq3A_255 = arith.constant 1 : i32
    %eq3A_256 = vector.broadcast %eq3A_255 : i32 to vector<16xi32>
    %eq3A_257 = arith.cmpi eq, %abs3A_254, %eq3A_256 : vector<16xi32>
    %jit3A_258 = arith.constant 0.000000e+00 : f32
    %broadcast_in_dim3A_259 = vector.broadcast %jit3A_258 : f32 to vector<16xf32>
    %select_n3A_260 = arith.select %eq3A_257, %select_n3A_253, %broadcast_in_dim3A_259 : vector<16xi1>, vector<16xf32>
    %jit3A_261 = arith.constant 1.000000e+00 : f32
    %jit3A_262 = arith.constant 0.000000e+00 : f32
    %broadcast_in_dim3A_263 = vector.broadcast %jit3A_261 : f32 to vector<16xf32>
    %broadcast_in_dim3A_264 = vector.broadcast %jit3A_262 : f32 to vector<16xf32>
    %select_n3A_265 = arith.select %eq3A_257, %broadcast_in_dim3A_263, %broadcast_in_dim3A_264 : vector<16xi1>, vector<16xf32>
    %add3A_266 = arith.addf %add3A_233, %select_n3A_260 : vector<16xf32>
    %add3A_267 = arith.addf %add3A_234, %select_n3A_265 : vector<16xf32>
    %add3A_268 = arith.constant 31248 : i32
    %add3A_269 = arith.addi %mul3A_2, %add3A_268 : i32
    %dma_start3A_270 = arith.constant 0 : i32
    %dma_start3A_271 = arith.constant 0 : i32
    %dma_start3A_272 = tpu.memref_slice %arg2[%dma_start3A_270, %dma_start3A_271, %add3A_269] : memref<1x1x1000000xf32, #tpu.memory_space<hbm>> -> memref<1x1x10416xf32, #tpu.memory_space<hbm>>
    %dma_start3A_273 = tpu.memref_squeeze %dma_start3A_272 : memref<1x1x10416xf32, #tpu.memory_space<hbm>> -> memref<10416xf32, #tpu.memory_space<hbm>>
    %dma_start3A_274 = tpu.memref_slice %arg2[%dma_start3A_270, %dma_start3A_271, %add3A_269] : memref<1x1x1000000xf32, #tpu.memory_space<hbm>> -> memref<1x1x10416xf32, #tpu.memory_space<hbm>>
    %dma_start3A_275 = tpu.memref_squeeze %dma_start3A_274 : memref<1x1x10416xf32, #tpu.memory_space<hbm>> -> memref<10416xf32, #tpu.memory_space<hbm>>
    tpu.enqueue_dma source(%dma_start3A_275 : memref<10416xf32, #tpu.memory_space<hbm>>) target(%arg9 : memref<10416xf32, #tpu.memory_space<vmem>>) target_semaphore(%arg17 : memref<!tpu.dma_semaphore, #tpu.memory_space<semaphore_mem>>)
    %dma_start3A_276 = tpu.memref_slice %arg3[%add3A_269] : memref<1000000xi32, #tpu.memory_space<hbm>> -> memref<10416xi32, #tpu.memory_space<hbm>>
    %dma_start3A_277 = tpu.memref_slice %arg3[%add3A_269] : memref<1000000xi32, #tpu.memory_space<hbm>> -> memref<10416xi32, #tpu.memory_space<hbm>>
    tpu.enqueue_dma source(%dma_start3A_277 : memref<10416xi32, #tpu.memory_space<hbm>>) target(%arg10 : memref<10416xi32, #tpu.memory_space<vmem>>) target_semaphore(%arg17 : memref<!tpu.dma_semaphore, #tpu.memory_space<semaphore_mem>>)
    %dma_start3A_278 = tpu.memref_slice %arg4[%add3A_269] : memref<1000000xf32, #tpu.memory_space<hbm>> -> memref<10416xf32, #tpu.memory_space<hbm>>
    %dma_start3A_279 = tpu.memref_slice %arg4[%add3A_269] : memref<1000000xf32, #tpu.memory_space<hbm>> -> memref<10416xf32, #tpu.memory_space<hbm>>
    tpu.enqueue_dma source(%dma_start3A_279 : memref<10416xf32, #tpu.memory_space<hbm>>) target(%arg11 : memref<10416xf32, #tpu.memory_space<vmem>>) target_semaphore(%arg17 : memref<!tpu.dma_semaphore, #tpu.memory_space<semaphore_mem>>)
    %dma_wait3A_280 = arith.constant 0 : i32
    %dma_wait3A_281 = arith.constant 0 : i32
    %dma_wait3A_282 = arith.constant 0 : i32
    %dma_wait3A_283 = tpu.memref_slice %arg2[%dma_wait3A_280, %dma_wait3A_281, %dma_wait3A_282] : memref<1x1x1000000xf32, #tpu.memory_space<hbm>> -> memref<1x1x10416xf32, #tpu.memory_space<hbm>>
    %dma_wait3A_284 = tpu.memref_squeeze %dma_wait3A_283 : memref<1x1x10416xf32, #tpu.memory_space<hbm>> -> memref<10416xf32, #tpu.memory_space<hbm>>
    %dma_wait3A_285 = arith.constant 0 : i32
    %dma_wait3A_286 = tpu.memref_slice %arg2[%dma_wait3A_280, %dma_wait3A_281, %dma_wait3A_285] : memref<1x1x1000000xf32, #tpu.memory_space<hbm>> -> memref<1x1x10416xf32, #tpu.memory_space<hbm>>
    %dma_wait3A_287 = tpu.memref_squeeze %dma_wait3A_286 : memref<1x1x10416xf32, #tpu.memory_space<hbm>> -> memref<10416xf32, #tpu.memory_space<hbm>>
    tpu.wait_dma2 semaphore(%arg16 : memref<!tpu.dma_semaphore, #tpu.memory_space<semaphore_mem>>) src(%dma_wait3A_287 : memref<10416xf32, #tpu.memory_space<hbm>>) dst(%arg6 : memref<10416xf32, #tpu.memory_space<vmem>>)
    %dma_wait3A_288 = arith.constant 0 : i32
    %dma_wait3A_289 = tpu.memref_slice %arg3[%dma_wait3A_288] : memref<1000000xi32, #tpu.memory_space<hbm>> -> memref<10416xi32, #tpu.memory_space<hbm>>
    %dma_wait3A_290 = arith.constant 0 : i32
    %dma_wait3A_291 = tpu.memref_slice %arg3[%dma_wait3A_290] : memref<1000000xi32, #tpu.memory_space<hbm>> -> memref<10416xi32, #tpu.memory_space<hbm>>
    tpu.wait_dma2 semaphore(%arg16 : memref<!tpu.dma_semaphore, #tpu.memory_space<semaphore_mem>>) src(%dma_wait3A_291 : memref<10416xi32, #tpu.memory_space<hbm>>) dst(%arg7 : memref<10416xi32, #tpu.memory_space<vmem>>)
    %dma_wait3A_292 = arith.constant 0 : i32
    %dma_wait3A_293 = tpu.memref_slice %arg4[%dma_wait3A_292] : memref<1000000xf32, #tpu.memory_space<hbm>> -> memref<10416xf32, #tpu.memory_space<hbm>>
    %dma_wait3A_294 = arith.constant 0 : i32
    %dma_wait3A_295 = tpu.memref_slice %arg4[%dma_wait3A_294] : memref<1000000xf32, #tpu.memory_space<hbm>> -> memref<10416xf32, #tpu.memory_space<hbm>>
    tpu.wait_dma2 semaphore(%arg16 : memref<!tpu.dma_semaphore, #tpu.memory_space<semaphore_mem>>) src(%dma_wait3A_295 : memref<10416xf32, #tpu.memory_space<hbm>>) dst(%arg8 : memref<10416xf32, #tpu.memory_space<vmem>>)
    %parallel_loop3A_296 = arith.constant 0 : i32
    %parallel_loop3A_297 = arith.constant 10368 : i32
    %parallel_loop3A_298 = arith.constant 64 : i32
    %parallel_loop3A_299:8 = scf.for %parallel_loop3A_801 = %parallel_loop3A_296 to %parallel_loop3A_297 step %parallel_loop3A_298 iter_args(%parallel_loop3A_802 = %add3A_266, %parallel_loop3A_803 = %parallel_loop3A_168#1, %parallel_loop3A_804 = %parallel_loop3A_168#2, %parallel_loop3A_805 = %parallel_loop3A_168#3, %parallel_loop3A_806 = %add3A_267, %parallel_loop3A_807 = %parallel_loop3A_168#5, %parallel_loop3A_808 = %parallel_loop3A_168#6, %parallel_loop3A_809 = %parallel_loop3A_168#7) -> (vector<16xf32>, vector<16xf32>, vector<16xf32>, vector<16xf32>, vector<16xf32>, vector<16xf32>, vector<16xf32>, vector<16xf32>)  : i32 {
      %parallel_loop3A_810 = arith.constant 0 : i32
      %parallel_loop3A_811 = arith.addi %parallel_loop3A_801, %parallel_loop3A_810 : i32
      %parallel_loop3A_812 = arith.index_cast %parallel_loop3A_811 : i32 to index
      %parallel_loop3A_813 = tpu.vector_load %arg6[%parallel_loop3A_812] {strides = array<i32>} : memref<10416xf32, #tpu.memory_space<vmem>>, vector<16xf32>,
      %parallel_loop3A_814 = arith.constant 0 : i32
      %parallel_loop3A_815 = arith.addi %parallel_loop3A_801, %parallel_loop3A_814 : i32
      %parallel_loop3A_816 = arith.index_cast %parallel_loop3A_815 : i32 to index
      %parallel_loop3A_817 = tpu.vector_load %arg8[%parallel_loop3A_816] {strides = array<i32>} : memref<10416xf32, #tpu.memory_space<vmem>>, vector<16xf32>,
      %parallel_loop3A_818 = arith.constant 0 : i32
      %parallel_loop3A_819 = arith.addi %parallel_loop3A_801, %parallel_loop3A_818 : i32
      %parallel_loop3A_820 = arith.index_cast %parallel_loop3A_819 : i32 to index
      %parallel_loop3A_821 = tpu.vector_load %arg7[%parallel_loop3A_820] {strides = array<i32>} : memref<10416xi32, #tpu.memory_space<vmem>>, vector<16xi32>,
      %parallel_loop3A_822 = arith.subf %parallel_loop3A_813, %parallel_loop3A_817 : vector<16xf32>
      %parallel_loop3A_823 = math.absf %parallel_loop3A_822 : vector<16xf32>
      %parallel_loop3A_824 = arith.constant 1.000000e+00 : f32
      %parallel_loop3A_825 = vector.broadcast %parallel_loop3A_824 : f32 to vector<16xf32>
      %parallel_loop3A_826 = arith.cmpf olt, %parallel_loop3A_823, %parallel_loop3A_825 : vector<16xf32>
      %parallel_loop3A_827 = arith.constant 5.000000e-01 : f32
      %parallel_loop3A_828 = vector.broadcast %parallel_loop3A_827 : f32 to vector<16xf32>
      %parallel_loop3A_829 = arith.mulf %parallel_loop3A_828, %parallel_loop3A_822 : vector<16xf32>
      %parallel_loop3A_830 = arith.mulf %parallel_loop3A_829, %parallel_loop3A_822 : vector<16xf32>
      %parallel_loop3A_831 = arith.constant 5.000000e-01 : f32
      %parallel_loop3A_832 = vector.broadcast %parallel_loop3A_831 : f32 to vector<16xf32>
      %parallel_loop3A_833 = arith.subf %parallel_loop3A_823, %parallel_loop3A_832 : vector<16xf32>
      %parallel_loop3A_834 = arith.select %parallel_loop3A_826, %parallel_loop3A_830, %parallel_loop3A_833 : vector<16xi1>, vector<16xf32>
      %parallel_loop3A_835 = math.absi %parallel_loop3A_821 : vector<16xi32>
      %parallel_loop3A_836 = arith.constant 1 : i32
      %parallel_loop3A_837 = vector.broadcast %parallel_loop3A_836 : i32 to vector<16xi32>
      %parallel_loop3A_838 = arith.cmpi eq, %parallel_loop3A_835, %parallel_loop3A_837 : vector<16xi32>
      %parallel_loop3A_839 = arith.constant 0.000000e+00 : f32
      %parallel_loop3A_840 = vector.broadcast %parallel_loop3A_839 : f32 to vector<16xf32>
      %parallel_loop3A_841 = arith.select %parallel_loop3A_838, %parallel_loop3A_834, %parallel_loop3A_840 : vector<16xi1>, vector<16xf32>
      %parallel_loop3A_842 = arith.constant 1.000000e+00 : f32
      %parallel_loop3A_843 = arith.constant 0.000000e+00 : f32
      %parallel_loop3A_844 = vector.broadcast %parallel_loop3A_842 : f32 to vector<16xf32>
      %parallel_loop3A_845 = vector.broadcast %parallel_loop3A_843 : f32 to vector<16xf32>
      %parallel_loop3A_846 = arith.select %parallel_loop3A_838, %parallel_loop3A_844, %parallel_loop3A_845 : vector<16xi1>, vector<16xf32>
      %parallel_loop3A_847 = arith.addf %parallel_loop3A_802, %parallel_loop3A_841 : vector<16xf32>
      %parallel_loop3A_848 = arith.addf %parallel_loop3A_806, %parallel_loop3A_846 : vector<16xf32>
      %parallel_loop3A_849 = arith.constant 16 : i32
      %parallel_loop3A_850 = arith.addi %parallel_loop3A_801, %parallel_loop3A_849 : i32
      %parallel_loop3A_851 = arith.index_cast %parallel_loop3A_850 : i32 to index
      %parallel_loop3A_852 = tpu.vector_load %arg6[%parallel_loop3A_851] {strides = array<i32>} : memref<10416xf32, #tpu.memory_space<vmem>>, vector<16xf32>,
      %parallel_loop3A_853 = arith.constant 16 : i32
      %parallel_loop3A_854 = arith.addi %parallel_loop3A_801, %parallel_loop3A_853 : i32
      %parallel_loop3A_855 = arith.index_cast %parallel_loop3A_854 : i32 to index
      %parallel_loop3A_856 = tpu.vector_load %arg8[%parallel_loop3A_855] {strides = array<i32>} : memref<10416xf32, #tpu.memory_space<vmem>>, vector<16xf32>,
      %parallel_loop3A_857 = arith.constant 16 : i32
      %parallel_loop3A_858 = arith.addi %parallel_loop3A_801, %parallel_loop3A_857 : i32
      %parallel_loop3A_859 = arith.index_cast %parallel_loop3A_858 : i32 to index
      %parallel_loop3A_860 = tpu.vector_load %arg7[%parallel_loop3A_859] {strides = array<i32>} : memref<10416xi32, #tpu.memory_space<vmem>>, vector<16xi32>,
      %parallel_loop3A_861 = arith.subf %parallel_loop3A_852, %parallel_loop3A_856 : vector<16xf32>
      %parallel_loop3A_862 = math.absf %parallel_loop3A_861 : vector<16xf32>
      %parallel_loop3A_863 = arith.constant 1.000000e+00 : f32
      %parallel_loop3A_864 = vector.broadcast %parallel_loop3A_863 : f32 to vector<16xf32>
      %parallel_loop3A_865 = arith.cmpf olt, %parallel_loop3A_862, %parallel_loop3A_864 : vector<16xf32>
      %parallel_loop3A_866 = arith.constant 5.000000e-01 : f32
      %parallel_loop3A_867 = vector.broadcast %parallel_loop3A_866 : f32 to vector<16xf32>
      %parallel_loop3A_868 = arith.mulf %parallel_loop3A_867, %parallel_loop3A_861 : vector<16xf32>
      %parallel_loop3A_869 = arith.mulf %parallel_loop3A_868, %parallel_loop3A_861 : vector<16xf32>
      %parallel_loop3A_870 = arith.constant 5.000000e-01 : f32
      %parallel_loop3A_871 = vector.broadcast %parallel_loop3A_870 : f32 to vector<16xf32>
      %parallel_loop3A_872 = arith.subf %parallel_loop3A_862, %parallel_loop3A_871 : vector<16xf32>
      %parallel_loop3A_873 = arith.select %parallel_loop3A_865, %parallel_loop3A_869, %parallel_loop3A_872 : vector<16xi1>, vector<16xf32>
      %parallel_loop3A_874 = math.absi %parallel_loop3A_860 : vector<16xi32>
      %parallel_loop3A_875 = arith.constant 1 : i32
      %parallel_loop3A_876 = vector.broadcast %parallel_loop3A_875 : i32 to vector<16xi32>
      %parallel_loop3A_877 = arith.cmpi eq, %parallel_loop3A_874, %parallel_loop3A_876 : vector<16xi32>
      %parallel_loop3A_878 = arith.constant 0.000000e+00 : f32
      %parallel_loop3A_879 = vector.broadcast %parallel_loop3A_878 : f32 to vector<16xf32>
      %parallel_loop3A_880 = arith.select %parallel_loop3A_877, %parallel_loop3A_873, %parallel_loop3A_879 : vector<16xi1>, vector<16xf32>
      %parallel_loop3A_881 = arith.constant 1.000000e+00 : f32
      %parallel_loop3A_882 = arith.constant 0.000000e+00 : f32
      %parallel_loop3A_883 = vector.broadcast %parallel_loop3A_881 : f32 to vector<16xf32>
      %parallel_loop3A_884 = vector.broadcast %parallel_loop3A_882 : f32 to vector<16xf32>
      %parallel_loop3A_885 = arith.select %parallel_loop3A_877, %parallel_loop3A_883, %parallel_loop3A_884 : vector<16xi1>, vector<16xf32>
      %parallel_loop3A_886 = arith.addf %parallel_loop3A_803, %parallel_loop3A_880 : vector<16xf32>
      %parallel_loop3A_887 = arith.addf %parallel_loop3A_807, %parallel_loop3A_885 : vector<16xf32>
      %parallel_loop3A_888 = arith.constant 32 : i32
      %parallel_loop3A_889 = arith.addi %parallel_loop3A_801, %parallel_loop3A_888 : i32
      %parallel_loop3A_890 = arith.index_cast %parallel_loop3A_889 : i32 to index
      %parallel_loop3A_891 = tpu.vector_load %arg6[%parallel_loop3A_890] {strides = array<i32>} : memref<10416xf32, #tpu.memory_space<vmem>>, vector<16xf32>,
      %parallel_loop3A_892 = arith.constant 32 : i32
      %parallel_loop3A_893 = arith.addi %parallel_loop3A_801, %parallel_loop3A_892 : i32
      %parallel_loop3A_894 = arith.index_cast %parallel_loop3A_893 : i32 to index
      %parallel_loop3A_895 = tpu.vector_load %arg8[%parallel_loop3A_894] {strides = array<i32>} : memref<10416xf32, #tpu.memory_space<vmem>>, vector<16xf32>,
      %parallel_loop3A_896 = arith.constant 32 : i32
      %parallel_loop3A_897 = arith.addi %parallel_loop3A_801, %parallel_loop3A_896 : i32
      %parallel_loop3A_898 = arith.index_cast %parallel_loop3A_897 : i32 to index
      %parallel_loop3A_899 = tpu.vector_load %arg7[%parallel_loop3A_898] {strides = array<i32>} : memref<10416xi32, #tpu.memory_space<vmem>>, vector<16xi32>,
      %parallel_loop3A_900 = arith.subf %parallel_loop3A_891, %parallel_loop3A_895 : vector<16xf32>
      %parallel_loop3A_901 = math.absf %parallel_loop3A_900 : vector<16xf32>
      %parallel_loop3A_902 = arith.constant 1.000000e+00 : f32
      %parallel_loop3A_903 = vector.broadcast %parallel_loop3A_902 : f32 to vector<16xf32>
      %parallel_loop3A_904 = arith.cmpf olt, %parallel_loop3A_901, %parallel_loop3A_903 : vector<16xf32>
      %parallel_loop3A_905 = arith.constant 5.000000e-01 : f32
      %parallel_loop3A_906 = vector.broadcast %parallel_loop3A_905 : f32 to vector<16xf32>
      %parallel_loop3A_907 = arith.mulf %parallel_loop3A_906, %parallel_loop3A_900 : vector<16xf32>
      %parallel_loop3A_908 = arith.mulf %parallel_loop3A_907, %parallel_loop3A_900 : vector<16xf32>
      %parallel_loop3A_909 = arith.constant 5.000000e-01 : f32
      %parallel_loop3A_910 = vector.broadcast %parallel_loop3A_909 : f32 to vector<16xf32>
      %parallel_loop3A_911 = arith.subf %parallel_loop3A_901, %parallel_loop3A_910 : vector<16xf32>
      %parallel_loop3A_912 = arith.select %parallel_loop3A_904, %parallel_loop3A_908, %parallel_loop3A_911 : vector<16xi1>, vector<16xf32>
      %parallel_loop3A_913 = math.absi %parallel_loop3A_899 : vector<16xi32>
      %parallel_loop3A_914 = arith.constant 1 : i32
      %parallel_loop3A_915 = vector.broadcast %parallel_loop3A_914 : i32 to vector<16xi32>
      %parallel_loop3A_916 = arith.cmpi eq, %parallel_loop3A_913, %parallel_loop3A_915 : vector<16xi32>
      %parallel_loop3A_917 = arith.constant 0.000000e+00 : f32
      %parallel_loop3A_918 = vector.broadcast %parallel_loop3A_917 : f32 to vector<16xf32>
      %parallel_loop3A_919 = arith.select %parallel_loop3A_916, %parallel_loop3A_912, %parallel_loop3A_918 : vector<16xi1>, vector<16xf32>
      %parallel_loop3A_920 = arith.constant 1.000000e+00 : f32
      %parallel_loop3A_921 = arith.constant 0.000000e+00 : f32
      %parallel_loop3A_922 = vector.broadcast %parallel_loop3A_920 : f32 to vector<16xf32>
      %parallel_loop3A_923 = vector.broadcast %parallel_loop3A_921 : f32 to vector<16xf32>
      %parallel_loop3A_924 = arith.select %parallel_loop3A_916, %parallel_loop3A_922, %parallel_loop3A_923 : vector<16xi1>, vector<16xf32>
      %parallel_loop3A_925 = arith.addf %parallel_loop3A_804, %parallel_loop3A_919 : vector<16xf32>
      %parallel_loop3A_926 = arith.addf %parallel_loop3A_808, %parallel_loop3A_924 : vector<16xf32>
      %parallel_loop3A_927 = arith.constant 48 : i32
      %parallel_loop3A_928 = arith.addi %parallel_loop3A_801, %parallel_loop3A_927 : i32
      %parallel_loop3A_929 = arith.index_cast %parallel_loop3A_928 : i32 to index
      %parallel_loop3A_930 = tpu.vector_load %arg6[%parallel_loop3A_929] {strides = array<i32>} : memref<10416xf32, #tpu.memory_space<vmem>>, vector<16xf32>,
      %parallel_loop3A_931 = arith.constant 48 : i32
      %parallel_loop3A_932 = arith.addi %parallel_loop3A_801, %parallel_loop3A_931 : i32
      %parallel_loop3A_933 = arith.index_cast %parallel_loop3A_932 : i32 to index
      %parallel_loop3A_934 = tpu.vector_load %arg8[%parallel_loop3A_933] {strides = array<i32>} : memref<10416xf32, #tpu.memory_space<vmem>>, vector<16xf32>,
      %parallel_loop3A_935 = arith.constant 48 : i32
      %parallel_loop3A_936 = arith.addi %parallel_loop3A_801, %parallel_loop3A_935 : i32
      %parallel_loop3A_937 = arith.index_cast %parallel_loop3A_936 : i32 to index
      %parallel_loop3A_938 = tpu.vector_load %arg7[%parallel_loop3A_937] {strides = array<i32>} : memref<10416xi32, #tpu.memory_space<vmem>>, vector<16xi32>,
      %parallel_loop3A_939 = arith.subf %parallel_loop3A_930, %parallel_loop3A_934 : vector<16xf32>
      %parallel_loop3A_940 = math.absf %parallel_loop3A_939 : vector<16xf32>
      %parallel_loop3A_941 = arith.constant 1.000000e+00 : f32
      %parallel_loop3A_942 = vector.broadcast %parallel_loop3A_941 : f32 to vector<16xf32>
      %parallel_loop3A_943 = arith.cmpf olt, %parallel_loop3A_940, %parallel_loop3A_942 : vector<16xf32>
      %parallel_loop3A_944 = arith.constant 5.000000e-01 : f32
      %parallel_loop3A_945 = vector.broadcast %parallel_loop3A_944 : f32 to vector<16xf32>
      %parallel_loop3A_946 = arith.mulf %parallel_loop3A_945, %parallel_loop3A_939 : vector<16xf32>
      %parallel_loop3A_947 = arith.mulf %parallel_loop3A_946, %parallel_loop3A_939 : vector<16xf32>
      %parallel_loop3A_948 = arith.constant 5.000000e-01 : f32
      %parallel_loop3A_949 = vector.broadcast %parallel_loop3A_948 : f32 to vector<16xf32>
      %parallel_loop3A_950 = arith.subf %parallel_loop3A_940, %parallel_loop3A_949 : vector<16xf32>
      %parallel_loop3A_951 = arith.select %parallel_loop3A_943, %parallel_loop3A_947, %parallel_loop3A_950 : vector<16xi1>, vector<16xf32>
      %parallel_loop3A_952 = math.absi %parallel_loop3A_938 : vector<16xi32>
      %parallel_loop3A_953 = arith.constant 1 : i32
      %parallel_loop3A_954 = vector.broadcast %parallel_loop3A_953 : i32 to vector<16xi32>
      %parallel_loop3A_955 = arith.cmpi eq, %parallel_loop3A_952, %parallel_loop3A_954 : vector<16xi32>
      %parallel_loop3A_956 = arith.constant 0.000000e+00 : f32
      %parallel_loop3A_957 = vector.broadcast %parallel_loop3A_956 : f32 to vector<16xf32>
      %parallel_loop3A_958 = arith.select %parallel_loop3A_955, %parallel_loop3A_951, %parallel_loop3A_957 : vector<16xi1>, vector<16xf32>
      %parallel_loop3A_959 = arith.constant 1.000000e+00 : f32
      %parallel_loop3A_960 = arith.constant 0.000000e+00 : f32
      %parallel_loop3A_961 = vector.broadcast %parallel_loop3A_959 : f32 to vector<16xf32>
      %parallel_loop3A_962 = vector.broadcast %parallel_loop3A_960 : f32 to vector<16xf32>
      %parallel_loop3A_963 = arith.select %parallel_loop3A_955, %parallel_loop3A_961, %parallel_loop3A_962 : vector<16xi1>, vector<16xf32>
      %parallel_loop3A_964 = arith.addf %parallel_loop3A_805, %parallel_loop3A_958 : vector<16xf32>
      %parallel_loop3A_965 = arith.addf %parallel_loop3A_809, %parallel_loop3A_963 : vector<16xf32>
      scf.yield %parallel_loop3A_847, %parallel_loop3A_886, %parallel_loop3A_925, %parallel_loop3A_964, %parallel_loop3A_848, %parallel_loop3A_887, %parallel_loop3A_926, %parallel_loop3A_965 : vector<16xf32>, vector<16xf32>, vector<16xf32>, vector<16xf32>, vector<16xf32>, vector<16xf32>, vector<16xf32>, vector<16xf32>
    } {sc.loop_unroll_factor = 2 : i64, sc.parallel_access}
    %get3A_300 = arith.constant 10368 : index
    %get3A_301 = tpu.vector_load %arg6[%get3A_300] {strides = array<i32>} : memref<10416xf32, #tpu.memory_space<vmem>>, vector<16xf32>,
    %get3A_302 = arith.constant 10368 : index
    %get3A_303 = tpu.vector_load %arg8[%get3A_302] {strides = array<i32>} : memref<10416xf32, #tpu.memory_space<vmem>>, vector<16xf32>,
    %get3A_304 = arith.constant 10368 : index
    %get3A_305 = tpu.vector_load %arg7[%get3A_304] {strides = array<i32>} : memref<10416xi32, #tpu.memory_space<vmem>>, vector<16xi32>,
    %sub3A_306 = arith.subf %get3A_301, %get3A_303 : vector<16xf32>
    %abs3A_307 = math.absf %sub3A_306 : vector<16xf32>
    %lt3A_308 = arith.constant 1.000000e+00 : f32
    %lt3A_309 = vector.broadcast %lt3A_308 : f32 to vector<16xf32>
    %lt3A_310 = arith.cmpf olt, %abs3A_307, %lt3A_309 : vector<16xf32>
    %mul3A_311 = arith.constant 5.000000e-01 : f32
    %mul3A_312 = vector.broadcast %mul3A_311 : f32 to vector<16xf32>
    %mul3A_313 = arith.mulf %mul3A_312, %sub3A_306 : vector<16xf32>
    %mul3A_314 = arith.mulf %mul3A_313, %sub3A_306 : vector<16xf32>
    %sub3A_315 = arith.constant 5.000000e-01 : f32
    %sub3A_316 = vector.broadcast %sub3A_315 : f32 to vector<16xf32>
    %sub3A_317 = arith.subf %abs3A_307, %sub3A_316 : vector<16xf32>
    %select_n3A_318 = arith.select %lt3A_310, %mul3A_314, %sub3A_317 : vector<16xi1>, vector<16xf32>
    %abs3A_319 = math.absi %get3A_305 : vector<16xi32>
    %eq3A_320 = arith.constant 1 : i32
    %eq3A_321 = vector.broadcast %eq3A_320 : i32 to vector<16xi32>
    %eq3A_322 = arith.cmpi eq, %abs3A_319, %eq3A_321 : vector<16xi32>
    %jit3A_323 = arith.constant 0.000000e+00 : f32
    %broadcast_in_dim3A_324 = vector.broadcast %jit3A_323 : f32 to vector<16xf32>
    %select_n3A_325 = arith.select %eq3A_322, %select_n3A_318, %broadcast_in_dim3A_324 : vector<16xi1>, vector<16xf32>
    %jit3A_326 = arith.constant 1.000000e+00 : f32
    %jit3A_327 = arith.constant 0.000000e+00 : f32
    %broadcast_in_dim3A_328 = vector.broadcast %jit3A_326 : f32 to vector<16xf32>
    %broadcast_in_dim3A_329 = vector.broadcast %jit3A_327 : f32 to vector<16xf32>
    %select_n3A_330 = arith.select %eq3A_322, %broadcast_in_dim3A_328, %broadcast_in_dim3A_329 : vector<16xi1>, vector<16xf32>
    %add3A_331 = arith.addf %parallel_loop3A_299#0, %select_n3A_325 : vector<16xf32>
    %add3A_332 = arith.addf %parallel_loop3A_299#4, %select_n3A_330 : vector<16xf32>
    %get3A_333 = arith.constant 10384 : index
    %get3A_334 = tpu.vector_load %arg6[%get3A_333] {strides = array<i32>} : memref<10416xf32, #tpu.memory_space<vmem>>, vector<16xf32>,
    %get3A_335 = arith.constant 10384 : index
    %get3A_336 = tpu.vector_load %arg8[%get3A_335] {strides = array<i32>} : memref<10416xf32, #tpu.memory_space<vmem>>, vector<16xf32>,
    %get3A_337 = arith.constant 10384 : index
    %get3A_338 = tpu.vector_load %arg7[%get3A_337] {strides = array<i32>} : memref<10416xi32, #tpu.memory_space<vmem>>, vector<16xi32>,
    %sub3A_339 = arith.subf %get3A_334, %get3A_336 : vector<16xf32>
    %abs3A_340 = math.absf %sub3A_339 : vector<16xf32>
    %lt3A_341 = arith.constant 1.000000e+00 : f32
    %lt3A_342 = vector.broadcast %lt3A_341 : f32 to vector<16xf32>
    %lt3A_343 = arith.cmpf olt, %abs3A_340, %lt3A_342 : vector<16xf32>
    %mul3A_344 = arith.constant 5.000000e-01 : f32
    %mul3A_345 = vector.broadcast %mul3A_344 : f32 to vector<16xf32>
    %mul3A_346 = arith.mulf %mul3A_345, %sub3A_339 : vector<16xf32>
    %mul3A_347 = arith.mulf %mul3A_346, %sub3A_339 : vector<16xf32>
    %sub3A_348 = arith.constant 5.000000e-01 : f32
    %sub3A_349 = vector.broadcast %sub3A_348 : f32 to vector<16xf32>
    %sub3A_350 = arith.subf %abs3A_340, %sub3A_349 : vector<16xf32>
    %select_n3A_351 = arith.select %lt3A_343, %mul3A_347, %sub3A_350 : vector<16xi1>, vector<16xf32>
    %abs3A_352 = math.absi %get3A_338 : vector<16xi32>
    %eq3A_353 = arith.constant 1 : i32
    %eq3A_354 = vector.broadcast %eq3A_353 : i32 to vector<16xi32>
    %eq3A_355 = arith.cmpi eq, %abs3A_352, %eq3A_354 : vector<16xi32>
    %jit3A_356 = arith.constant 0.000000e+00 : f32
    %broadcast_in_dim3A_357 = vector.broadcast %jit3A_356 : f32 to vector<16xf32>
    %select_n3A_358 = arith.select %eq3A_355, %select_n3A_351, %broadcast_in_dim3A_357 : vector<16xi1>, vector<16xf32>
    %jit3A_359 = arith.constant 1.000000e+00 : f32
    %jit3A_360 = arith.constant 0.000000e+00 : f32
    %broadcast_in_dim3A_361 = vector.broadcast %jit3A_359 : f32 to vector<16xf32>
    %broadcast_in_dim3A_362 = vector.broadcast %jit3A_360 : f32 to vector<16xf32>
    %select_n3A_363 = arith.select %eq3A_355, %broadcast_in_dim3A_361, %broadcast_in_dim3A_362 : vector<16xi1>, vector<16xf32>
    %add3A_364 = arith.addf %add3A_331, %select_n3A_358 : vector<16xf32>
    %add3A_365 = arith.addf %add3A_332, %select_n3A_363 : vector<16xf32>
    %get3A_366 = arith.constant 10400 : index
    %get3A_367 = tpu.vector_load %arg6[%get3A_366] {strides = array<i32>} : memref<10416xf32, #tpu.memory_space<vmem>>, vector<16xf32>,
    %get3A_368 = arith.constant 10400 : index
    %get3A_369 = tpu.vector_load %arg8[%get3A_368] {strides = array<i32>} : memref<10416xf32, #tpu.memory_space<vmem>>, vector<16xf32>,
    %get3A_370 = arith.constant 10400 : index
    %get3A_371 = tpu.vector_load %arg7[%get3A_370] {strides = array<i32>} : memref<10416xi32, #tpu.memory_space<vmem>>, vector<16xi32>,
    %sub3A_372 = arith.subf %get3A_367, %get3A_369 : vector<16xf32>
    %abs3A_373 = math.absf %sub3A_372 : vector<16xf32>
    %lt3A_374 = arith.constant 1.000000e+00 : f32
    %lt3A_375 = vector.broadcast %lt3A_374 : f32 to vector<16xf32>
    %lt3A_376 = arith.cmpf olt, %abs3A_373, %lt3A_375 : vector<16xf32>
    %mul3A_377 = arith.constant 5.000000e-01 : f32
    %mul3A_378 = vector.broadcast %mul3A_377 : f32 to vector<16xf32>
    %mul3A_379 = arith.mulf %mul3A_378, %sub3A_372 : vector<16xf32>
    %mul3A_380 = arith.mulf %mul3A_379, %sub3A_372 : vector<16xf32>
    %sub3A_381 = arith.constant 5.000000e-01 : f32
    %sub3A_382 = vector.broadcast %sub3A_381 : f32 to vector<16xf32>
    %sub3A_383 = arith.subf %abs3A_373, %sub3A_382 : vector<16xf32>
    %select_n3A_384 = arith.select %lt3A_376, %mul3A_380, %sub3A_383 : vector<16xi1>, vector<16xf32>
    %abs3A_385 = math.absi %get3A_371 : vector<16xi32>
    %eq3A_386 = arith.constant 1 : i32
    %eq3A_387 = vector.broadcast %eq3A_386 : i32 to vector<16xi32>
    %eq3A_388 = arith.cmpi eq, %abs3A_385, %eq3A_387 : vector<16xi32>
    %jit3A_389 = arith.constant 0.000000e+00 : f32
    %broadcast_in_dim3A_390 = vector.broadcast %jit3A_389 : f32 to vector<16xf32>
    %select_n3A_391 = arith.select %eq3A_388, %select_n3A_384, %broadcast_in_dim3A_390 : vector<16xi1>, vector<16xf32>
    %jit3A_392 = arith.constant 1.000000e+00 : f32
    %jit3A_393 = arith.constant 0.000000e+00 : f32
    %broadcast_in_dim3A_394 = vector.broadcast %jit3A_392 : f32 to vector<16xf32>
    %broadcast_in_dim3A_395 = vector.broadcast %jit3A_393 : f32 to vector<16xf32>
    %select_n3A_396 = arith.select %eq3A_388, %broadcast_in_dim3A_394, %broadcast_in_dim3A_395 : vector<16xi1>, vector<16xf32>
    %add3A_397 = arith.addf %add3A_364, %select_n3A_391 : vector<16xf32>
    %add3A_398 = arith.addf %add3A_365, %select_n3A_396 : vector<16xf32>
    %add3A_399 = arith.constant 41664 : i32
    %add3A_400 = arith.addi %mul3A_2, %add3A_399 : i32
    %dma_start3A_401 = arith.constant 0 : i32
    %dma_start3A_402 = arith.constant 0 : i32
    %dma_start3A_403 = tpu.memref_slice %arg2[%dma_start3A_401, %dma_start3A_402, %add3A_400] : memref<1x1x1000000xf32, #tpu.memory_space<hbm>> -> memref<1x1x10416xf32, #tpu.memory_space<hbm>>
    %dma_start3A_404 = tpu.memref_squeeze %dma_start3A_403 : memref<1x1x10416xf32, #tpu.memory_space<hbm>> -> memref<10416xf32, #tpu.memory_space<hbm>>
    %dma_start3A_405 = tpu.memref_slice %arg2[%dma_start3A_401, %dma_start3A_402, %add3A_400] : memref<1x1x1000000xf32, #tpu.memory_space<hbm>> -> memref<1x1x10416xf32, #tpu.memory_space<hbm>>
    %dma_start3A_406 = tpu.memref_squeeze %dma_start3A_405 : memref<1x1x10416xf32, #tpu.memory_space<hbm>> -> memref<10416xf32, #tpu.memory_space<hbm>>
    tpu.enqueue_dma source(%dma_start3A_406 : memref<10416xf32, #tpu.memory_space<hbm>>) target(%arg6 : memref<10416xf32, #tpu.memory_space<vmem>>) target_semaphore(%arg16 : memref<!tpu.dma_semaphore, #tpu.memory_space<semaphore_mem>>)
    %dma_start3A_407 = tpu.memref_slice %arg3[%add3A_400] : memref<1000000xi32, #tpu.memory_space<hbm>> -> memref<10416xi32, #tpu.memory_space<hbm>>
    %dma_start3A_408 = tpu.memref_slice %arg3[%add3A_400] : memref<1000000xi32, #tpu.memory_space<hbm>> -> memref<10416xi32, #tpu.memory_space<hbm>>
    tpu.enqueue_dma source(%dma_start3A_408 : memref<10416xi32, #tpu.memory_space<hbm>>) target(%arg7 : memref<10416xi32, #tpu.memory_space<vmem>>) target_semaphore(%arg16 : memref<!tpu.dma_semaphore, #tpu.memory_space<semaphore_mem>>)
    %dma_start3A_409 = tpu.memref_slice %arg4[%add3A_400] : memref<1000000xf32, #tpu.memory_space<hbm>> -> memref<10416xf32, #tpu.memory_space<hbm>>
    %dma_start3A_410 = tpu.memref_slice %arg4[%add3A_400] : memref<1000000xf32, #tpu.memory_space<hbm>> -> memref<10416xf32, #tpu.memory_space<hbm>>
    tpu.enqueue_dma source(%dma_start3A_410 : memref<10416xf32, #tpu.memory_space<hbm>>) target(%arg8 : memref<10416xf32, #tpu.memory_space<vmem>>) target_semaphore(%arg16 : memref<!tpu.dma_semaphore, #tpu.memory_space<semaphore_mem>>)
    %dma_wait3A_411 = arith.constant 0 : i32
    %dma_wait3A_412 = arith.constant 0 : i32
    %dma_wait3A_413 = arith.constant 0 : i32
    %dma_wait3A_414 = tpu.memref_slice %arg2[%dma_wait3A_411, %dma_wait3A_412, %dma_wait3A_413] : memref<1x1x1000000xf32, #tpu.memory_space<hbm>> -> memref<1x1x10416xf32, #tpu.memory_space<hbm>>
    %dma_wait3A_415 = tpu.memref_squeeze %dma_wait3A_414 : memref<1x1x10416xf32, #tpu.memory_space<hbm>> -> memref<10416xf32, #tpu.memory_space<hbm>>
    %dma_wait3A_416 = arith.constant 0 : i32
    %dma_wait3A_417 = tpu.memref_slice %arg2[%dma_wait3A_411, %dma_wait3A_412, %dma_wait3A_416] : memref<1x1x1000000xf32, #tpu.memory_space<hbm>> -> memref<1x1x10416xf32, #tpu.memory_space<hbm>>
    %dma_wait3A_418 = tpu.memref_squeeze %dma_wait3A_417 : memref<1x1x10416xf32, #tpu.memory_space<hbm>> -> memref<10416xf32, #tpu.memory_space<hbm>>
    tpu.wait_dma2 semaphore(%arg17 : memref<!tpu.dma_semaphore, #tpu.memory_space<semaphore_mem>>) src(%dma_wait3A_418 : memref<10416xf32, #tpu.memory_space<hbm>>) dst(%arg9 : memref<10416xf32, #tpu.memory_space<vmem>>)
    %dma_wait3A_419 = arith.constant 0 : i32
    %dma_wait3A_420 = tpu.memref_slice %arg3[%dma_wait3A_419] : memref<1000000xi32, #tpu.memory_space<hbm>> -> memref<10416xi32, #tpu.memory_space<hbm>>
    %dma_wait3A_421 = arith.constant 0 : i32
    %dma_wait3A_422 = tpu.memref_slice %arg3[%dma_wait3A_421] : memref<1000000xi32, #tpu.memory_space<hbm>> -> memref<10416xi32, #tpu.memory_space<hbm>>
    tpu.wait_dma2 semaphore(%arg17 : memref<!tpu.dma_semaphore, #tpu.memory_space<semaphore_mem>>) src(%dma_wait3A_422 : memref<10416xi32, #tpu.memory_space<hbm>>) dst(%arg10 : memref<10416xi32, #tpu.memory_space<vmem>>)
    %dma_wait3A_423 = arith.constant 0 : i32
    %dma_wait3A_424 = tpu.memref_slice %arg4[%dma_wait3A_423] : memref<1000000xf32, #tpu.memory_space<hbm>> -> memref<10416xf32, #tpu.memory_space<hbm>>
    %dma_wait3A_425 = arith.constant 0 : i32
    %dma_wait3A_426 = tpu.memref_slice %arg4[%dma_wait3A_425] : memref<1000000xf32, #tpu.memory_space<hbm>> -> memref<10416xf32, #tpu.memory_space<hbm>>
    tpu.wait_dma2 semaphore(%arg17 : memref<!tpu.dma_semaphore, #tpu.memory_space<semaphore_mem>>) src(%dma_wait3A_426 : memref<10416xf32, #tpu.memory_space<hbm>>) dst(%arg11 : memref<10416xf32, #tpu.memory_space<vmem>>)
    %parallel_loop3A_427 = arith.constant 0 : i32
    %parallel_loop3A_428 = arith.constant 10368 : i32
    %parallel_loop3A_429 = arith.constant 64 : i32
    %parallel_loop3A_430:8 = scf.for %parallel_loop3A_801 = %parallel_loop3A_427 to %parallel_loop3A_428 step %parallel_loop3A_429 iter_args(%parallel_loop3A_802 = %add3A_397, %parallel_loop3A_803 = %parallel_loop3A_299#1, %parallel_loop3A_804 = %parallel_loop3A_299#2, %parallel_loop3A_805 = %parallel_loop3A_299#3, %parallel_loop3A_806 = %add3A_398, %parallel_loop3A_807 = %parallel_loop3A_299#5, %parallel_loop3A_808 = %parallel_loop3A_299#6, %parallel_loop3A_809 = %parallel_loop3A_299#7) -> (vector<16xf32>, vector<16xf32>, vector<16xf32>, vector<16xf32>, vector<16xf32>, vector<16xf32>, vector<16xf32>, vector<16xf32>)  : i32 {
      %parallel_loop3A_810 = arith.constant 0 : i32
      %parallel_loop3A_811 = arith.addi %parallel_loop3A_801, %parallel_loop3A_810 : i32
      %parallel_loop3A_812 = arith.index_cast %parallel_loop3A_811 : i32 to index
      %parallel_loop3A_813 = tpu.vector_load %arg9[%parallel_loop3A_812] {strides = array<i32>} : memref<10416xf32, #tpu.memory_space<vmem>>, vector<16xf32>,
      %parallel_loop3A_814 = arith.constant 0 : i32
      %parallel_loop3A_815 = arith.addi %parallel_loop3A_801, %parallel_loop3A_814 : i32
      %parallel_loop3A_816 = arith.index_cast %parallel_loop3A_815 : i32 to index
      %parallel_loop3A_817 = tpu.vector_load %arg11[%parallel_loop3A_816] {strides = array<i32>} : memref<10416xf32, #tpu.memory_space<vmem>>, vector<16xf32>,
      %parallel_loop3A_818 = arith.constant 0 : i32
      %parallel_loop3A_819 = arith.addi %parallel_loop3A_801, %parallel_loop3A_818 : i32
      %parallel_loop3A_820 = arith.index_cast %parallel_loop3A_819 : i32 to index
      %parallel_loop3A_821 = tpu.vector_load %arg10[%parallel_loop3A_820] {strides = array<i32>} : memref<10416xi32, #tpu.memory_space<vmem>>, vector<16xi32>,
      %parallel_loop3A_822 = arith.subf %parallel_loop3A_813, %parallel_loop3A_817 : vector<16xf32>
      %parallel_loop3A_823 = math.absf %parallel_loop3A_822 : vector<16xf32>
      %parallel_loop3A_824 = arith.constant 1.000000e+00 : f32
      %parallel_loop3A_825 = vector.broadcast %parallel_loop3A_824 : f32 to vector<16xf32>
      %parallel_loop3A_826 = arith.cmpf olt, %parallel_loop3A_823, %parallel_loop3A_825 : vector<16xf32>
      %parallel_loop3A_827 = arith.constant 5.000000e-01 : f32
      %parallel_loop3A_828 = vector.broadcast %parallel_loop3A_827 : f32 to vector<16xf32>
      %parallel_loop3A_829 = arith.mulf %parallel_loop3A_828, %parallel_loop3A_822 : vector<16xf32>
      %parallel_loop3A_830 = arith.mulf %parallel_loop3A_829, %parallel_loop3A_822 : vector<16xf32>
      %parallel_loop3A_831 = arith.constant 5.000000e-01 : f32
      %parallel_loop3A_832 = vector.broadcast %parallel_loop3A_831 : f32 to vector<16xf32>
      %parallel_loop3A_833 = arith.subf %parallel_loop3A_823, %parallel_loop3A_832 : vector<16xf32>
      %parallel_loop3A_834 = arith.select %parallel_loop3A_826, %parallel_loop3A_830, %parallel_loop3A_833 : vector<16xi1>, vector<16xf32>
      %parallel_loop3A_835 = math.absi %parallel_loop3A_821 : vector<16xi32>
      %parallel_loop3A_836 = arith.constant 1 : i32
      %parallel_loop3A_837 = vector.broadcast %parallel_loop3A_836 : i32 to vector<16xi32>
      %parallel_loop3A_838 = arith.cmpi eq, %parallel_loop3A_835, %parallel_loop3A_837 : vector<16xi32>
      %parallel_loop3A_839 = arith.constant 0.000000e+00 : f32
      %parallel_loop3A_840 = vector.broadcast %parallel_loop3A_839 : f32 to vector<16xf32>
      %parallel_loop3A_841 = arith.select %parallel_loop3A_838, %parallel_loop3A_834, %parallel_loop3A_840 : vector<16xi1>, vector<16xf32>
      %parallel_loop3A_842 = arith.constant 1.000000e+00 : f32
      %parallel_loop3A_843 = arith.constant 0.000000e+00 : f32
      %parallel_loop3A_844 = vector.broadcast %parallel_loop3A_842 : f32 to vector<16xf32>
      %parallel_loop3A_845 = vector.broadcast %parallel_loop3A_843 : f32 to vector<16xf32>
      %parallel_loop3A_846 = arith.select %parallel_loop3A_838, %parallel_loop3A_844, %parallel_loop3A_845 : vector<16xi1>, vector<16xf32>
      %parallel_loop3A_847 = arith.addf %parallel_loop3A_802, %parallel_loop3A_841 : vector<16xf32>
      %parallel_loop3A_848 = arith.addf %parallel_loop3A_806, %parallel_loop3A_846 : vector<16xf32>
      %parallel_loop3A_849 = arith.constant 16 : i32
      %parallel_loop3A_850 = arith.addi %parallel_loop3A_801, %parallel_loop3A_849 : i32
      %parallel_loop3A_851 = arith.index_cast %parallel_loop3A_850 : i32 to index
      %parallel_loop3A_852 = tpu.vector_load %arg9[%parallel_loop3A_851] {strides = array<i32>} : memref<10416xf32, #tpu.memory_space<vmem>>, vector<16xf32>,
      %parallel_loop3A_853 = arith.constant 16 : i32
      %parallel_loop3A_854 = arith.addi %parallel_loop3A_801, %parallel_loop3A_853 : i32
      %parallel_loop3A_855 = arith.index_cast %parallel_loop3A_854 : i32 to index
      %parallel_loop3A_856 = tpu.vector_load %arg11[%parallel_loop3A_855] {strides = array<i32>} : memref<10416xf32, #tpu.memory_space<vmem>>, vector<16xf32>,
      %parallel_loop3A_857 = arith.constant 16 : i32
      %parallel_loop3A_858 = arith.addi %parallel_loop3A_801, %parallel_loop3A_857 : i32
      %parallel_loop3A_859 = arith.index_cast %parallel_loop3A_858 : i32 to index
      %parallel_loop3A_860 = tpu.vector_load %arg10[%parallel_loop3A_859] {strides = array<i32>} : memref<10416xi32, #tpu.memory_space<vmem>>, vector<16xi32>,
      %parallel_loop3A_861 = arith.subf %parallel_loop3A_852, %parallel_loop3A_856 : vector<16xf32>
      %parallel_loop3A_862 = math.absf %parallel_loop3A_861 : vector<16xf32>
      %parallel_loop3A_863 = arith.constant 1.000000e+00 : f32
      %parallel_loop3A_864 = vector.broadcast %parallel_loop3A_863 : f32 to vector<16xf32>
      %parallel_loop3A_865 = arith.cmpf olt, %parallel_loop3A_862, %parallel_loop3A_864 : vector<16xf32>
      %parallel_loop3A_866 = arith.constant 5.000000e-01 : f32
      %parallel_loop3A_867 = vector.broadcast %parallel_loop3A_866 : f32 to vector<16xf32>
      %parallel_loop3A_868 = arith.mulf %parallel_loop3A_867, %parallel_loop3A_861 : vector<16xf32>
      %parallel_loop3A_869 = arith.mulf %parallel_loop3A_868, %parallel_loop3A_861 : vector<16xf32>
      %parallel_loop3A_870 = arith.constant 5.000000e-01 : f32
      %parallel_loop3A_871 = vector.broadcast %parallel_loop3A_870 : f32 to vector<16xf32>
      %parallel_loop3A_872 = arith.subf %parallel_loop3A_862, %parallel_loop3A_871 : vector<16xf32>
      %parallel_loop3A_873 = arith.select %parallel_loop3A_865, %parallel_loop3A_869, %parallel_loop3A_872 : vector<16xi1>, vector<16xf32>
      %parallel_loop3A_874 = math.absi %parallel_loop3A_860 : vector<16xi32>
      %parallel_loop3A_875 = arith.constant 1 : i32
      %parallel_loop3A_876 = vector.broadcast %parallel_loop3A_875 : i32 to vector<16xi32>
      %parallel_loop3A_877 = arith.cmpi eq, %parallel_loop3A_874, %parallel_loop3A_876 : vector<16xi32>
      %parallel_loop3A_878 = arith.constant 0.000000e+00 : f32
      %parallel_loop3A_879 = vector.broadcast %parallel_loop3A_878 : f32 to vector<16xf32>
      %parallel_loop3A_880 = arith.select %parallel_loop3A_877, %parallel_loop3A_873, %parallel_loop3A_879 : vector<16xi1>, vector<16xf32>
      %parallel_loop3A_881 = arith.constant 1.000000e+00 : f32
      %parallel_loop3A_882 = arith.constant 0.000000e+00 : f32
      %parallel_loop3A_883 = vector.broadcast %parallel_loop3A_881 : f32 to vector<16xf32>
      %parallel_loop3A_884 = vector.broadcast %parallel_loop3A_882 : f32 to vector<16xf32>
      %parallel_loop3A_885 = arith.select %parallel_loop3A_877, %parallel_loop3A_883, %parallel_loop3A_884 : vector<16xi1>, vector<16xf32>
      %parallel_loop3A_886 = arith.addf %parallel_loop3A_803, %parallel_loop3A_880 : vector<16xf32>
      %parallel_loop3A_887 = arith.addf %parallel_loop3A_807, %parallel_loop3A_885 : vector<16xf32>
      %parallel_loop3A_888 = arith.constant 32 : i32
      %parallel_loop3A_889 = arith.addi %parallel_loop3A_801, %parallel_loop3A_888 : i32
      %parallel_loop3A_890 = arith.index_cast %parallel_loop3A_889 : i32 to index
      %parallel_loop3A_891 = tpu.vector_load %arg9[%parallel_loop3A_890] {strides = array<i32>} : memref<10416xf32, #tpu.memory_space<vmem>>, vector<16xf32>,
      %parallel_loop3A_892 = arith.constant 32 : i32
      %parallel_loop3A_893 = arith.addi %parallel_loop3A_801, %parallel_loop3A_892 : i32
      %parallel_loop3A_894 = arith.index_cast %parallel_loop3A_893 : i32 to index
      %parallel_loop3A_895 = tpu.vector_load %arg11[%parallel_loop3A_894] {strides = array<i32>} : memref<10416xf32, #tpu.memory_space<vmem>>, vector<16xf32>,
      %parallel_loop3A_896 = arith.constant 32 : i32
      %parallel_loop3A_897 = arith.addi %parallel_loop3A_801, %parallel_loop3A_896 : i32
      %parallel_loop3A_898 = arith.index_cast %parallel_loop3A_897 : i32 to index
      %parallel_loop3A_899 = tpu.vector_load %arg10[%parallel_loop3A_898] {strides = array<i32>} : memref<10416xi32, #tpu.memory_space<vmem>>, vector<16xi32>,
      %parallel_loop3A_900 = arith.subf %parallel_loop3A_891, %parallel_loop3A_895 : vector<16xf32>
      %parallel_loop3A_901 = math.absf %parallel_loop3A_900 : vector<16xf32>
      %parallel_loop3A_902 = arith.constant 1.000000e+00 : f32
      %parallel_loop3A_903 = vector.broadcast %parallel_loop3A_902 : f32 to vector<16xf32>
      %parallel_loop3A_904 = arith.cmpf olt, %parallel_loop3A_901, %parallel_loop3A_903 : vector<16xf32>
      %parallel_loop3A_905 = arith.constant 5.000000e-01 : f32
      %parallel_loop3A_906 = vector.broadcast %parallel_loop3A_905 : f32 to vector<16xf32>
      %parallel_loop3A_907 = arith.mulf %parallel_loop3A_906, %parallel_loop3A_900 : vector<16xf32>
      %parallel_loop3A_908 = arith.mulf %parallel_loop3A_907, %parallel_loop3A_900 : vector<16xf32>
      %parallel_loop3A_909 = arith.constant 5.000000e-01 : f32
      %parallel_loop3A_910 = vector.broadcast %parallel_loop3A_909 : f32 to vector<16xf32>
      %parallel_loop3A_911 = arith.subf %parallel_loop3A_901, %parallel_loop3A_910 : vector<16xf32>
      %parallel_loop3A_912 = arith.select %parallel_loop3A_904, %parallel_loop3A_908, %parallel_loop3A_911 : vector<16xi1>, vector<16xf32>
      %parallel_loop3A_913 = math.absi %parallel_loop3A_899 : vector<16xi32>
      %parallel_loop3A_914 = arith.constant 1 : i32
      %parallel_loop3A_915 = vector.broadcast %parallel_loop3A_914 : i32 to vector<16xi32>
      %parallel_loop3A_916 = arith.cmpi eq, %parallel_loop3A_913, %parallel_loop3A_915 : vector<16xi32>
      %parallel_loop3A_917 = arith.constant 0.000000e+00 : f32
      %parallel_loop3A_918 = vector.broadcast %parallel_loop3A_917 : f32 to vector<16xf32>
      %parallel_loop3A_919 = arith.select %parallel_loop3A_916, %parallel_loop3A_912, %parallel_loop3A_918 : vector<16xi1>, vector<16xf32>
      %parallel_loop3A_920 = arith.constant 1.000000e+00 : f32
      %parallel_loop3A_921 = arith.constant 0.000000e+00 : f32
      %parallel_loop3A_922 = vector.broadcast %parallel_loop3A_920 : f32 to vector<16xf32>
      %parallel_loop3A_923 = vector.broadcast %parallel_loop3A_921 : f32 to vector<16xf32>
      %parallel_loop3A_924 = arith.select %parallel_loop3A_916, %parallel_loop3A_922, %parallel_loop3A_923 : vector<16xi1>, vector<16xf32>
      %parallel_loop3A_925 = arith.addf %parallel_loop3A_804, %parallel_loop3A_919 : vector<16xf32>
      %parallel_loop3A_926 = arith.addf %parallel_loop3A_808, %parallel_loop3A_924 : vector<16xf32>
      %parallel_loop3A_927 = arith.constant 48 : i32
      %parallel_loop3A_928 = arith.addi %parallel_loop3A_801, %parallel_loop3A_927 : i32
      %parallel_loop3A_929 = arith.index_cast %parallel_loop3A_928 : i32 to index
      %parallel_loop3A_930 = tpu.vector_load %arg9[%parallel_loop3A_929] {strides = array<i32>} : memref<10416xf32, #tpu.memory_space<vmem>>, vector<16xf32>,
      %parallel_loop3A_931 = arith.constant 48 : i32
      %parallel_loop3A_932 = arith.addi %parallel_loop3A_801, %parallel_loop3A_931 : i32
      %parallel_loop3A_933 = arith.index_cast %parallel_loop3A_932 : i32 to index
      %parallel_loop3A_934 = tpu.vector_load %arg11[%parallel_loop3A_933] {strides = array<i32>} : memref<10416xf32, #tpu.memory_space<vmem>>, vector<16xf32>,
      %parallel_loop3A_935 = arith.constant 48 : i32
      %parallel_loop3A_936 = arith.addi %parallel_loop3A_801, %parallel_loop3A_935 : i32
      %parallel_loop3A_937 = arith.index_cast %parallel_loop3A_936 : i32 to index
      %parallel_loop3A_938 = tpu.vector_load %arg10[%parallel_loop3A_937] {strides = array<i32>} : memref<10416xi32, #tpu.memory_space<vmem>>, vector<16xi32>,
      %parallel_loop3A_939 = arith.subf %parallel_loop3A_930, %parallel_loop3A_934 : vector<16xf32>
      %parallel_loop3A_940 = math.absf %parallel_loop3A_939 : vector<16xf32>
      %parallel_loop3A_941 = arith.constant 1.000000e+00 : f32
      %parallel_loop3A_942 = vector.broadcast %parallel_loop3A_941 : f32 to vector<16xf32>
      %parallel_loop3A_943 = arith.cmpf olt, %parallel_loop3A_940, %parallel_loop3A_942 : vector<16xf32>
      %parallel_loop3A_944 = arith.constant 5.000000e-01 : f32
      %parallel_loop3A_945 = vector.broadcast %parallel_loop3A_944 : f32 to vector<16xf32>
      %parallel_loop3A_946 = arith.mulf %parallel_loop3A_945, %parallel_loop3A_939 : vector<16xf32>
      %parallel_loop3A_947 = arith.mulf %parallel_loop3A_946, %parallel_loop3A_939 : vector<16xf32>
      %parallel_loop3A_948 = arith.constant 5.000000e-01 : f32
      %parallel_loop3A_949 = vector.broadcast %parallel_loop3A_948 : f32 to vector<16xf32>
      %parallel_loop3A_950 = arith.subf %parallel_loop3A_940, %parallel_loop3A_949 : vector<16xf32>
      %parallel_loop3A_951 = arith.select %parallel_loop3A_943, %parallel_loop3A_947, %parallel_loop3A_950 : vector<16xi1>, vector<16xf32>
      %parallel_loop3A_952 = math.absi %parallel_loop3A_938 : vector<16xi32>
      %parallel_loop3A_953 = arith.constant 1 : i32
      %parallel_loop3A_954 = vector.broadcast %parallel_loop3A_953 : i32 to vector<16xi32>
      %parallel_loop3A_955 = arith.cmpi eq, %parallel_loop3A_952, %parallel_loop3A_954 : vector<16xi32>
      %parallel_loop3A_956 = arith.constant 0.000000e+00 : f32
      %parallel_loop3A_957 = vector.broadcast %parallel_loop3A_956 : f32 to vector<16xf32>
      %parallel_loop3A_958 = arith.select %parallel_loop3A_955, %parallel_loop3A_951, %parallel_loop3A_957 : vector<16xi1>, vector<16xf32>
      %parallel_loop3A_959 = arith.constant 1.000000e+00 : f32
      %parallel_loop3A_960 = arith.constant 0.000000e+00 : f32
      %parallel_loop3A_961 = vector.broadcast %parallel_loop3A_959 : f32 to vector<16xf32>
      %parallel_loop3A_962 = vector.broadcast %parallel_loop3A_960 : f32 to vector<16xf32>
      %parallel_loop3A_963 = arith.select %parallel_loop3A_955, %parallel_loop3A_961, %parallel_loop3A_962 : vector<16xi1>, vector<16xf32>
      %parallel_loop3A_964 = arith.addf %parallel_loop3A_805, %parallel_loop3A_958 : vector<16xf32>
      %parallel_loop3A_965 = arith.addf %parallel_loop3A_809, %parallel_loop3A_963 : vector<16xf32>
      scf.yield %parallel_loop3A_847, %parallel_loop3A_886, %parallel_loop3A_925, %parallel_loop3A_964, %parallel_loop3A_848, %parallel_loop3A_887, %parallel_loop3A_926, %parallel_loop3A_965 : vector<16xf32>, vector<16xf32>, vector<16xf32>, vector<16xf32>, vector<16xf32>, vector<16xf32>, vector<16xf32>, vector<16xf32>
    } {sc.loop_unroll_factor = 2 : i64, sc.parallel_access}
    %get3A_431 = arith.constant 10368 : index
    %get3A_432 = tpu.vector_load %arg9[%get3A_431] {strides = array<i32>} : memref<10416xf32, #tpu.memory_space<vmem>>, vector<16xf32>,
    %get3A_433 = arith.constant 10368 : index
    %get3A_434 = tpu.vector_load %arg11[%get3A_433] {strides = array<i32>} : memref<10416xf32, #tpu.memory_space<vmem>>, vector<16xf32>,
    %get3A_435 = arith.constant 10368 : index
    %get3A_436 = tpu.vector_load %arg10[%get3A_435] {strides = array<i32>} : memref<10416xi32, #tpu.memory_space<vmem>>, vector<16xi32>,
    %sub3A_437 = arith.subf %get3A_432, %get3A_434 : vector<16xf32>
    %abs3A_438 = math.absf %sub3A_437 : vector<16xf32>
    %lt3A_439 = arith.constant 1.000000e+00 : f32
    %lt3A_440 = vector.broadcast %lt3A_439 : f32 to vector<16xf32>
    %lt3A_441 = arith.cmpf olt, %abs3A_438, %lt3A_440 : vector<16xf32>
    %mul3A_442 = arith.constant 5.000000e-01 : f32
    %mul3A_443 = vector.broadcast %mul3A_442 : f32 to vector<16xf32>
    %mul3A_444 = arith.mulf %mul3A_443, %sub3A_437 : vector<16xf32>
    %mul3A_445 = arith.mulf %mul3A_444, %sub3A_437 : vector<16xf32>
    %sub3A_446 = arith.constant 5.000000e-01 : f32
    %sub3A_447 = vector.broadcast %sub3A_446 : f32 to vector<16xf32>
    %sub3A_448 = arith.subf %abs3A_438, %sub3A_447 : vector<16xf32>
    %select_n3A_449 = arith.select %lt3A_441, %mul3A_445, %sub3A_448 : vector<16xi1>, vector<16xf32>
    %abs3A_450 = math.absi %get3A_436 : vector<16xi32>
    %eq3A_451 = arith.constant 1 : i32
    %eq3A_452 = vector.broadcast %eq3A_451 : i32 to vector<16xi32>
    %eq3A_453 = arith.cmpi eq, %abs3A_450, %eq3A_452 : vector<16xi32>
    %jit3A_454 = arith.constant 0.000000e+00 : f32
    %broadcast_in_dim3A_455 = vector.broadcast %jit3A_454 : f32 to vector<16xf32>
    %select_n3A_456 = arith.select %eq3A_453, %select_n3A_449, %broadcast_in_dim3A_455 : vector<16xi1>, vector<16xf32>
    %jit3A_457 = arith.constant 1.000000e+00 : f32
    %jit3A_458 = arith.constant 0.000000e+00 : f32
    %broadcast_in_dim3A_459 = vector.broadcast %jit3A_457 : f32 to vector<16xf32>
    %broadcast_in_dim3A_460 = vector.broadcast %jit3A_458 : f32 to vector<16xf32>
    %select_n3A_461 = arith.select %eq3A_453, %broadcast_in_dim3A_459, %broadcast_in_dim3A_460 : vector<16xi1>, vector<16xf32>
    %add3A_462 = arith.addf %parallel_loop3A_430#0, %select_n3A_456 : vector<16xf32>
    %add3A_463 = arith.addf %parallel_loop3A_430#4, %select_n3A_461 : vector<16xf32>
    %get3A_464 = arith.constant 10384 : index
    %get3A_465 = tpu.vector_load %arg9[%get3A_464] {strides = array<i32>} : memref<10416xf32, #tpu.memory_space<vmem>>, vector<16xf32>,
    %get3A_466 = arith.constant 10384 : index
    %get3A_467 = tpu.vector_load %arg11[%get3A_466] {strides = array<i32>} : memref<10416xf32, #tpu.memory_space<vmem>>, vector<16xf32>,
    %get3A_468 = arith.constant 10384 : index
    %get3A_469 = tpu.vector_load %arg10[%get3A_468] {strides = array<i32>} : memref<10416xi32, #tpu.memory_space<vmem>>, vector<16xi32>,
    %sub3A_470 = arith.subf %get3A_465, %get3A_467 : vector<16xf32>
    %abs3A_471 = math.absf %sub3A_470 : vector<16xf32>
    %lt3A_472 = arith.constant 1.000000e+00 : f32
    %lt3A_473 = vector.broadcast %lt3A_472 : f32 to vector<16xf32>
    %lt3A_474 = arith.cmpf olt, %abs3A_471, %lt3A_473 : vector<16xf32>
    %mul3A_475 = arith.constant 5.000000e-01 : f32
    %mul3A_476 = vector.broadcast %mul3A_475 : f32 to vector<16xf32>
    %mul3A_477 = arith.mulf %mul3A_476, %sub3A_470 : vector<16xf32>
    %mul3A_478 = arith.mulf %mul3A_477, %sub3A_470 : vector<16xf32>
    %sub3A_479 = arith.constant 5.000000e-01 : f32
    %sub3A_480 = vector.broadcast %sub3A_479 : f32 to vector<16xf32>
    %sub3A_481 = arith.subf %abs3A_471, %sub3A_480 : vector<16xf32>
    %select_n3A_482 = arith.select %lt3A_474, %mul3A_478, %sub3A_481 : vector<16xi1>, vector<16xf32>
    %abs3A_483 = math.absi %get3A_469 : vector<16xi32>
    %eq3A_484 = arith.constant 1 : i32
    %eq3A_485 = vector.broadcast %eq3A_484 : i32 to vector<16xi32>
    %eq3A_486 = arith.cmpi eq, %abs3A_483, %eq3A_485 : vector<16xi32>
    %jit3A_487 = arith.constant 0.000000e+00 : f32
    %broadcast_in_dim3A_488 = vector.broadcast %jit3A_487 : f32 to vector<16xf32>
    %select_n3A_489 = arith.select %eq3A_486, %select_n3A_482, %broadcast_in_dim3A_488 : vector<16xi1>, vector<16xf32>
    %jit3A_490 = arith.constant 1.000000e+00 : f32
    %jit3A_491 = arith.constant 0.000000e+00 : f32
    %broadcast_in_dim3A_492 = vector.broadcast %jit3A_490 : f32 to vector<16xf32>
    %broadcast_in_dim3A_493 = vector.broadcast %jit3A_491 : f32 to vector<16xf32>
    %select_n3A_494 = arith.select %eq3A_486, %broadcast_in_dim3A_492, %broadcast_in_dim3A_493 : vector<16xi1>, vector<16xf32>
    %add3A_495 = arith.addf %add3A_462, %select_n3A_489 : vector<16xf32>
    %add3A_496 = arith.addf %add3A_463, %select_n3A_494 : vector<16xf32>
    %get3A_497 = arith.constant 10400 : index
    %get3A_498 = tpu.vector_load %arg9[%get3A_497] {strides = array<i32>} : memref<10416xf32, #tpu.memory_space<vmem>>, vector<16xf32>,
    %get3A_499 = arith.constant 10400 : index
    %get3A_500 = tpu.vector_load %arg11[%get3A_499] {strides = array<i32>} : memref<10416xf32, #tpu.memory_space<vmem>>, vector<16xf32>,
    %get3A_501 = arith.constant 10400 : index
    %get3A_502 = tpu.vector_load %arg10[%get3A_501] {strides = array<i32>} : memref<10416xi32, #tpu.memory_space<vmem>>, vector<16xi32>,
    %sub3A_503 = arith.subf %get3A_498, %get3A_500 : vector<16xf32>
    %abs3A_504 = math.absf %sub3A_503 : vector<16xf32>
    %lt3A_505 = arith.constant 1.000000e+00 : f32
    %lt3A_506 = vector.broadcast %lt3A_505 : f32 to vector<16xf32>
    %lt3A_507 = arith.cmpf olt, %abs3A_504, %lt3A_506 : vector<16xf32>
    %mul3A_508 = arith.constant 5.000000e-01 : f32
    %mul3A_509 = vector.broadcast %mul3A_508 : f32 to vector<16xf32>
    %mul3A_510 = arith.mulf %mul3A_509, %sub3A_503 : vector<16xf32>
    %mul3A_511 = arith.mulf %mul3A_510, %sub3A_503 : vector<16xf32>
    %sub3A_512 = arith.constant 5.000000e-01 : f32
    %sub3A_513 = vector.broadcast %sub3A_512 : f32 to vector<16xf32>
    %sub3A_514 = arith.subf %abs3A_504, %sub3A_513 : vector<16xf32>
    %select_n3A_515 = arith.select %lt3A_507, %mul3A_511, %sub3A_514 : vector<16xi1>, vector<16xf32>
    %abs3A_516 = math.absi %get3A_502 : vector<16xi32>
    %eq3A_517 = arith.constant 1 : i32
    %eq3A_518 = vector.broadcast %eq3A_517 : i32 to vector<16xi32>
    %eq3A_519 = arith.cmpi eq, %abs3A_516, %eq3A_518 : vector<16xi32>
    %jit3A_520 = arith.constant 0.000000e+00 : f32
    %broadcast_in_dim3A_521 = vector.broadcast %jit3A_520 : f32 to vector<16xf32>
    %select_n3A_522 = arith.select %eq3A_519, %select_n3A_515, %broadcast_in_dim3A_521 : vector<16xi1>, vector<16xf32>
    %jit3A_523 = arith.constant 1.000000e+00 : f32
    %jit3A_524 = arith.constant 0.000000e+00 : f32
    %broadcast_in_dim3A_525 = vector.broadcast %jit3A_523 : f32 to vector<16xf32>
    %broadcast_in_dim3A_526 = vector.broadcast %jit3A_524 : f32 to vector<16xf32>
    %select_n3A_527 = arith.select %eq3A_519, %broadcast_in_dim3A_525, %broadcast_in_dim3A_526 : vector<16xi1>, vector<16xf32>
    %add3A_528 = arith.addf %add3A_495, %select_n3A_522 : vector<16xf32>
    %add3A_529 = arith.addf %add3A_496, %select_n3A_527 : vector<16xf32>
    %add3A_530 = arith.constant 52080 : i32
    %add3A_531 = arith.addi %mul3A_2, %add3A_530 : i32
    %dma_start3A_532 = arith.constant 0 : i32
    %dma_start3A_533 = arith.constant 0 : i32
    %dma_start3A_534 = tpu.memref_slice %arg2[%dma_start3A_532, %dma_start3A_533, %add3A_531] : memref<1x1x1000000xf32, #tpu.memory_space<hbm>> -> memref<1x1x10416xf32, #tpu.memory_space<hbm>>
    %dma_start3A_535 = tpu.memref_squeeze %dma_start3A_534 : memref<1x1x10416xf32, #tpu.memory_space<hbm>> -> memref<10416xf32, #tpu.memory_space<hbm>>
    %dma_start3A_536 = tpu.memref_slice %arg2[%dma_start3A_532, %dma_start3A_533, %add3A_531] : memref<1x1x1000000xf32, #tpu.memory_space<hbm>> -> memref<1x1x10416xf32, #tpu.memory_space<hbm>>
    %dma_start3A_537 = tpu.memref_squeeze %dma_start3A_536 : memref<1x1x10416xf32, #tpu.memory_space<hbm>> -> memref<10416xf32, #tpu.memory_space<hbm>>
    tpu.enqueue_dma source(%dma_start3A_537 : memref<10416xf32, #tpu.memory_space<hbm>>) target(%arg9 : memref<10416xf32, #tpu.memory_space<vmem>>) target_semaphore(%arg17 : memref<!tpu.dma_semaphore, #tpu.memory_space<semaphore_mem>>)
    %dma_start3A_538 = tpu.memref_slice %arg3[%add3A_531] : memref<1000000xi32, #tpu.memory_space<hbm>> -> memref<10416xi32, #tpu.memory_space<hbm>>
    %dma_start3A_539 = tpu.memref_slice %arg3[%add3A_531] : memref<1000000xi32, #tpu.memory_space<hbm>> -> memref<10416xi32, #tpu.memory_space<hbm>>
    tpu.enqueue_dma source(%dma_start3A_539 : memref<10416xi32, #tpu.memory_space<hbm>>) target(%arg10 : memref<10416xi32, #tpu.memory_space<vmem>>) target_semaphore(%arg17 : memref<!tpu.dma_semaphore, #tpu.memory_space<semaphore_mem>>)
    %dma_start3A_540 = tpu.memref_slice %arg4[%add3A_531] : memref<1000000xf32, #tpu.memory_space<hbm>> -> memref<10416xf32, #tpu.memory_space<hbm>>
    %dma_start3A_541 = tpu.memref_slice %arg4[%add3A_531] : memref<1000000xf32, #tpu.memory_space<hbm>> -> memref<10416xf32, #tpu.memory_space<hbm>>
    tpu.enqueue_dma source(%dma_start3A_541 : memref<10416xf32, #tpu.memory_space<hbm>>) target(%arg11 : memref<10416xf32, #tpu.memory_space<vmem>>) target_semaphore(%arg17 : memref<!tpu.dma_semaphore, #tpu.memory_space<semaphore_mem>>)
    %dma_wait3A_542 = arith.constant 0 : i32
    %dma_wait3A_543 = arith.constant 0 : i32
    %dma_wait3A_544 = arith.constant 0 : i32
    %dma_wait3A_545 = tpu.memref_slice %arg2[%dma_wait3A_542, %dma_wait3A_543, %dma_wait3A_544] : memref<1x1x1000000xf32, #tpu.memory_space<hbm>> -> memref<1x1x10416xf32, #tpu.memory_space<hbm>>
    %dma_wait3A_546 = tpu.memref_squeeze %dma_wait3A_545 : memref<1x1x10416xf32, #tpu.memory_space<hbm>> -> memref<10416xf32, #tpu.memory_space<hbm>>
    %dma_wait3A_547 = arith.constant 0 : i32
    %dma_wait3A_548 = tpu.memref_slice %arg2[%dma_wait3A_542, %dma_wait3A_543, %dma_wait3A_547] : memref<1x1x1000000xf32, #tpu.memory_space<hbm>> -> memref<1x1x10416xf32, #tpu.memory_space<hbm>>
    %dma_wait3A_549 = tpu.memref_squeeze %dma_wait3A_548 : memref<1x1x10416xf32, #tpu.memory_space<hbm>> -> memref<10416xf32, #tpu.memory_space<hbm>>
    tpu.wait_dma2 semaphore(%arg16 : memref<!tpu.dma_semaphore, #tpu.memory_space<semaphore_mem>>) src(%dma_wait3A_549 : memref<10416xf32, #tpu.memory_space<hbm>>) dst(%arg6 : memref<10416xf32, #tpu.memory_space<vmem>>)
    %dma_wait3A_550 = arith.constant 0 : i32
    %dma_wait3A_551 = tpu.memref_slice %arg3[%dma_wait3A_550] : memref<1000000xi32, #tpu.memory_space<hbm>> -> memref<10416xi32, #tpu.memory_space<hbm>>
    %dma_wait3A_552 = arith.constant 0 : i32
    %dma_wait3A_553 = tpu.memref_slice %arg3[%dma_wait3A_552] : memref<1000000xi32, #tpu.memory_space<hbm>> -> memref<10416xi32, #tpu.memory_space<hbm>>
    tpu.wait_dma2 semaphore(%arg16 : memref<!tpu.dma_semaphore, #tpu.memory_space<semaphore_mem>>) src(%dma_wait3A_553 : memref<10416xi32, #tpu.memory_space<hbm>>) dst(%arg7 : memref<10416xi32, #tpu.memory_space<vmem>>)
    %dma_wait3A_554 = arith.constant 0 : i32
    %dma_wait3A_555 = tpu.memref_slice %arg4[%dma_wait3A_554] : memref<1000000xf32, #tpu.memory_space<hbm>> -> memref<10416xf32, #tpu.memory_space<hbm>>
    %dma_wait3A_556 = arith.constant 0 : i32
    %dma_wait3A_557 = tpu.memref_slice %arg4[%dma_wait3A_556] : memref<1000000xf32, #tpu.memory_space<hbm>> -> memref<10416xf32, #tpu.memory_space<hbm>>
    tpu.wait_dma2 semaphore(%arg16 : memref<!tpu.dma_semaphore, #tpu.memory_space<semaphore_mem>>) src(%dma_wait3A_557 : memref<10416xf32, #tpu.memory_space<hbm>>) dst(%arg8 : memref<10416xf32, #tpu.memory_space<vmem>>)
    %parallel_loop3A_558 = arith.constant 0 : i32
    %parallel_loop3A_559 = arith.constant 10368 : i32
    %parallel_loop3A_560 = arith.constant 64 : i32
    %parallel_loop3A_561:8 = scf.for %parallel_loop3A_801 = %parallel_loop3A_558 to %parallel_loop3A_559 step %parallel_loop3A_560 iter_args(%parallel_loop3A_802 = %add3A_528, %parallel_loop3A_803 = %parallel_loop3A_430#1, %parallel_loop3A_804 = %parallel_loop3A_430#2, %parallel_loop3A_805 = %parallel_loop3A_430#3, %parallel_loop3A_806 = %add3A_529, %parallel_loop3A_807 = %parallel_loop3A_430#5, %parallel_loop3A_808 = %parallel_loop3A_430#6, %parallel_loop3A_809 = %parallel_loop3A_430#7) -> (vector<16xf32>, vector<16xf32>, vector<16xf32>, vector<16xf32>, vector<16xf32>, vector<16xf32>, vector<16xf32>, vector<16xf32>)  : i32 {
      %parallel_loop3A_810 = arith.constant 0 : i32
      %parallel_loop3A_811 = arith.addi %parallel_loop3A_801, %parallel_loop3A_810 : i32
      %parallel_loop3A_812 = arith.index_cast %parallel_loop3A_811 : i32 to index
      %parallel_loop3A_813 = tpu.vector_load %arg6[%parallel_loop3A_812] {strides = array<i32>} : memref<10416xf32, #tpu.memory_space<vmem>>, vector<16xf32>,
      %parallel_loop3A_814 = arith.constant 0 : i32
      %parallel_loop3A_815 = arith.addi %parallel_loop3A_801, %parallel_loop3A_814 : i32
      %parallel_loop3A_816 = arith.index_cast %parallel_loop3A_815 : i32 to index
      %parallel_loop3A_817 = tpu.vector_load %arg8[%parallel_loop3A_816] {strides = array<i32>} : memref<10416xf32, #tpu.memory_space<vmem>>, vector<16xf32>,
      %parallel_loop3A_818 = arith.constant 0 : i32
      %parallel_loop3A_819 = arith.addi %parallel_loop3A_801, %parallel_loop3A_818 : i32
      %parallel_loop3A_820 = arith.index_cast %parallel_loop3A_819 : i32 to index
      %parallel_loop3A_821 = tpu.vector_load %arg7[%parallel_loop3A_820] {strides = array<i32>} : memref<10416xi32, #tpu.memory_space<vmem>>, vector<16xi32>,
      %parallel_loop3A_822 = arith.subf %parallel_loop3A_813, %parallel_loop3A_817 : vector<16xf32>
      %parallel_loop3A_823 = math.absf %parallel_loop3A_822 : vector<16xf32>
      %parallel_loop3A_824 = arith.constant 1.000000e+00 : f32
      %parallel_loop3A_825 = vector.broadcast %parallel_loop3A_824 : f32 to vector<16xf32>
      %parallel_loop3A_826 = arith.cmpf olt, %parallel_loop3A_823, %parallel_loop3A_825 : vector<16xf32>
      %parallel_loop3A_827 = arith.constant 5.000000e-01 : f32
      %parallel_loop3A_828 = vector.broadcast %parallel_loop3A_827 : f32 to vector<16xf32>
      %parallel_loop3A_829 = arith.mulf %parallel_loop3A_828, %parallel_loop3A_822 : vector<16xf32>
      %parallel_loop3A_830 = arith.mulf %parallel_loop3A_829, %parallel_loop3A_822 : vector<16xf32>
      %parallel_loop3A_831 = arith.constant 5.000000e-01 : f32
      %parallel_loop3A_832 = vector.broadcast %parallel_loop3A_831 : f32 to vector<16xf32>
      %parallel_loop3A_833 = arith.subf %parallel_loop3A_823, %parallel_loop3A_832 : vector<16xf32>
      %parallel_loop3A_834 = arith.select %parallel_loop3A_826, %parallel_loop3A_830, %parallel_loop3A_833 : vector<16xi1>, vector<16xf32>
      %parallel_loop3A_835 = math.absi %parallel_loop3A_821 : vector<16xi32>
      %parallel_loop3A_836 = arith.constant 1 : i32
      %parallel_loop3A_837 = vector.broadcast %parallel_loop3A_836 : i32 to vector<16xi32>
      %parallel_loop3A_838 = arith.cmpi eq, %parallel_loop3A_835, %parallel_loop3A_837 : vector<16xi32>
      %parallel_loop3A_839 = arith.constant 0.000000e+00 : f32
      %parallel_loop3A_840 = vector.broadcast %parallel_loop3A_839 : f32 to vector<16xf32>
      %parallel_loop3A_841 = arith.select %parallel_loop3A_838, %parallel_loop3A_834, %parallel_loop3A_840 : vector<16xi1>, vector<16xf32>
      %parallel_loop3A_842 = arith.constant 1.000000e+00 : f32
      %parallel_loop3A_843 = arith.constant 0.000000e+00 : f32
      %parallel_loop3A_844 = vector.broadcast %parallel_loop3A_842 : f32 to vector<16xf32>
      %parallel_loop3A_845 = vector.broadcast %parallel_loop3A_843 : f32 to vector<16xf32>
      %parallel_loop3A_846 = arith.select %parallel_loop3A_838, %parallel_loop3A_844, %parallel_loop3A_845 : vector<16xi1>, vector<16xf32>
      %parallel_loop3A_847 = arith.addf %parallel_loop3A_802, %parallel_loop3A_841 : vector<16xf32>
      %parallel_loop3A_848 = arith.addf %parallel_loop3A_806, %parallel_loop3A_846 : vector<16xf32>
      %parallel_loop3A_849 = arith.constant 16 : i32
      %parallel_loop3A_850 = arith.addi %parallel_loop3A_801, %parallel_loop3A_849 : i32
      %parallel_loop3A_851 = arith.index_cast %parallel_loop3A_850 : i32 to index
      %parallel_loop3A_852 = tpu.vector_load %arg6[%parallel_loop3A_851] {strides = array<i32>} : memref<10416xf32, #tpu.memory_space<vmem>>, vector<16xf32>,
      %parallel_loop3A_853 = arith.constant 16 : i32
      %parallel_loop3A_854 = arith.addi %parallel_loop3A_801, %parallel_loop3A_853 : i32
      %parallel_loop3A_855 = arith.index_cast %parallel_loop3A_854 : i32 to index
      %parallel_loop3A_856 = tpu.vector_load %arg8[%parallel_loop3A_855] {strides = array<i32>} : memref<10416xf32, #tpu.memory_space<vmem>>, vector<16xf32>,
      %parallel_loop3A_857 = arith.constant 16 : i32
      %parallel_loop3A_858 = arith.addi %parallel_loop3A_801, %parallel_loop3A_857 : i32
      %parallel_loop3A_859 = arith.index_cast %parallel_loop3A_858 : i32 to index
      %parallel_loop3A_860 = tpu.vector_load %arg7[%parallel_loop3A_859] {strides = array<i32>} : memref<10416xi32, #tpu.memory_space<vmem>>, vector<16xi32>,
      %parallel_loop3A_861 = arith.subf %parallel_loop3A_852, %parallel_loop3A_856 : vector<16xf32>
      %parallel_loop3A_862 = math.absf %parallel_loop3A_861 : vector<16xf32>
      %parallel_loop3A_863 = arith.constant 1.000000e+00 : f32
      %parallel_loop3A_864 = vector.broadcast %parallel_loop3A_863 : f32 to vector<16xf32>
      %parallel_loop3A_865 = arith.cmpf olt, %parallel_loop3A_862, %parallel_loop3A_864 : vector<16xf32>
      %parallel_loop3A_866 = arith.constant 5.000000e-01 : f32
      %parallel_loop3A_867 = vector.broadcast %parallel_loop3A_866 : f32 to vector<16xf32>
      %parallel_loop3A_868 = arith.mulf %parallel_loop3A_867, %parallel_loop3A_861 : vector<16xf32>
      %parallel_loop3A_869 = arith.mulf %parallel_loop3A_868, %parallel_loop3A_861 : vector<16xf32>
      %parallel_loop3A_870 = arith.constant 5.000000e-01 : f32
      %parallel_loop3A_871 = vector.broadcast %parallel_loop3A_870 : f32 to vector<16xf32>
      %parallel_loop3A_872 = arith.subf %parallel_loop3A_862, %parallel_loop3A_871 : vector<16xf32>
      %parallel_loop3A_873 = arith.select %parallel_loop3A_865, %parallel_loop3A_869, %parallel_loop3A_872 : vector<16xi1>, vector<16xf32>
      %parallel_loop3A_874 = math.absi %parallel_loop3A_860 : vector<16xi32>
      %parallel_loop3A_875 = arith.constant 1 : i32
      %parallel_loop3A_876 = vector.broadcast %parallel_loop3A_875 : i32 to vector<16xi32>
      %parallel_loop3A_877 = arith.cmpi eq, %parallel_loop3A_874, %parallel_loop3A_876 : vector<16xi32>
      %parallel_loop3A_878 = arith.constant 0.000000e+00 : f32
      %parallel_loop3A_879 = vector.broadcast %parallel_loop3A_878 : f32 to vector<16xf32>
      %parallel_loop3A_880 = arith.select %parallel_loop3A_877, %parallel_loop3A_873, %parallel_loop3A_879 : vector<16xi1>, vector<16xf32>
      %parallel_loop3A_881 = arith.constant 1.000000e+00 : f32
      %parallel_loop3A_882 = arith.constant 0.000000e+00 : f32
      %parallel_loop3A_883 = vector.broadcast %parallel_loop3A_881 : f32 to vector<16xf32>
      %parallel_loop3A_884 = vector.broadcast %parallel_loop3A_882 : f32 to vector<16xf32>
      %parallel_loop3A_885 = arith.select %parallel_loop3A_877, %parallel_loop3A_883, %parallel_loop3A_884 : vector<16xi1>, vector<16xf32>
      %parallel_loop3A_886 = arith.addf %parallel_loop3A_803, %parallel_loop3A_880 : vector<16xf32>
      %parallel_loop3A_887 = arith.addf %parallel_loop3A_807, %parallel_loop3A_885 : vector<16xf32>
      %parallel_loop3A_888 = arith.constant 32 : i32
      %parallel_loop3A_889 = arith.addi %parallel_loop3A_801, %parallel_loop3A_888 : i32
      %parallel_loop3A_890 = arith.index_cast %parallel_loop3A_889 : i32 to index
      %parallel_loop3A_891 = tpu.vector_load %arg6[%parallel_loop3A_890] {strides = array<i32>} : memref<10416xf32, #tpu.memory_space<vmem>>, vector<16xf32>,
      %parallel_loop3A_892 = arith.constant 32 : i32
      %parallel_loop3A_893 = arith.addi %parallel_loop3A_801, %parallel_loop3A_892 : i32
      %parallel_loop3A_894 = arith.index_cast %parallel_loop3A_893 : i32 to index
      %parallel_loop3A_895 = tpu.vector_load %arg8[%parallel_loop3A_894] {strides = array<i32>} : memref<10416xf32, #tpu.memory_space<vmem>>, vector<16xf32>,
      %parallel_loop3A_896 = arith.constant 32 : i32
      %parallel_loop3A_897 = arith.addi %parallel_loop3A_801, %parallel_loop3A_896 : i32
      %parallel_loop3A_898 = arith.index_cast %parallel_loop3A_897 : i32 to index
      %parallel_loop3A_899 = tpu.vector_load %arg7[%parallel_loop3A_898] {strides = array<i32>} : memref<10416xi32, #tpu.memory_space<vmem>>, vector<16xi32>,
      %parallel_loop3A_900 = arith.subf %parallel_loop3A_891, %parallel_loop3A_895 : vector<16xf32>
      %parallel_loop3A_901 = math.absf %parallel_loop3A_900 : vector<16xf32>
      %parallel_loop3A_902 = arith.constant 1.000000e+00 : f32
      %parallel_loop3A_903 = vector.broadcast %parallel_loop3A_902 : f32 to vector<16xf32>
      %parallel_loop3A_904 = arith.cmpf olt, %parallel_loop3A_901, %parallel_loop3A_903 : vector<16xf32>
      %parallel_loop3A_905 = arith.constant 5.000000e-01 : f32
      %parallel_loop3A_906 = vector.broadcast %parallel_loop3A_905 : f32 to vector<16xf32>
      %parallel_loop3A_907 = arith.mulf %parallel_loop3A_906, %parallel_loop3A_900 : vector<16xf32>
      %parallel_loop3A_908 = arith.mulf %parallel_loop3A_907, %parallel_loop3A_900 : vector<16xf32>
      %parallel_loop3A_909 = arith.constant 5.000000e-01 : f32
      %parallel_loop3A_910 = vector.broadcast %parallel_loop3A_909 : f32 to vector<16xf32>
      %parallel_loop3A_911 = arith.subf %parallel_loop3A_901, %parallel_loop3A_910 : vector<16xf32>
      %parallel_loop3A_912 = arith.select %parallel_loop3A_904, %parallel_loop3A_908, %parallel_loop3A_911 : vector<16xi1>, vector<16xf32>
      %parallel_loop3A_913 = math.absi %parallel_loop3A_899 : vector<16xi32>
      %parallel_loop3A_914 = arith.constant 1 : i32
      %parallel_loop3A_915 = vector.broadcast %parallel_loop3A_914 : i32 to vector<16xi32>
      %parallel_loop3A_916 = arith.cmpi eq, %parallel_loop3A_913, %parallel_loop3A_915 : vector<16xi32>
      %parallel_loop3A_917 = arith.constant 0.000000e+00 : f32
      %parallel_loop3A_918 = vector.broadcast %parallel_loop3A_917 : f32 to vector<16xf32>
      %parallel_loop3A_919 = arith.select %parallel_loop3A_916, %parallel_loop3A_912, %parallel_loop3A_918 : vector<16xi1>, vector<16xf32>
      %parallel_loop3A_920 = arith.constant 1.000000e+00 : f32
      %parallel_loop3A_921 = arith.constant 0.000000e+00 : f32
      %parallel_loop3A_922 = vector.broadcast %parallel_loop3A_920 : f32 to vector<16xf32>
      %parallel_loop3A_923 = vector.broadcast %parallel_loop3A_921 : f32 to vector<16xf32>
      %parallel_loop3A_924 = arith.select %parallel_loop3A_916, %parallel_loop3A_922, %parallel_loop3A_923 : vector<16xi1>, vector<16xf32>
      %parallel_loop3A_925 = arith.addf %parallel_loop3A_804, %parallel_loop3A_919 : vector<16xf32>
      %parallel_loop3A_926 = arith.addf %parallel_loop3A_808, %parallel_loop3A_924 : vector<16xf32>
      %parallel_loop3A_927 = arith.constant 48 : i32
      %parallel_loop3A_928 = arith.addi %parallel_loop3A_801, %parallel_loop3A_927 : i32
      %parallel_loop3A_929 = arith.index_cast %parallel_loop3A_928 : i32 to index
      %parallel_loop3A_930 = tpu.vector_load %arg6[%parallel_loop3A_929] {strides = array<i32>} : memref<10416xf32, #tpu.memory_space<vmem>>, vector<16xf32>,
      %parallel_loop3A_931 = arith.constant 48 : i32
      %parallel_loop3A_932 = arith.addi %parallel_loop3A_801, %parallel_loop3A_931 : i32
      %parallel_loop3A_933 = arith.index_cast %parallel_loop3A_932 : i32 to index
      %parallel_loop3A_934 = tpu.vector_load %arg8[%parallel_loop3A_933] {strides = array<i32>} : memref<10416xf32, #tpu.memory_space<vmem>>, vector<16xf32>,
      %parallel_loop3A_935 = arith.constant 48 : i32
      %parallel_loop3A_936 = arith.addi %parallel_loop3A_801, %parallel_loop3A_935 : i32
      %parallel_loop3A_937 = arith.index_cast %parallel_loop3A_936 : i32 to index
      %parallel_loop3A_938 = tpu.vector_load %arg7[%parallel_loop3A_937] {strides = array<i32>} : memref<10416xi32, #tpu.memory_space<vmem>>, vector<16xi32>,
      %parallel_loop3A_939 = arith.subf %parallel_loop3A_930, %parallel_loop3A_934 : vector<16xf32>
      %parallel_loop3A_940 = math.absf %parallel_loop3A_939 : vector<16xf32>
      %parallel_loop3A_941 = arith.constant 1.000000e+00 : f32
      %parallel_loop3A_942 = vector.broadcast %parallel_loop3A_941 : f32 to vector<16xf32>
      %parallel_loop3A_943 = arith.cmpf olt, %parallel_loop3A_940, %parallel_loop3A_942 : vector<16xf32>
      %parallel_loop3A_944 = arith.constant 5.000000e-01 : f32
      %parallel_loop3A_945 = vector.broadcast %parallel_loop3A_944 : f32 to vector<16xf32>
      %parallel_loop3A_946 = arith.mulf %parallel_loop3A_945, %parallel_loop3A_939 : vector<16xf32>
      %parallel_loop3A_947 = arith.mulf %parallel_loop3A_946, %parallel_loop3A_939 : vector<16xf32>
      %parallel_loop3A_948 = arith.constant 5.000000e-01 : f32
      %parallel_loop3A_949 = vector.broadcast %parallel_loop3A_948 : f32 to vector<16xf32>
      %parallel_loop3A_950 = arith.subf %parallel_loop3A_940, %parallel_loop3A_949 : vector<16xf32>
      %parallel_loop3A_951 = arith.select %parallel_loop3A_943, %parallel_loop3A_947, %parallel_loop3A_950 : vector<16xi1>, vector<16xf32>
      %parallel_loop3A_952 = math.absi %parallel_loop3A_938 : vector<16xi32>
      %parallel_loop3A_953 = arith.constant 1 : i32
      %parallel_loop3A_954 = vector.broadcast %parallel_loop3A_953 : i32 to vector<16xi32>
      %parallel_loop3A_955 = arith.cmpi eq, %parallel_loop3A_952, %parallel_loop3A_954 : vector<16xi32>
      %parallel_loop3A_956 = arith.constant 0.000000e+00 : f32
      %parallel_loop3A_957 = vector.broadcast %parallel_loop3A_956 : f32 to vector<16xf32>
      %parallel_loop3A_958 = arith.select %parallel_loop3A_955, %parallel_loop3A_951, %parallel_loop3A_957 : vector<16xi1>, vector<16xf32>
      %parallel_loop3A_959 = arith.constant 1.000000e+00 : f32
      %parallel_loop3A_960 = arith.constant 0.000000e+00 : f32
      %parallel_loop3A_961 = vector.broadcast %parallel_loop3A_959 : f32 to vector<16xf32>
      %parallel_loop3A_962 = vector.broadcast %parallel_loop3A_960 : f32 to vector<16xf32>
      %parallel_loop3A_963 = arith.select %parallel_loop3A_955, %parallel_loop3A_961, %parallel_loop3A_962 : vector<16xi1>, vector<16xf32>
      %parallel_loop3A_964 = arith.addf %parallel_loop3A_805, %parallel_loop3A_958 : vector<16xf32>
      %parallel_loop3A_965 = arith.addf %parallel_loop3A_809, %parallel_loop3A_963 : vector<16xf32>
      scf.yield %parallel_loop3A_847, %parallel_loop3A_886, %parallel_loop3A_925, %parallel_loop3A_964, %parallel_loop3A_848, %parallel_loop3A_887, %parallel_loop3A_926, %parallel_loop3A_965 : vector<16xf32>, vector<16xf32>, vector<16xf32>, vector<16xf32>, vector<16xf32>, vector<16xf32>, vector<16xf32>, vector<16xf32>
    } {sc.loop_unroll_factor = 2 : i64, sc.parallel_access}
    %get3A_562 = arith.constant 10368 : index
    %get3A_563 = tpu.vector_load %arg6[%get3A_562] {strides = array<i32>} : memref<10416xf32, #tpu.memory_space<vmem>>, vector<16xf32>,
    %get3A_564 = arith.constant 10368 : index
    %get3A_565 = tpu.vector_load %arg8[%get3A_564] {strides = array<i32>} : memref<10416xf32, #tpu.memory_space<vmem>>, vector<16xf32>,
    %get3A_566 = arith.constant 10368 : index
    %get3A_567 = tpu.vector_load %arg7[%get3A_566] {strides = array<i32>} : memref<10416xi32, #tpu.memory_space<vmem>>, vector<16xi32>,
    %sub3A_568 = arith.subf %get3A_563, %get3A_565 : vector<16xf32>
    %abs3A_569 = math.absf %sub3A_568 : vector<16xf32>
    %lt3A_570 = arith.constant 1.000000e+00 : f32
    %lt3A_571 = vector.broadcast %lt3A_570 : f32 to vector<16xf32>
    %lt3A_572 = arith.cmpf olt, %abs3A_569, %lt3A_571 : vector<16xf32>
    %mul3A_573 = arith.constant 5.000000e-01 : f32
    %mul3A_574 = vector.broadcast %mul3A_573 : f32 to vector<16xf32>
    %mul3A_575 = arith.mulf %mul3A_574, %sub3A_568 : vector<16xf32>
    %mul3A_576 = arith.mulf %mul3A_575, %sub3A_568 : vector<16xf32>
    %sub3A_577 = arith.constant 5.000000e-01 : f32
    %sub3A_578 = vector.broadcast %sub3A_577 : f32 to vector<16xf32>
    %sub3A_579 = arith.subf %abs3A_569, %sub3A_578 : vector<16xf32>
    %select_n3A_580 = arith.select %lt3A_572, %mul3A_576, %sub3A_579 : vector<16xi1>, vector<16xf32>
    %abs3A_581 = math.absi %get3A_567 : vector<16xi32>
    %eq3A_582 = arith.constant 1 : i32
    %eq3A_583 = vector.broadcast %eq3A_582 : i32 to vector<16xi32>
    %eq3A_584 = arith.cmpi eq, %abs3A_581, %eq3A_583 : vector<16xi32>
    %jit3A_585 = arith.constant 0.000000e+00 : f32
    %broadcast_in_dim3A_586 = vector.broadcast %jit3A_585 : f32 to vector<16xf32>
    %select_n3A_587 = arith.select %eq3A_584, %select_n3A_580, %broadcast_in_dim3A_586 : vector<16xi1>, vector<16xf32>
    %jit3A_588 = arith.constant 1.000000e+00 : f32
    %jit3A_589 = arith.constant 0.000000e+00 : f32
    %broadcast_in_dim3A_590 = vector.broadcast %jit3A_588 : f32 to vector<16xf32>
    %broadcast_in_dim3A_591 = vector.broadcast %jit3A_589 : f32 to vector<16xf32>
    %select_n3A_592 = arith.select %eq3A_584, %broadcast_in_dim3A_590, %broadcast_in_dim3A_591 : vector<16xi1>, vector<16xf32>
    %add3A_593 = arith.addf %parallel_loop3A_561#0, %select_n3A_587 : vector<16xf32>
    %add3A_594 = arith.addf %parallel_loop3A_561#4, %select_n3A_592 : vector<16xf32>
    %get3A_595 = arith.constant 10384 : index
    %get3A_596 = tpu.vector_load %arg6[%get3A_595] {strides = array<i32>} : memref<10416xf32, #tpu.memory_space<vmem>>, vector<16xf32>,
    %get3A_597 = arith.constant 10384 : index
    %get3A_598 = tpu.vector_load %arg8[%get3A_597] {strides = array<i32>} : memref<10416xf32, #tpu.memory_space<vmem>>, vector<16xf32>,
    %get3A_599 = arith.constant 10384 : index
    %get3A_600 = tpu.vector_load %arg7[%get3A_599] {strides = array<i32>} : memref<10416xi32, #tpu.memory_space<vmem>>, vector<16xi32>,
    %sub3A_601 = arith.subf %get3A_596, %get3A_598 : vector<16xf32>
    %abs3A_602 = math.absf %sub3A_601 : vector<16xf32>
    %lt3A_603 = arith.constant 1.000000e+00 : f32
    %lt3A_604 = vector.broadcast %lt3A_603 : f32 to vector<16xf32>
    %lt3A_605 = arith.cmpf olt, %abs3A_602, %lt3A_604 : vector<16xf32>
    %mul3A_606 = arith.constant 5.000000e-01 : f32
    %mul3A_607 = vector.broadcast %mul3A_606 : f32 to vector<16xf32>
    %mul3A_608 = arith.mulf %mul3A_607, %sub3A_601 : vector<16xf32>
    %mul3A_609 = arith.mulf %mul3A_608, %sub3A_601 : vector<16xf32>
    %sub3A_610 = arith.constant 5.000000e-01 : f32
    %sub3A_611 = vector.broadcast %sub3A_610 : f32 to vector<16xf32>
    %sub3A_612 = arith.subf %abs3A_602, %sub3A_611 : vector<16xf32>
    %select_n3A_613 = arith.select %lt3A_605, %mul3A_609, %sub3A_612 : vector<16xi1>, vector<16xf32>
    %abs3A_614 = math.absi %get3A_600 : vector<16xi32>
    %eq3A_615 = arith.constant 1 : i32
    %eq3A_616 = vector.broadcast %eq3A_615 : i32 to vector<16xi32>
    %eq3A_617 = arith.cmpi eq, %abs3A_614, %eq3A_616 : vector<16xi32>
    %jit3A_618 = arith.constant 0.000000e+00 : f32
    %broadcast_in_dim3A_619 = vector.broadcast %jit3A_618 : f32 to vector<16xf32>
    %select_n3A_620 = arith.select %eq3A_617, %select_n3A_613, %broadcast_in_dim3A_619 : vector<16xi1>, vector<16xf32>
    %jit3A_621 = arith.constant 1.000000e+00 : f32
    %jit3A_622 = arith.constant 0.000000e+00 : f32
    %broadcast_in_dim3A_623 = vector.broadcast %jit3A_621 : f32 to vector<16xf32>
    %broadcast_in_dim3A_624 = vector.broadcast %jit3A_622 : f32 to vector<16xf32>
    %select_n3A_625 = arith.select %eq3A_617, %broadcast_in_dim3A_623, %broadcast_in_dim3A_624 : vector<16xi1>, vector<16xf32>
    %add3A_626 = arith.addf %add3A_593, %select_n3A_620 : vector<16xf32>
    %add3A_627 = arith.addf %add3A_594, %select_n3A_625 : vector<16xf32>
    %get3A_628 = arith.constant 10400 : index
    %get3A_629 = tpu.vector_load %arg6[%get3A_628] {strides = array<i32>} : memref<10416xf32, #tpu.memory_space<vmem>>, vector<16xf32>,
    %get3A_630 = arith.constant 10400 : index
    %get3A_631 = tpu.vector_load %arg8[%get3A_630] {strides = array<i32>} : memref<10416xf32, #tpu.memory_space<vmem>>, vector<16xf32>,
    %get3A_632 = arith.constant 10400 : index
    %get3A_633 = tpu.vector_load %arg7[%get3A_632] {strides = array<i32>} : memref<10416xi32, #tpu.memory_space<vmem>>, vector<16xi32>,
    %sub3A_634 = arith.subf %get3A_629, %get3A_631 : vector<16xf32>
    %abs3A_635 = math.absf %sub3A_634 : vector<16xf32>
    %lt3A_636 = arith.constant 1.000000e+00 : f32
    %lt3A_637 = vector.broadcast %lt3A_636 : f32 to vector<16xf32>
    %lt3A_638 = arith.cmpf olt, %abs3A_635, %lt3A_637 : vector<16xf32>
    %mul3A_639 = arith.constant 5.000000e-01 : f32
    %mul3A_640 = vector.broadcast %mul3A_639 : f32 to vector<16xf32>
    %mul3A_641 = arith.mulf %mul3A_640, %sub3A_634 : vector<16xf32>
    %mul3A_642 = arith.mulf %mul3A_641, %sub3A_634 : vector<16xf32>
    %sub3A_643 = arith.constant 5.000000e-01 : f32
    %sub3A_644 = vector.broadcast %sub3A_643 : f32 to vector<16xf32>
    %sub3A_645 = arith.subf %abs3A_635, %sub3A_644 : vector<16xf32>
    %select_n3A_646 = arith.select %lt3A_638, %mul3A_642, %sub3A_645 : vector<16xi1>, vector<16xf32>
    %abs3A_647 = math.absi %get3A_633 : vector<16xi32>
    %eq3A_648 = arith.constant 1 : i32
    %eq3A_649 = vector.broadcast %eq3A_648 : i32 to vector<16xi32>
    %eq3A_650 = arith.cmpi eq, %abs3A_647, %eq3A_649 : vector<16xi32>
    %jit3A_651 = arith.constant 0.000000e+00 : f32
    %broadcast_in_dim3A_652 = vector.broadcast %jit3A_651 : f32 to vector<16xf32>
    %select_n3A_653 = arith.select %eq3A_650, %select_n3A_646, %broadcast_in_dim3A_652 : vector<16xi1>, vector<16xf32>
    %jit3A_654 = arith.constant 1.000000e+00 : f32
    %jit3A_655 = arith.constant 0.000000e+00 : f32
    %broadcast_in_dim3A_656 = vector.broadcast %jit3A_654 : f32 to vector<16xf32>
    %broadcast_in_dim3A_657 = vector.broadcast %jit3A_655 : f32 to vector<16xf32>
    %select_n3A_658 = arith.select %eq3A_650, %broadcast_in_dim3A_656, %broadcast_in_dim3A_657 : vector<16xi1>, vector<16xf32>
    %add3A_659 = arith.addf %add3A_626, %select_n3A_653 : vector<16xf32>
    %add3A_660 = arith.addf %add3A_627, %select_n3A_658 : vector<16xf32>
    %dma_wait3A_661 = arith.constant 0 : i32
    %dma_wait3A_662 = arith.constant 0 : i32
    %dma_wait3A_663 = arith.constant 0 : i32
    %dma_wait3A_664 = tpu.memref_slice %arg2[%dma_wait3A_661, %dma_wait3A_662, %dma_wait3A_663] : memref<1x1x1000000xf32, #tpu.memory_space<hbm>> -> memref<1x1x10416xf32, #tpu.memory_space<hbm>>
    %dma_wait3A_665 = tpu.memref_squeeze %dma_wait3A_664 : memref<1x1x10416xf32, #tpu.memory_space<hbm>> -> memref<10416xf32, #tpu.memory_space<hbm>>
    %dma_wait3A_666 = arith.constant 0 : i32
    %dma_wait3A_667 = tpu.memref_slice %arg2[%dma_wait3A_661, %dma_wait3A_662, %dma_wait3A_666] : memref<1x1x1000000xf32, #tpu.memory_space<hbm>> -> memref<1x1x10416xf32, #tpu.memory_space<hbm>>
    %dma_wait3A_668 = tpu.memref_squeeze %dma_wait3A_667 : memref<1x1x10416xf32, #tpu.memory_space<hbm>> -> memref<10416xf32, #tpu.memory_space<hbm>>
    tpu.wait_dma2 semaphore(%arg17 : memref<!tpu.dma_semaphore, #tpu.memory_space<semaphore_mem>>) src(%dma_wait3A_668 : memref<10416xf32, #tpu.memory_space<hbm>>) dst(%arg9 : memref<10416xf32, #tpu.memory_space<vmem>>)
    %dma_wait3A_669 = arith.constant 0 : i32
    %dma_wait3A_670 = tpu.memref_slice %arg3[%dma_wait3A_669] : memref<1000000xi32, #tpu.memory_space<hbm>> -> memref<10416xi32, #tpu.memory_space<hbm>>
    %dma_wait3A_671 = arith.constant 0 : i32
    %dma_wait3A_672 = tpu.memref_slice %arg3[%dma_wait3A_671] : memref<1000000xi32, #tpu.memory_space<hbm>> -> memref<10416xi32, #tpu.memory_space<hbm>>
    tpu.wait_dma2 semaphore(%arg17 : memref<!tpu.dma_semaphore, #tpu.memory_space<semaphore_mem>>) src(%dma_wait3A_672 : memref<10416xi32, #tpu.memory_space<hbm>>) dst(%arg10 : memref<10416xi32, #tpu.memory_space<vmem>>)
    %dma_wait3A_673 = arith.constant 0 : i32
    %dma_wait3A_674 = tpu.memref_slice %arg4[%dma_wait3A_673] : memref<1000000xf32, #tpu.memory_space<hbm>> -> memref<10416xf32, #tpu.memory_space<hbm>>
    %dma_wait3A_675 = arith.constant 0 : i32
    %dma_wait3A_676 = tpu.memref_slice %arg4[%dma_wait3A_675] : memref<1000000xf32, #tpu.memory_space<hbm>> -> memref<10416xf32, #tpu.memory_space<hbm>>
    tpu.wait_dma2 semaphore(%arg17 : memref<!tpu.dma_semaphore, #tpu.memory_space<semaphore_mem>>) src(%dma_wait3A_676 : memref<10416xf32, #tpu.memory_space<hbm>>) dst(%arg11 : memref<10416xf32, #tpu.memory_space<vmem>>)
    %parallel_loop3A_677 = arith.constant 0 : i32
    %parallel_loop3A_678 = arith.constant 10368 : i32
    %parallel_loop3A_679 = arith.constant 64 : i32
    %parallel_loop3A_680:8 = scf.for %parallel_loop3A_801 = %parallel_loop3A_677 to %parallel_loop3A_678 step %parallel_loop3A_679 iter_args(%parallel_loop3A_802 = %add3A_659, %parallel_loop3A_803 = %parallel_loop3A_561#1, %parallel_loop3A_804 = %parallel_loop3A_561#2, %parallel_loop3A_805 = %parallel_loop3A_561#3, %parallel_loop3A_806 = %add3A_660, %parallel_loop3A_807 = %parallel_loop3A_561#5, %parallel_loop3A_808 = %parallel_loop3A_561#6, %parallel_loop3A_809 = %parallel_loop3A_561#7) -> (vector<16xf32>, vector<16xf32>, vector<16xf32>, vector<16xf32>, vector<16xf32>, vector<16xf32>, vector<16xf32>, vector<16xf32>)  : i32 {
      %parallel_loop3A_810 = arith.constant 0 : i32
      %parallel_loop3A_811 = arith.addi %parallel_loop3A_801, %parallel_loop3A_810 : i32
      %parallel_loop3A_812 = arith.index_cast %parallel_loop3A_811 : i32 to index
      %parallel_loop3A_813 = tpu.vector_load %arg9[%parallel_loop3A_812] {strides = array<i32>} : memref<10416xf32, #tpu.memory_space<vmem>>, vector<16xf32>,
      %parallel_loop3A_814 = arith.constant 0 : i32
      %parallel_loop3A_815 = arith.addi %parallel_loop3A_801, %parallel_loop3A_814 : i32
      %parallel_loop3A_816 = arith.index_cast %parallel_loop3A_815 : i32 to index
      %parallel_loop3A_817 = tpu.vector_load %arg11[%parallel_loop3A_816] {strides = array<i32>} : memref<10416xf32, #tpu.memory_space<vmem>>, vector<16xf32>,
      %parallel_loop3A_818 = arith.constant 0 : i32
      %parallel_loop3A_819 = arith.addi %parallel_loop3A_801, %parallel_loop3A_818 : i32
      %parallel_loop3A_820 = arith.index_cast %parallel_loop3A_819 : i32 to index
      %parallel_loop3A_821 = tpu.vector_load %arg10[%parallel_loop3A_820] {strides = array<i32>} : memref<10416xi32, #tpu.memory_space<vmem>>, vector<16xi32>,
      %parallel_loop3A_822 = arith.subf %parallel_loop3A_813, %parallel_loop3A_817 : vector<16xf32>
      %parallel_loop3A_823 = math.absf %parallel_loop3A_822 : vector<16xf32>
      %parallel_loop3A_824 = arith.constant 1.000000e+00 : f32
      %parallel_loop3A_825 = vector.broadcast %parallel_loop3A_824 : f32 to vector<16xf32>
      %parallel_loop3A_826 = arith.cmpf olt, %parallel_loop3A_823, %parallel_loop3A_825 : vector<16xf32>
      %parallel_loop3A_827 = arith.constant 5.000000e-01 : f32
      %parallel_loop3A_828 = vector.broadcast %parallel_loop3A_827 : f32 to vector<16xf32>
      %parallel_loop3A_829 = arith.mulf %parallel_loop3A_828, %parallel_loop3A_822 : vector<16xf32>
      %parallel_loop3A_830 = arith.mulf %parallel_loop3A_829, %parallel_loop3A_822 : vector<16xf32>
      %parallel_loop3A_831 = arith.constant 5.000000e-01 : f32
      %parallel_loop3A_832 = vector.broadcast %parallel_loop3A_831 : f32 to vector<16xf32>
      %parallel_loop3A_833 = arith.subf %parallel_loop3A_823, %parallel_loop3A_832 : vector<16xf32>
      %parallel_loop3A_834 = arith.select %parallel_loop3A_826, %parallel_loop3A_830, %parallel_loop3A_833 : vector<16xi1>, vector<16xf32>
      %parallel_loop3A_835 = math.absi %parallel_loop3A_821 : vector<16xi32>
      %parallel_loop3A_836 = arith.constant 1 : i32
      %parallel_loop3A_837 = vector.broadcast %parallel_loop3A_836 : i32 to vector<16xi32>
      %parallel_loop3A_838 = arith.cmpi eq, %parallel_loop3A_835, %parallel_loop3A_837 : vector<16xi32>
      %parallel_loop3A_839 = arith.constant 0.000000e+00 : f32
      %parallel_loop3A_840 = vector.broadcast %parallel_loop3A_839 : f32 to vector<16xf32>
      %parallel_loop3A_841 = arith.select %parallel_loop3A_838, %parallel_loop3A_834, %parallel_loop3A_840 : vector<16xi1>, vector<16xf32>
      %parallel_loop3A_842 = arith.constant 1.000000e+00 : f32
      %parallel_loop3A_843 = arith.constant 0.000000e+00 : f32
      %parallel_loop3A_844 = vector.broadcast %parallel_loop3A_842 : f32 to vector<16xf32>
      %parallel_loop3A_845 = vector.broadcast %parallel_loop3A_843 : f32 to vector<16xf32>
      %parallel_loop3A_846 = arith.select %parallel_loop3A_838, %parallel_loop3A_844, %parallel_loop3A_845 : vector<16xi1>, vector<16xf32>
      %parallel_loop3A_847 = arith.addf %parallel_loop3A_802, %parallel_loop3A_841 : vector<16xf32>
      %parallel_loop3A_848 = arith.addf %parallel_loop3A_806, %parallel_loop3A_846 : vector<16xf32>
      %parallel_loop3A_849 = arith.constant 16 : i32
      %parallel_loop3A_850 = arith.addi %parallel_loop3A_801, %parallel_loop3A_849 : i32
      %parallel_loop3A_851 = arith.index_cast %parallel_loop3A_850 : i32 to index
      %parallel_loop3A_852 = tpu.vector_load %arg9[%parallel_loop3A_851] {strides = array<i32>} : memref<10416xf32, #tpu.memory_space<vmem>>, vector<16xf32>,
      %parallel_loop3A_853 = arith.constant 16 : i32
      %parallel_loop3A_854 = arith.addi %parallel_loop3A_801, %parallel_loop3A_853 : i32
      %parallel_loop3A_855 = arith.index_cast %parallel_loop3A_854 : i32 to index
      %parallel_loop3A_856 = tpu.vector_load %arg11[%parallel_loop3A_855] {strides = array<i32>} : memref<10416xf32, #tpu.memory_space<vmem>>, vector<16xf32>,
      %parallel_loop3A_857 = arith.constant 16 : i32
      %parallel_loop3A_858 = arith.addi %parallel_loop3A_801, %parallel_loop3A_857 : i32
      %parallel_loop3A_859 = arith.index_cast %parallel_loop3A_858 : i32 to index
      %parallel_loop3A_860 = tpu.vector_load %arg10[%parallel_loop3A_859] {strides = array<i32>} : memref<10416xi32, #tpu.memory_space<vmem>>, vector<16xi32>,
      %parallel_loop3A_861 = arith.subf %parallel_loop3A_852, %parallel_loop3A_856 : vector<16xf32>
      %parallel_loop3A_862 = math.absf %parallel_loop3A_861 : vector<16xf32>
      %parallel_loop3A_863 = arith.constant 1.000000e+00 : f32
      %parallel_loop3A_864 = vector.broadcast %parallel_loop3A_863 : f32 to vector<16xf32>
      %parallel_loop3A_865 = arith.cmpf olt, %parallel_loop3A_862, %parallel_loop3A_864 : vector<16xf32>
      %parallel_loop3A_866 = arith.constant 5.000000e-01 : f32
      %parallel_loop3A_867 = vector.broadcast %parallel_loop3A_866 : f32 to vector<16xf32>
      %parallel_loop3A_868 = arith.mulf %parallel_loop3A_867, %parallel_loop3A_861 : vector<16xf32>
      %parallel_loop3A_869 = arith.mulf %parallel_loop3A_868, %parallel_loop3A_861 : vector<16xf32>
      %parallel_loop3A_870 = arith.constant 5.000000e-01 : f32
      %parallel_loop3A_871 = vector.broadcast %parallel_loop3A_870 : f32 to vector<16xf32>
      %parallel_loop3A_872 = arith.subf %parallel_loop3A_862, %parallel_loop3A_871 : vector<16xf32>
      %parallel_loop3A_873 = arith.select %parallel_loop3A_865, %parallel_loop3A_869, %parallel_loop3A_872 : vector<16xi1>, vector<16xf32>
      %parallel_loop3A_874 = math.absi %parallel_loop3A_860 : vector<16xi32>
      %parallel_loop3A_875 = arith.constant 1 : i32
      %parallel_loop3A_876 = vector.broadcast %parallel_loop3A_875 : i32 to vector<16xi32>
      %parallel_loop3A_877 = arith.cmpi eq, %parallel_loop3A_874, %parallel_loop3A_876 : vector<16xi32>
      %parallel_loop3A_878 = arith.constant 0.000000e+00 : f32
      %parallel_loop3A_879 = vector.broadcast %parallel_loop3A_878 : f32 to vector<16xf32>
      %parallel_loop3A_880 = arith.select %parallel_loop3A_877, %parallel_loop3A_873, %parallel_loop3A_879 : vector<16xi1>, vector<16xf32>
      %parallel_loop3A_881 = arith.constant 1.000000e+00 : f32
      %parallel_loop3A_882 = arith.constant 0.000000e+00 : f32
      %parallel_loop3A_883 = vector.broadcast %parallel_loop3A_881 : f32 to vector<16xf32>
      %parallel_loop3A_884 = vector.broadcast %parallel_loop3A_882 : f32 to vector<16xf32>
      %parallel_loop3A_885 = arith.select %parallel_loop3A_877, %parallel_loop3A_883, %parallel_loop3A_884 : vector<16xi1>, vector<16xf32>
      %parallel_loop3A_886 = arith.addf %parallel_loop3A_803, %parallel_loop3A_880 : vector<16xf32>
      %parallel_loop3A_887 = arith.addf %parallel_loop3A_807, %parallel_loop3A_885 : vector<16xf32>
      %parallel_loop3A_888 = arith.constant 32 : i32
      %parallel_loop3A_889 = arith.addi %parallel_loop3A_801, %parallel_loop3A_888 : i32
      %parallel_loop3A_890 = arith.index_cast %parallel_loop3A_889 : i32 to index
      %parallel_loop3A_891 = tpu.vector_load %arg9[%parallel_loop3A_890] {strides = array<i32>} : memref<10416xf32, #tpu.memory_space<vmem>>, vector<16xf32>,
      %parallel_loop3A_892 = arith.constant 32 : i32
      %parallel_loop3A_893 = arith.addi %parallel_loop3A_801, %parallel_loop3A_892 : i32
      %parallel_loop3A_894 = arith.index_cast %parallel_loop3A_893 : i32 to index
      %parallel_loop3A_895 = tpu.vector_load %arg11[%parallel_loop3A_894] {strides = array<i32>} : memref<10416xf32, #tpu.memory_space<vmem>>, vector<16xf32>,
      %parallel_loop3A_896 = arith.constant 32 : i32
      %parallel_loop3A_897 = arith.addi %parallel_loop3A_801, %parallel_loop3A_896 : i32
      %parallel_loop3A_898 = arith.index_cast %parallel_loop3A_897 : i32 to index
      %parallel_loop3A_899 = tpu.vector_load %arg10[%parallel_loop3A_898] {strides = array<i32>} : memref<10416xi32, #tpu.memory_space<vmem>>, vector<16xi32>,
      %parallel_loop3A_900 = arith.subf %parallel_loop3A_891, %parallel_loop3A_895 : vector<16xf32>
      %parallel_loop3A_901 = math.absf %parallel_loop3A_900 : vector<16xf32>
      %parallel_loop3A_902 = arith.constant 1.000000e+00 : f32
      %parallel_loop3A_903 = vector.broadcast %parallel_loop3A_902 : f32 to vector<16xf32>
      %parallel_loop3A_904 = arith.cmpf olt, %parallel_loop3A_901, %parallel_loop3A_903 : vector<16xf32>
      %parallel_loop3A_905 = arith.constant 5.000000e-01 : f32
      %parallel_loop3A_906 = vector.broadcast %parallel_loop3A_905 : f32 to vector<16xf32>
      %parallel_loop3A_907 = arith.mulf %parallel_loop3A_906, %parallel_loop3A_900 : vector<16xf32>
      %parallel_loop3A_908 = arith.mulf %parallel_loop3A_907, %parallel_loop3A_900 : vector<16xf32>
      %parallel_loop3A_909 = arith.constant 5.000000e-01 : f32
      %parallel_loop3A_910 = vector.broadcast %parallel_loop3A_909 : f32 to vector<16xf32>
      %parallel_loop3A_911 = arith.subf %parallel_loop3A_901, %parallel_loop3A_910 : vector<16xf32>
      %parallel_loop3A_912 = arith.select %parallel_loop3A_904, %parallel_loop3A_908, %parallel_loop3A_911 : vector<16xi1>, vector<16xf32>
      %parallel_loop3A_913 = math.absi %parallel_loop3A_899 : vector<16xi32>
      %parallel_loop3A_914 = arith.constant 1 : i32
      %parallel_loop3A_915 = vector.broadcast %parallel_loop3A_914 : i32 to vector<16xi32>
      %parallel_loop3A_916 = arith.cmpi eq, %parallel_loop3A_913, %parallel_loop3A_915 : vector<16xi32>
      %parallel_loop3A_917 = arith.constant 0.000000e+00 : f32
      %parallel_loop3A_918 = vector.broadcast %parallel_loop3A_917 : f32 to vector<16xf32>
      %parallel_loop3A_919 = arith.select %parallel_loop3A_916, %parallel_loop3A_912, %parallel_loop3A_918 : vector<16xi1>, vector<16xf32>
      %parallel_loop3A_920 = arith.constant 1.000000e+00 : f32
      %parallel_loop3A_921 = arith.constant 0.000000e+00 : f32
      %parallel_loop3A_922 = vector.broadcast %parallel_loop3A_920 : f32 to vector<16xf32>
      %parallel_loop3A_923 = vector.broadcast %parallel_loop3A_921 : f32 to vector<16xf32>
      %parallel_loop3A_924 = arith.select %parallel_loop3A_916, %parallel_loop3A_922, %parallel_loop3A_923 : vector<16xi1>, vector<16xf32>
      %parallel_loop3A_925 = arith.addf %parallel_loop3A_804, %parallel_loop3A_919 : vector<16xf32>
      %parallel_loop3A_926 = arith.addf %parallel_loop3A_808, %parallel_loop3A_924 : vector<16xf32>
      %parallel_loop3A_927 = arith.constant 48 : i32
      %parallel_loop3A_928 = arith.addi %parallel_loop3A_801, %parallel_loop3A_927 : i32
      %parallel_loop3A_929 = arith.index_cast %parallel_loop3A_928 : i32 to index
      %parallel_loop3A_930 = tpu.vector_load %arg9[%parallel_loop3A_929] {strides = array<i32>} : memref<10416xf32, #tpu.memory_space<vmem>>, vector<16xf32>,
      %parallel_loop3A_931 = arith.constant 48 : i32
      %parallel_loop3A_932 = arith.addi %parallel_loop3A_801, %parallel_loop3A_931 : i32
      %parallel_loop3A_933 = arith.index_cast %parallel_loop3A_932 : i32 to index
      %parallel_loop3A_934 = tpu.vector_load %arg11[%parallel_loop3A_933] {strides = array<i32>} : memref<10416xf32, #tpu.memory_space<vmem>>, vector<16xf32>,
      %parallel_loop3A_935 = arith.constant 48 : i32
      %parallel_loop3A_936 = arith.addi %parallel_loop3A_801, %parallel_loop3A_935 : i32
      %parallel_loop3A_937 = arith.index_cast %parallel_loop3A_936 : i32 to index
      %parallel_loop3A_938 = tpu.vector_load %arg10[%parallel_loop3A_937] {strides = array<i32>} : memref<10416xi32, #tpu.memory_space<vmem>>, vector<16xi32>,
      %parallel_loop3A_939 = arith.subf %parallel_loop3A_930, %parallel_loop3A_934 : vector<16xf32>
      %parallel_loop3A_940 = math.absf %parallel_loop3A_939 : vector<16xf32>
      %parallel_loop3A_941 = arith.constant 1.000000e+00 : f32
      %parallel_loop3A_942 = vector.broadcast %parallel_loop3A_941 : f32 to vector<16xf32>
      %parallel_loop3A_943 = arith.cmpf olt, %parallel_loop3A_940, %parallel_loop3A_942 : vector<16xf32>
      %parallel_loop3A_944 = arith.constant 5.000000e-01 : f32
      %parallel_loop3A_945 = vector.broadcast %parallel_loop3A_944 : f32 to vector<16xf32>
      %parallel_loop3A_946 = arith.mulf %parallel_loop3A_945, %parallel_loop3A_939 : vector<16xf32>
      %parallel_loop3A_947 = arith.mulf %parallel_loop3A_946, %parallel_loop3A_939 : vector<16xf32>
      %parallel_loop3A_948 = arith.constant 5.000000e-01 : f32
      %parallel_loop3A_949 = vector.broadcast %parallel_loop3A_948 : f32 to vector<16xf32>
      %parallel_loop3A_950 = arith.subf %parallel_loop3A_940, %parallel_loop3A_949 : vector<16xf32>
      %parallel_loop3A_951 = arith.select %parallel_loop3A_943, %parallel_loop3A_947, %parallel_loop3A_950 : vector<16xi1>, vector<16xf32>
      %parallel_loop3A_952 = math.absi %parallel_loop3A_938 : vector<16xi32>
      %parallel_loop3A_953 = arith.constant 1 : i32
      %parallel_loop3A_954 = vector.broadcast %parallel_loop3A_953 : i32 to vector<16xi32>
      %parallel_loop3A_955 = arith.cmpi eq, %parallel_loop3A_952, %parallel_loop3A_954 : vector<16xi32>
      %parallel_loop3A_956 = arith.constant 0.000000e+00 : f32
      %parallel_loop3A_957 = vector.broadcast %parallel_loop3A_956 : f32 to vector<16xf32>
      %parallel_loop3A_958 = arith.select %parallel_loop3A_955, %parallel_loop3A_951, %parallel_loop3A_957 : vector<16xi1>, vector<16xf32>
      %parallel_loop3A_959 = arith.constant 1.000000e+00 : f32
      %parallel_loop3A_960 = arith.constant 0.000000e+00 : f32
      %parallel_loop3A_961 = vector.broadcast %parallel_loop3A_959 : f32 to vector<16xf32>
      %parallel_loop3A_962 = vector.broadcast %parallel_loop3A_960 : f32 to vector<16xf32>
      %parallel_loop3A_963 = arith.select %parallel_loop3A_955, %parallel_loop3A_961, %parallel_loop3A_962 : vector<16xi1>, vector<16xf32>
      %parallel_loop3A_964 = arith.addf %parallel_loop3A_805, %parallel_loop3A_958 : vector<16xf32>
      %parallel_loop3A_965 = arith.addf %parallel_loop3A_809, %parallel_loop3A_963 : vector<16xf32>
      scf.yield %parallel_loop3A_847, %parallel_loop3A_886, %parallel_loop3A_925, %parallel_loop3A_964, %parallel_loop3A_848, %parallel_loop3A_887, %parallel_loop3A_926, %parallel_loop3A_965 : vector<16xf32>, vector<16xf32>, vector<16xf32>, vector<16xf32>, vector<16xf32>, vector<16xf32>, vector<16xf32>, vector<16xf32>
    } {sc.loop_unroll_factor = 2 : i64, sc.parallel_access}
    %get3A_681 = arith.constant 10368 : index
    %get3A_682 = tpu.vector_load %arg9[%get3A_681] {strides = array<i32>} : memref<10416xf32, #tpu.memory_space<vmem>>, vector<16xf32>,
    %get3A_683 = arith.constant 10368 : index
    %get3A_684 = tpu.vector_load %arg11[%get3A_683] {strides = array<i32>} : memref<10416xf32, #tpu.memory_space<vmem>>, vector<16xf32>,
    %get3A_685 = arith.constant 10368 : index
    %get3A_686 = tpu.vector_load %arg10[%get3A_685] {strides = array<i32>} : memref<10416xi32, #tpu.memory_space<vmem>>, vector<16xi32>,
    %sub3A_687 = arith.subf %get3A_682, %get3A_684 : vector<16xf32>
    %abs3A_688 = math.absf %sub3A_687 : vector<16xf32>
    %lt3A_689 = arith.constant 1.000000e+00 : f32
    %lt3A_690 = vector.broadcast %lt3A_689 : f32 to vector<16xf32>
    %lt3A_691 = arith.cmpf olt, %abs3A_688, %lt3A_690 : vector<16xf32>
    %mul3A_692 = arith.constant 5.000000e-01 : f32
    %mul3A_693 = vector.broadcast %mul3A_692 : f32 to vector<16xf32>
    %mul3A_694 = arith.mulf %mul3A_693, %sub3A_687 : vector<16xf32>
    %mul3A_695 = arith.mulf %mul3A_694, %sub3A_687 : vector<16xf32>
    %sub3A_696 = arith.constant 5.000000e-01 : f32
    %sub3A_697 = vector.broadcast %sub3A_696 : f32 to vector<16xf32>
    %sub3A_698 = arith.subf %abs3A_688, %sub3A_697 : vector<16xf32>
    %select_n3A_699 = arith.select %lt3A_691, %mul3A_695, %sub3A_698 : vector<16xi1>, vector<16xf32>
    %abs3A_700 = math.absi %get3A_686 : vector<16xi32>
    %eq3A_701 = arith.constant 1 : i32
    %eq3A_702 = vector.broadcast %eq3A_701 : i32 to vector<16xi32>
    %eq3A_703 = arith.cmpi eq, %abs3A_700, %eq3A_702 : vector<16xi32>
    %jit3A_704 = arith.constant 0.000000e+00 : f32
    %broadcast_in_dim3A_705 = vector.broadcast %jit3A_704 : f32 to vector<16xf32>
    %select_n3A_706 = arith.select %eq3A_703, %select_n3A_699, %broadcast_in_dim3A_705 : vector<16xi1>, vector<16xf32>
    %jit3A_707 = arith.constant 1.000000e+00 : f32
    %jit3A_708 = arith.constant 0.000000e+00 : f32
    %broadcast_in_dim3A_709 = vector.broadcast %jit3A_707 : f32 to vector<16xf32>
    %broadcast_in_dim3A_710 = vector.broadcast %jit3A_708 : f32 to vector<16xf32>
    %select_n3A_711 = arith.select %eq3A_703, %broadcast_in_dim3A_709, %broadcast_in_dim3A_710 : vector<16xi1>, vector<16xf32>
    %add3A_712 = arith.addf %parallel_loop3A_680#0, %select_n3A_706 : vector<16xf32>
    %add3A_713 = arith.addf %parallel_loop3A_680#4, %select_n3A_711 : vector<16xf32>
    %get3A_714 = arith.constant 10384 : index
    %get3A_715 = tpu.vector_load %arg9[%get3A_714] {strides = array<i32>} : memref<10416xf32, #tpu.memory_space<vmem>>, vector<16xf32>,
    %get3A_716 = arith.constant 10384 : index
    %get3A_717 = tpu.vector_load %arg11[%get3A_716] {strides = array<i32>} : memref<10416xf32, #tpu.memory_space<vmem>>, vector<16xf32>,
    %get3A_718 = arith.constant 10384 : index
    %get3A_719 = tpu.vector_load %arg10[%get3A_718] {strides = array<i32>} : memref<10416xi32, #tpu.memory_space<vmem>>, vector<16xi32>,
    %sub3A_720 = arith.subf %get3A_715, %get3A_717 : vector<16xf32>
    %abs3A_721 = math.absf %sub3A_720 : vector<16xf32>
    %lt3A_722 = arith.constant 1.000000e+00 : f32
    %lt3A_723 = vector.broadcast %lt3A_722 : f32 to vector<16xf32>
    %lt3A_724 = arith.cmpf olt, %abs3A_721, %lt3A_723 : vector<16xf32>
    %mul3A_725 = arith.constant 5.000000e-01 : f32
    %mul3A_726 = vector.broadcast %mul3A_725 : f32 to vector<16xf32>
    %mul3A_727 = arith.mulf %mul3A_726, %sub3A_720 : vector<16xf32>
    %mul3A_728 = arith.mulf %mul3A_727, %sub3A_720 : vector<16xf32>
    %sub3A_729 = arith.constant 5.000000e-01 : f32
    %sub3A_730 = vector.broadcast %sub3A_729 : f32 to vector<16xf32>
    %sub3A_731 = arith.subf %abs3A_721, %sub3A_730 : vector<16xf32>
    %select_n3A_732 = arith.select %lt3A_724, %mul3A_728, %sub3A_731 : vector<16xi1>, vector<16xf32>
    %abs3A_733 = math.absi %get3A_719 : vector<16xi32>
    %eq3A_734 = arith.constant 1 : i32
    %eq3A_735 = vector.broadcast %eq3A_734 : i32 to vector<16xi32>
    %eq3A_736 = arith.cmpi eq, %abs3A_733, %eq3A_735 : vector<16xi32>
    %jit3A_737 = arith.constant 0.000000e+00 : f32
    %broadcast_in_dim3A_738 = vector.broadcast %jit3A_737 : f32 to vector<16xf32>
    %select_n3A_739 = arith.select %eq3A_736, %select_n3A_732, %broadcast_in_dim3A_738 : vector<16xi1>, vector<16xf32>
    %jit3A_740 = arith.constant 1.000000e+00 : f32
    %jit3A_741 = arith.constant 0.000000e+00 : f32
    %broadcast_in_dim3A_742 = vector.broadcast %jit3A_740 : f32 to vector<16xf32>
    %broadcast_in_dim3A_743 = vector.broadcast %jit3A_741 : f32 to vector<16xf32>
    %select_n3A_744 = arith.select %eq3A_736, %broadcast_in_dim3A_742, %broadcast_in_dim3A_743 : vector<16xi1>, vector<16xf32>
    %add3A_745 = arith.addf %add3A_712, %select_n3A_739 : vector<16xf32>
    %add3A_746 = arith.addf %add3A_713, %select_n3A_744 : vector<16xf32>
    %get3A_747 = arith.constant 10400 : index
    %get3A_748 = tpu.vector_load %arg9[%get3A_747] {strides = array<i32>} : memref<10416xf32, #tpu.memory_space<vmem>>, vector<16xf32>,
    %get3A_749 = arith.constant 10400 : index
    %get3A_750 = tpu.vector_load %arg11[%get3A_749] {strides = array<i32>} : memref<10416xf32, #tpu.memory_space<vmem>>, vector<16xf32>,
    %get3A_751 = arith.constant 10400 : index
    %get3A_752 = tpu.vector_load %arg10[%get3A_751] {strides = array<i32>} : memref<10416xi32, #tpu.memory_space<vmem>>, vector<16xi32>,
    %sub3A_753 = arith.subf %get3A_748, %get3A_750 : vector<16xf32>
    %abs3A_754 = math.absf %sub3A_753 : vector<16xf32>
    %lt3A_755 = arith.constant 1.000000e+00 : f32
    %lt3A_756 = vector.broadcast %lt3A_755 : f32 to vector<16xf32>
    %lt3A_757 = arith.cmpf olt, %abs3A_754, %lt3A_756 : vector<16xf32>
    %mul3A_758 = arith.constant 5.000000e-01 : f32
    %mul3A_759 = vector.broadcast %mul3A_758 : f32 to vector<16xf32>
    %mul3A_760 = arith.mulf %mul3A_759, %sub3A_753 : vector<16xf32>
    %mul3A_761 = arith.mulf %mul3A_760, %sub3A_753 : vector<16xf32>
    %sub3A_762 = arith.constant 5.000000e-01 : f32
    %sub3A_763 = vector.broadcast %sub3A_762 : f32 to vector<16xf32>
    %sub3A_764 = arith.subf %abs3A_754, %sub3A_763 : vector<16xf32>
    %select_n3A_765 = arith.select %lt3A_757, %mul3A_761, %sub3A_764 : vector<16xi1>, vector<16xf32>
    %abs3A_766 = math.absi %get3A_752 : vector<16xi32>
    %eq3A_767 = arith.constant 1 : i32
    %eq3A_768 = vector.broadcast %eq3A_767 : i32 to vector<16xi32>
    %eq3A_769 = arith.cmpi eq, %abs3A_766, %eq3A_768 : vector<16xi32>
    %jit3A_770 = arith.constant 0.000000e+00 : f32
    %broadcast_in_dim3A_771 = vector.broadcast %jit3A_770 : f32 to vector<16xf32>
    %select_n3A_772 = arith.select %eq3A_769, %select_n3A_765, %broadcast_in_dim3A_771 : vector<16xi1>, vector<16xf32>
    %jit3A_773 = arith.constant 1.000000e+00 : f32
    %jit3A_774 = arith.constant 0.000000e+00 : f32
    %broadcast_in_dim3A_775 = vector.broadcast %jit3A_773 : f32 to vector<16xf32>
    %broadcast_in_dim3A_776 = vector.broadcast %jit3A_774 : f32 to vector<16xf32>
    %select_n3A_777 = arith.select %eq3A_769, %broadcast_in_dim3A_775, %broadcast_in_dim3A_776 : vector<16xi1>, vector<16xf32>
    %add3A_778 = arith.addf %add3A_745, %select_n3A_772 : vector<16xf32>
    %add3A_779 = arith.addf %add3A_746, %select_n3A_777 : vector<16xf32>
    %add3A_780 = arith.addf %add3A_778, %parallel_loop3A_680#1 : vector<16xf32>
    %add3A_781 = arith.addf %parallel_loop3A_680#2, %parallel_loop3A_680#3 : vector<16xf32>
    %add3A_782 = arith.addf %add3A_780, %add3A_781 : vector<16xf32>
    %add3A_783 = arith.addf %add3A_779, %parallel_loop3A_680#5 : vector<16xf32>
    %add3A_784 = arith.addf %parallel_loop3A_680#6, %parallel_loop3A_680#7 : vector<16xf32>
    %add3A_785 = arith.addf %add3A_783, %add3A_784 : vector<16xf32>
    %swap3A = arith.constant 0 : index
    %swap3A_786 = tpu.vector_load %arg12[%swap3A] {strides = array<i32>} : memref<32xf32, #tpu.memory_space<vmem>>, vector<16xf32>,
    tpu.vector_store %arg12[%swap3A], %add3A_782 {strides = array<i32>} : memref<32xf32, #tpu.memory_space<vmem>>, vector<16xf32>,
    %swap3A_787 = arith.constant 16 : index
    %swap3A_788 = tpu.vector_load %arg12[%swap3A_787] {strides = array<i32>} : memref<32xf32, #tpu.memory_space<vmem>>, vector<16xf32>,
    tpu.vector_store %arg12[%swap3A_787], %add3A_785 {strides = array<i32>} : memref<32xf32, #tpu.memory_space<vmem>>, vector<16xf32>,
    %lt3A_789 = arith.constant 4 : i32
    %lt3A_790 = arith.cmpi slt, %add3A, %lt3A_789 : i32
    %convert_element_type3A = arith.extui %lt3A_790 : i1 to i32
    %cond3A = arith.constant 0 : i32
    %cond3A_791 = arith.cmpi ne, %convert_element_type3A, %cond3A : i32
    scf.if %cond3A_791 {
      %mul3A_801 = arith.constant 16 : i32
      %mul3A_802 = arith.muli %add3A, %mul3A_801 : i32
      %add3A_803 = arith.constant 999936 : i32
      %add3A_804 = arith.addi %add3A_803, %mul3A_802 : i32
      %run_scoped3A = arith.constant 0 : i32
      %run_scoped3A_805 = arith.constant 0 : i32
      "tpu.region"() ({
        %run_scoped3A_847 = tpu.sem_alloc : memref<!tpu.dma_semaphore, #tpu.memory_space<semaphore_mem>>
        %dma_start3A_848 = arith.constant 0 : i32
        %dma_start3A_849 = tpu.memref_slice %arg6[%dma_start3A_848] : memref<10416xf32, #tpu.memory_space<vmem>> -> memref<16xf32, #tpu.memory_space<vmem>>
        %dma_start3A_850 = tpu.memref_slice %arg2[%run_scoped3A, %run_scoped3A_805, %add3A_804] : memref<1x1x1000000xf32, #tpu.memory_space<hbm>> -> memref<1x1x16xf32, #tpu.memory_space<hbm>>
        %dma_start3A_851 = tpu.memref_squeeze %dma_start3A_850 : memref<1x1x16xf32, #tpu.memory_space<hbm>> -> memref<16xf32, #tpu.memory_space<hbm>>
        %dma_start3A_852 = arith.constant 0 : i32
        %dma_start3A_853 = tpu.memref_slice %arg6[%dma_start3A_852] : memref<10416xf32, #tpu.memory_space<vmem>> -> memref<16xf32, #tpu.memory_space<vmem>>
        %dma_start3A_854 = tpu.memref_slice %arg2[%run_scoped3A, %run_scoped3A_805, %add3A_804] : memref<1x1x1000000xf32, #tpu.memory_space<hbm>> -> memref<1x1x16xf32, #tpu.memory_space<hbm>>
        %dma_start3A_855 = tpu.memref_squeeze %dma_start3A_854 : memref<1x1x16xf32, #tpu.memory_space<hbm>> -> memref<16xf32, #tpu.memory_space<hbm>>
        tpu.enqueue_dma source(%dma_start3A_855 : memref<16xf32, #tpu.memory_space<hbm>>) target(%dma_start3A_853 : memref<16xf32, #tpu.memory_space<vmem>>) target_semaphore(%run_scoped3A_847 : memref<!tpu.dma_semaphore, #tpu.memory_space<semaphore_mem>>)
        %dma_wait3A_856 = arith.constant 0 : i32
        %dma_wait3A_857 = tpu.memref_slice %arg6[%dma_wait3A_856] : memref<10416xf32, #tpu.memory_space<vmem>> -> memref<16xf32, #tpu.memory_space<vmem>>
        %dma_wait3A_858 = tpu.memref_slice %arg2[%run_scoped3A, %run_scoped3A_805, %add3A_804] : memref<1x1x1000000xf32, #tpu.memory_space<hbm>> -> memref<1x1x16xf32, #tpu.memory_space<hbm>>
        %dma_wait3A_859 = tpu.memref_squeeze %dma_wait3A_858 : memref<1x1x16xf32, #tpu.memory_space<hbm>> -> memref<16xf32, #tpu.memory_space<hbm>>
        %dma_wait3A_860 = arith.constant 0 : i32
        %dma_wait3A_861 = tpu.memref_slice %arg6[%dma_wait3A_860] : memref<10416xf32, #tpu.memory_space<vmem>> -> memref<16xf32, #tpu.memory_space<vmem>>
        %dma_wait3A_862 = tpu.memref_slice %arg2[%run_scoped3A, %run_scoped3A_805, %add3A_804] : memref<1x1x1000000xf32, #tpu.memory_space<hbm>> -> memref<1x1x16xf32, #tpu.memory_space<hbm>>
        %dma_wait3A_863 = tpu.memref_squeeze %dma_wait3A_862 : memref<1x1x16xf32, #tpu.memory_space<hbm>> -> memref<16xf32, #tpu.memory_space<hbm>>
        tpu.wait_dma2 semaphore(%run_scoped3A_847 : memref<!tpu.dma_semaphore, #tpu.memory_space<semaphore_mem>>) src(%dma_wait3A_863 : memref<16xf32, #tpu.memory_space<hbm>>) dst(%dma_wait3A_861 : memref<16xf32, #tpu.memory_space<vmem>>)
        tpu.yield
      }) : () -> ()
      "tpu.region"() ({
        %run_scoped3A_847 = tpu.sem_alloc : memref<!tpu.dma_semaphore, #tpu.memory_space<semaphore_mem>>
        %dma_start3A_848 = arith.constant 0 : i32
        %dma_start3A_849 = tpu.memref_slice %arg7[%dma_start3A_848] : memref<10416xi32, #tpu.memory_space<vmem>> -> memref<16xi32, #tpu.memory_space<vmem>>
        %dma_start3A_850 = tpu.memref_slice %arg3[%add3A_804] : memref<1000000xi32, #tpu.memory_space<hbm>> -> memref<16xi32, #tpu.memory_space<hbm>>
        %dma_start3A_851 = arith.constant 0 : i32
        %dma_start3A_852 = tpu.memref_slice %arg7[%dma_start3A_851] : memref<10416xi32, #tpu.memory_space<vmem>> -> memref<16xi32, #tpu.memory_space<vmem>>
        %dma_start3A_853 = tpu.memref_slice %arg3[%add3A_804] : memref<1000000xi32, #tpu.memory_space<hbm>> -> memref<16xi32, #tpu.memory_space<hbm>>
        tpu.enqueue_dma source(%dma_start3A_853 : memref<16xi32, #tpu.memory_space<hbm>>) target(%dma_start3A_852 : memref<16xi32, #tpu.memory_space<vmem>>) target_semaphore(%run_scoped3A_847 : memref<!tpu.dma_semaphore, #tpu.memory_space<semaphore_mem>>)
        %dma_wait3A_854 = arith.constant 0 : i32
        %dma_wait3A_855 = tpu.memref_slice %arg7[%dma_wait3A_854] : memref<10416xi32, #tpu.memory_space<vmem>> -> memref<16xi32, #tpu.memory_space<vmem>>
        %dma_wait3A_856 = tpu.memref_slice %arg3[%add3A_804] : memref<1000000xi32, #tpu.memory_space<hbm>> -> memref<16xi32, #tpu.memory_space<hbm>>
        %dma_wait3A_857 = arith.constant 0 : i32
        %dma_wait3A_858 = tpu.memref_slice %arg7[%dma_wait3A_857] : memref<10416xi32, #tpu.memory_space<vmem>> -> memref<16xi32, #tpu.memory_space<vmem>>
        %dma_wait3A_859 = tpu.memref_slice %arg3[%add3A_804] : memref<1000000xi32, #tpu.memory_space<hbm>> -> memref<16xi32, #tpu.memory_space<hbm>>
        tpu.wait_dma2 semaphore(%run_scoped3A_847 : memref<!tpu.dma_semaphore, #tpu.memory_space<semaphore_mem>>) src(%dma_wait3A_859 : memref<16xi32, #tpu.memory_space<hbm>>) dst(%dma_wait3A_858 : memref<16xi32, #tpu.memory_space<vmem>>)
        tpu.yield
      }) : () -> ()
      "tpu.region"() ({
        %run_scoped3A_847 = tpu.sem_alloc : memref<!tpu.dma_semaphore, #tpu.memory_space<semaphore_mem>>
        %dma_start3A_848 = arith.constant 0 : i32
        %dma_start3A_849 = tpu.memref_slice %arg8[%dma_start3A_848] : memref<10416xf32, #tpu.memory_space<vmem>> -> memref<16xf32, #tpu.memory_space<vmem>>
        %dma_start3A_850 = tpu.memref_slice %arg4[%add3A_804] : memref<1000000xf32, #tpu.memory_space<hbm>> -> memref<16xf32, #tpu.memory_space<hbm>>
        %dma_start3A_851 = arith.constant 0 : i32
        %dma_start3A_852 = tpu.memref_slice %arg8[%dma_start3A_851] : memref<10416xf32, #tpu.memory_space<vmem>> -> memref<16xf32, #tpu.memory_space<vmem>>
        %dma_start3A_853 = tpu.memref_slice %arg4[%add3A_804] : memref<1000000xf32, #tpu.memory_space<hbm>> -> memref<16xf32, #tpu.memory_space<hbm>>
        tpu.enqueue_dma source(%dma_start3A_853 : memref<16xf32, #tpu.memory_space<hbm>>) target(%dma_start3A_852 : memref<16xf32, #tpu.memory_space<vmem>>) target_semaphore(%run_scoped3A_847 : memref<!tpu.dma_semaphore, #tpu.memory_space<semaphore_mem>>)
        %dma_wait3A_854 = arith.constant 0 : i32
        %dma_wait3A_855 = tpu.memref_slice %arg8[%dma_wait3A_854] : memref<10416xf32, #tpu.memory_space<vmem>> -> memref<16xf32, #tpu.memory_space<vmem>>
        %dma_wait3A_856 = tpu.memref_slice %arg4[%add3A_804] : memref<1000000xf32, #tpu.memory_space<hbm>> -> memref<16xf32, #tpu.memory_space<hbm>>
        %dma_wait3A_857 = arith.constant 0 : i32
        %dma_wait3A_858 = tpu.memref_slice %arg8[%dma_wait3A_857] : memref<10416xf32, #tpu.memory_space<vmem>> -> memref<16xf32, #tpu.memory_space<vmem>>
        %dma_wait3A_859 = tpu.memref_slice %arg4[%add3A_804] : memref<1000000xf32, #tpu.memory_space<hbm>> -> memref<16xf32, #tpu.memory_space<hbm>>
        tpu.wait_dma2 semaphore(%run_scoped3A_847 : memref<!tpu.dma_semaphore, #tpu.memory_space<semaphore_mem>>) src(%dma_wait3A_859 : memref<16xf32, #tpu.memory_space<hbm>>) dst(%dma_wait3A_858 : memref<16xf32, #tpu.memory_space<vmem>>)
        tpu.yield
      }) : () -> ()
      %get3A_806 = arith.constant 0 : index
      %get3A_807 = tpu.vector_load %arg6[%get3A_806] {strides = array<i32>} : memref<10416xf32, #tpu.memory_space<vmem>>, vector<16xf32>,
      %get3A_808 = arith.constant 0 : index
      %get3A_809 = tpu.vector_load %arg8[%get3A_808] {strides = array<i32>} : memref<10416xf32, #tpu.memory_space<vmem>>, vector<16xf32>,
      %get3A_810 = arith.constant 0 : index
      %get3A_811 = tpu.vector_load %arg7[%get3A_810] {strides = array<i32>} : memref<10416xi32, #tpu.memory_space<vmem>>, vector<16xi32>,
      %sub3A_812 = arith.subf %get3A_807, %get3A_809 : vector<16xf32>
      %abs3A_813 = math.absf %sub3A_812 : vector<16xf32>
      %lt3A_814 = arith.constant 1.000000e+00 : f32
      %lt3A_815 = vector.broadcast %lt3A_814 : f32 to vector<16xf32>
      %lt3A_816 = arith.cmpf olt, %abs3A_813, %lt3A_815 : vector<16xf32>
      %mul3A_817 = arith.constant 5.000000e-01 : f32
      %mul3A_818 = vector.broadcast %mul3A_817 : f32 to vector<16xf32>
      %mul3A_819 = arith.mulf %mul3A_818, %sub3A_812 : vector<16xf32>
      %mul3A_820 = arith.mulf %mul3A_819, %sub3A_812 : vector<16xf32>
      %sub3A_821 = arith.constant 5.000000e-01 : f32
      %sub3A_822 = vector.broadcast %sub3A_821 : f32 to vector<16xf32>
      %sub3A_823 = arith.subf %abs3A_813, %sub3A_822 : vector<16xf32>
      %select_n3A_824 = arith.select %lt3A_816, %mul3A_820, %sub3A_823 : vector<16xi1>, vector<16xf32>
      %abs3A_825 = math.absi %get3A_811 : vector<16xi32>
      %eq3A_826 = arith.constant 1 : i32
      %eq3A_827 = vector.broadcast %eq3A_826 : i32 to vector<16xi32>
      %eq3A_828 = arith.cmpi eq, %abs3A_825, %eq3A_827 : vector<16xi32>
      %jit3A_829 = arith.constant 0.000000e+00 : f32
      %broadcast_in_dim3A_830 = vector.broadcast %jit3A_829 : f32 to vector<16xf32>
      %select_n3A_831 = arith.select %eq3A_828, %select_n3A_824, %broadcast_in_dim3A_830 : vector<16xi1>, vector<16xf32>
      %jit3A_832 = arith.constant 1.000000e+00 : f32
      %jit3A_833 = arith.constant 0.000000e+00 : f32
      %broadcast_in_dim3A_834 = vector.broadcast %jit3A_832 : f32 to vector<16xf32>
      %broadcast_in_dim3A_835 = vector.broadcast %jit3A_833 : f32 to vector<16xf32>
      %select_n3A_836 = arith.select %eq3A_828, %broadcast_in_dim3A_834, %broadcast_in_dim3A_835 : vector<16xi1>, vector<16xf32>
      %get3A_837 = arith.constant 0 : index
      %get3A_838 = tpu.vector_load %arg12[%get3A_837] {strides = array<i32>} : memref<32xf32, #tpu.memory_space<vmem>>, vector<16xf32>,
      %add3A_839 = arith.addf %get3A_838, %select_n3A_831 : vector<16xf32>
      %swap3A_840 = arith.constant 0 : index
      %swap3A_841 = tpu.vector_load %arg12[%swap3A_840] {strides = array<i32>} : memref<32xf32, #tpu.memory_space<vmem>>, vector<16xf32>,
      tpu.vector_store %arg12[%swap3A_840], %add3A_839 {strides = array<i32>} : memref<32xf32, #tpu.memory_space<vmem>>, vector<16xf32>,
      %get3A_842 = arith.constant 16 : index
      %get3A_843 = tpu.vector_load %arg12[%get3A_842] {strides = array<i32>} : memref<32xf32, #tpu.memory_space<vmem>>, vector<16xf32>,
      %add3A_844 = arith.addf %get3A_843, %select_n3A_836 : vector<16xf32>
      %swap3A_845 = arith.constant 16 : index
      %swap3A_846 = tpu.vector_load %arg12[%swap3A_845] {strides = array<i32>} : memref<32xf32, #tpu.memory_space<vmem>>, vector<16xf32>,
      tpu.vector_store %arg12[%swap3A_845], %add3A_844 {strides = array<i32>} : memref<32xf32, #tpu.memory_space<vmem>>, vector<16xf32>,
    } else {
    }
    %mul3A_792 = arith.constant 2 : i32
    %mul3A_793 = arith.muli %add3A, %mul3A_792 : i32
    %mul3A_794 = arith.constant 16 : i32
    %mul3A_795 = arith.muli %mul3A_793, %mul3A_794 : i32
    "tpu.region"() ({
      %run_scoped3A = tpu.sem_alloc : memref<!tpu.dma_semaphore, #tpu.memory_space<semaphore_mem>>
      %dma_start3A_801 = tpu.memref_slice %arg15[%mul3A_795] : memref<512xf32, #tpu.memory_space<vmem_shared>> -> memref<32xf32, #tpu.memory_space<vmem_shared>>
      %dma_start3A_802 = tpu.memref_slice %arg15[%mul3A_795] : memref<512xf32, #tpu.memory_space<vmem_shared>> -> memref<32xf32, #tpu.memory_space<vmem_shared>>
      tpu.enqueue_dma source(%arg12 : memref<32xf32, #tpu.memory_space<vmem>>) target(%dma_start3A_802 : memref<32xf32, #tpu.memory_space<vmem_shared>>) target_semaphore(%run_scoped3A : memref<!tpu.dma_semaphore, #tpu.memory_space<semaphore_mem>>)
      %dma_wait3A_803 = tpu.memref_slice %arg15[%mul3A_795] : memref<512xf32, #tpu.memory_space<vmem_shared>> -> memref<32xf32, #tpu.memory_space<vmem_shared>>
      %dma_wait3A_804 = tpu.memref_slice %arg15[%mul3A_795] : memref<512xf32, #tpu.memory_space<vmem_shared>> -> memref<32xf32, #tpu.memory_space<vmem_shared>>
      tpu.wait_dma2 semaphore(%run_scoped3A : memref<!tpu.dma_semaphore, #tpu.memory_space<semaphore_mem>>) src(%arg12 : memref<32xf32, #tpu.memory_space<vmem>>) dst(%dma_wait3A_804 : memref<32xf32, #tpu.memory_space<vmem_shared>>)
      tpu.yield
    }) : () -> ()
    %barrier3A = arith.constant 0 : index
    tpu.barrier barrier_id(%barrier3A)
    %eq3A_796 = arith.constant 0 : i32
    %eq3A_797 = arith.cmpi eq, %add3A, %eq3A_796 : i32
    %convert_element_type3A_798 = arith.extui %eq3A_797 : i1 to i32
    %cond3A_799 = arith.constant 0 : i32
    %cond3A_800 = arith.cmpi ne, %convert_element_type3A_798, %cond3A_799 : i32
    scf.if %cond3A_800 {
      "tpu.region"() ({
        %run_scoped3A = tpu.sem_alloc : memref<!tpu.dma_semaphore, #tpu.memory_space<semaphore_mem>>
        tpu.enqueue_dma source(%arg15 : memref<512xf32, #tpu.memory_space<vmem_shared>>) target(%arg13 : memref<512xf32, #tpu.memory_space<vmem>>) target_semaphore(%run_scoped3A : memref<!tpu.dma_semaphore, #tpu.memory_space<semaphore_mem>>)
        tpu.wait_dma2 semaphore(%run_scoped3A : memref<!tpu.dma_semaphore, #tpu.memory_space<semaphore_mem>>) src(%arg15 : memref<512xf32, #tpu.memory_space<vmem_shared>>) dst(%arg13 : memref<512xf32, #tpu.memory_space<vmem>>)
        tpu.yield
      }) : () -> ()
      %get3A_801 = arith.constant 0 : index
      %get3A_802 = tpu.vector_load %arg13[%get3A_801] {strides = array<i32>} : memref<512xf32, #tpu.memory_space<vmem>>, vector<16xf32>,
      %get3A_803 = arith.constant 16 : index
      %get3A_804 = tpu.vector_load %arg13[%get3A_803] {strides = array<i32>} : memref<512xf32, #tpu.memory_space<vmem>>, vector<16xf32>,
      %get3A_805 = arith.constant 32 : index
      %get3A_806 = tpu.vector_load %arg13[%get3A_805] {strides = array<i32>} : memref<512xf32, #tpu.memory_space<vmem>>, vector<16xf32>,
      %add3A_807 = arith.addf %get3A_802, %get3A_806 : vector<16xf32>
      %get3A_808 = arith.constant 48 : index
      %get3A_809 = tpu.vector_load %arg13[%get3A_808] {strides = array<i32>} : memref<512xf32, #tpu.memory_space<vmem>>, vector<16xf32>,
      %add3A_810 = arith.addf %get3A_804, %get3A_809 : vector<16xf32>
      %get3A_811 = arith.constant 64 : index
      %get3A_812 = tpu.vector_load %arg13[%get3A_811] {strides = array<i32>} : memref<512xf32, #tpu.memory_space<vmem>>, vector<16xf32>,
      %add3A_813 = arith.addf %add3A_807, %get3A_812 : vector<16xf32>
      %get3A_814 = arith.constant 80 : index
      %get3A_815 = tpu.vector_load %arg13[%get3A_814] {strides = array<i32>} : memref<512xf32, #tpu.memory_space<vmem>>, vector<16xf32>,
      %add3A_816 = arith.addf %add3A_810, %get3A_815 : vector<16xf32>
      %get3A_817 = arith.constant 96 : index
      %get3A_818 = tpu.vector_load %arg13[%get3A_817] {strides = array<i32>} : memref<512xf32, #tpu.memory_space<vmem>>, vector<16xf32>,
      %add3A_819 = arith.addf %add3A_813, %get3A_818 : vector<16xf32>
      %get3A_820 = arith.constant 112 : index
      %get3A_821 = tpu.vector_load %arg13[%get3A_820] {strides = array<i32>} : memref<512xf32, #tpu.memory_space<vmem>>, vector<16xf32>,
      %add3A_822 = arith.addf %add3A_816, %get3A_821 : vector<16xf32>
      %get3A_823 = arith.constant 128 : index
      %get3A_824 = tpu.vector_load %arg13[%get3A_823] {strides = array<i32>} : memref<512xf32, #tpu.memory_space<vmem>>, vector<16xf32>,
      %add3A_825 = arith.addf %add3A_819, %get3A_824 : vector<16xf32>
      %get3A_826 = arith.constant 144 : index
      %get3A_827 = tpu.vector_load %arg13[%get3A_826] {strides = array<i32>} : memref<512xf32, #tpu.memory_space<vmem>>, vector<16xf32>,
      %add3A_828 = arith.addf %add3A_822, %get3A_827 : vector<16xf32>
      %get3A_829 = arith.constant 160 : index
      %get3A_830 = tpu.vector_load %arg13[%get3A_829] {strides = array<i32>} : memref<512xf32, #tpu.memory_space<vmem>>, vector<16xf32>,
      %add3A_831 = arith.addf %add3A_825, %get3A_830 : vector<16xf32>
      %get3A_832 = arith.constant 176 : index
      %get3A_833 = tpu.vector_load %arg13[%get3A_832] {strides = array<i32>} : memref<512xf32, #tpu.memory_space<vmem>>, vector<16xf32>,
      %add3A_834 = arith.addf %add3A_828, %get3A_833 : vector<16xf32>
      %get3A_835 = arith.constant 192 : index
      %get3A_836 = tpu.vector_load %arg13[%get3A_835] {strides = array<i32>} : memref<512xf32, #tpu.memory_space<vmem>>, vector<16xf32>,
      %add3A_837 = arith.addf %add3A_831, %get3A_836 : vector<16xf32>
      %get3A_838 = arith.constant 208 : index
      %get3A_839 = tpu.vector_load %arg13[%get3A_838] {strides = array<i32>} : memref<512xf32, #tpu.memory_space<vmem>>, vector<16xf32>,
      %add3A_840 = arith.addf %add3A_834, %get3A_839 : vector<16xf32>
      %get3A_841 = arith.constant 224 : index
      %get3A_842 = tpu.vector_load %arg13[%get3A_841] {strides = array<i32>} : memref<512xf32, #tpu.memory_space<vmem>>, vector<16xf32>,
      %add3A_843 = arith.addf %add3A_837, %get3A_842 : vector<16xf32>
      %get3A_844 = arith.constant 240 : index
      %get3A_845 = tpu.vector_load %arg13[%get3A_844] {strides = array<i32>} : memref<512xf32, #tpu.memory_space<vmem>>, vector<16xf32>,
      %add3A_846 = arith.addf %add3A_840, %get3A_845 : vector<16xf32>
      %get3A_847 = arith.constant 256 : index
      %get3A_848 = tpu.vector_load %arg13[%get3A_847] {strides = array<i32>} : memref<512xf32, #tpu.memory_space<vmem>>, vector<16xf32>,
      %add3A_849 = arith.addf %add3A_843, %get3A_848 : vector<16xf32>
      %get3A_850 = arith.constant 272 : index
      %get3A_851 = tpu.vector_load %arg13[%get3A_850] {strides = array<i32>} : memref<512xf32, #tpu.memory_space<vmem>>, vector<16xf32>,
      %add3A_852 = arith.addf %add3A_846, %get3A_851 : vector<16xf32>
      %get3A_853 = arith.constant 288 : index
      %get3A_854 = tpu.vector_load %arg13[%get3A_853] {strides = array<i32>} : memref<512xf32, #tpu.memory_space<vmem>>, vector<16xf32>,
      %add3A_855 = arith.addf %add3A_849, %get3A_854 : vector<16xf32>
      %get3A_856 = arith.constant 304 : index
      %get3A_857 = tpu.vector_load %arg13[%get3A_856] {strides = array<i32>} : memref<512xf32, #tpu.memory_space<vmem>>, vector<16xf32>,
      %add3A_858 = arith.addf %add3A_852, %get3A_857 : vector<16xf32>
      %get3A_859 = arith.constant 320 : index
      %get3A_860 = tpu.vector_load %arg13[%get3A_859] {strides = array<i32>} : memref<512xf32, #tpu.memory_space<vmem>>, vector<16xf32>,
      %add3A_861 = arith.addf %add3A_855, %get3A_860 : vector<16xf32>
      %get3A_862 = arith.constant 336 : index
      %get3A_863 = tpu.vector_load %arg13[%get3A_862] {strides = array<i32>} : memref<512xf32, #tpu.memory_space<vmem>>, vector<16xf32>,
      %add3A_864 = arith.addf %add3A_858, %get3A_863 : vector<16xf32>
      %get3A_865 = arith.constant 352 : index
      %get3A_866 = tpu.vector_load %arg13[%get3A_865] {strides = array<i32>} : memref<512xf32, #tpu.memory_space<vmem>>, vector<16xf32>,
      %add3A_867 = arith.addf %add3A_861, %get3A_866 : vector<16xf32>
      %get3A_868 = arith.constant 368 : index
      %get3A_869 = tpu.vector_load %arg13[%get3A_868] {strides = array<i32>} : memref<512xf32, #tpu.memory_space<vmem>>, vector<16xf32>,
      %add3A_870 = arith.addf %add3A_864, %get3A_869 : vector<16xf32>
      %get3A_871 = arith.constant 384 : index
      %get3A_872 = tpu.vector_load %arg13[%get3A_871] {strides = array<i32>} : memref<512xf32, #tpu.memory_space<vmem>>, vector<16xf32>,
      %add3A_873 = arith.addf %add3A_867, %get3A_872 : vector<16xf32>
      %get3A_874 = arith.constant 400 : index
      %get3A_875 = tpu.vector_load %arg13[%get3A_874] {strides = array<i32>} : memref<512xf32, #tpu.memory_space<vmem>>, vector<16xf32>,
      %add3A_876 = arith.addf %add3A_870, %get3A_875 : vector<16xf32>
      %get3A_877 = arith.constant 416 : index
      %get3A_878 = tpu.vector_load %arg13[%get3A_877] {strides = array<i32>} : memref<512xf32, #tpu.memory_space<vmem>>, vector<16xf32>,
      %add3A_879 = arith.addf %add3A_873, %get3A_878 : vector<16xf32>
      %get3A_880 = arith.constant 432 : index
      %get3A_881 = tpu.vector_load %arg13[%get3A_880] {strides = array<i32>} : memref<512xf32, #tpu.memory_space<vmem>>, vector<16xf32>,
      %add3A_882 = arith.addf %add3A_876, %get3A_881 : vector<16xf32>
      %get3A_883 = arith.constant 448 : index
      %get3A_884 = tpu.vector_load %arg13[%get3A_883] {strides = array<i32>} : memref<512xf32, #tpu.memory_space<vmem>>, vector<16xf32>,
      %add3A_885 = arith.addf %add3A_879, %get3A_884 : vector<16xf32>
      %get3A_886 = arith.constant 464 : index
      %get3A_887 = tpu.vector_load %arg13[%get3A_886] {strides = array<i32>} : memref<512xf32, #tpu.memory_space<vmem>>, vector<16xf32>,
      %add3A_888 = arith.addf %add3A_882, %get3A_887 : vector<16xf32>
      %get3A_889 = arith.constant 480 : index
      %get3A_890 = tpu.vector_load %arg13[%get3A_889] {strides = array<i32>} : memref<512xf32, #tpu.memory_space<vmem>>, vector<16xf32>,
      %add3A_891 = arith.addf %add3A_885, %get3A_890 : vector<16xf32>
      %get3A_892 = arith.constant 496 : index
      %get3A_893 = tpu.vector_load %arg13[%get3A_892] {strides = array<i32>} : memref<512xf32, #tpu.memory_space<vmem>>, vector<16xf32>,
      %add3A_894 = arith.addf %add3A_888, %get3A_893 : vector<16xf32>
      %swap3A_895 = arith.constant 0 : index
      %swap3A_896 = tpu.vector_load %arg14[%swap3A_895] {strides = array<i32>} : memref<16xf32, #tpu.memory_space<vmem>>, vector<16xf32>,
      tpu.vector_store %arg14[%swap3A_895], %add3A_891 {strides = array<i32>} : memref<16xf32, #tpu.memory_space<vmem>>, vector<16xf32>,
      %iota3A = tpu.iota {dimensions = array<i32: 0>} : vector<16xi32>
      %xor3A = arith.constant 8 : i32
      %xor3A_897 = vector.broadcast %xor3A : i32 to vector<16xi32>
      %xor3A_898 = arith.xori %iota3A, %xor3A_897 : vector<16xi32>
      %gather3A = tpu.vector_load_idx %arg14[%xor3A_898] : memref<16xf32, #tpu.memory_space<vmem>>[vector<16xi32>], vector<16xf32>,
      %add3A_899 = arith.addf %add3A_891, %gather3A : vector<16xf32>
      %swap3A_900 = arith.constant 0 : index
      %swap3A_901 = tpu.vector_load %arg14[%swap3A_900] {strides = array<i32>} : memref<16xf32, #tpu.memory_space<vmem>>, vector<16xf32>,
      tpu.vector_store %arg14[%swap3A_900], %add3A_899 {strides = array<i32>} : memref<16xf32, #tpu.memory_space<vmem>>, vector<16xf32>,
      %iota3A_902 = tpu.iota {dimensions = array<i32: 0>} : vector<16xi32>
      %xor3A_903 = arith.constant 4 : i32
      %xor3A_904 = vector.broadcast %xor3A_903 : i32 to vector<16xi32>
      %xor3A_905 = arith.xori %iota3A_902, %xor3A_904 : vector<16xi32>
      %gather3A_906 = tpu.vector_load_idx %arg14[%xor3A_905] : memref<16xf32, #tpu.memory_space<vmem>>[vector<16xi32>], vector<16xf32>,
      %add3A_907 = arith.addf %add3A_899, %gather3A_906 : vector<16xf32>
      %swap3A_908 = arith.constant 0 : index
      %swap3A_909 = tpu.vector_load %arg14[%swap3A_908] {strides = array<i32>} : memref<16xf32, #tpu.memory_space<vmem>>, vector<16xf32>,
      tpu.vector_store %arg14[%swap3A_908], %add3A_907 {strides = array<i32>} : memref<16xf32, #tpu.memory_space<vmem>>, vector<16xf32>,
      %iota3A_910 = tpu.iota {dimensions = array<i32: 0>} : vector<16xi32>
      %xor3A_911 = arith.constant 2 : i32
      %xor3A_912 = vector.broadcast %xor3A_911 : i32 to vector<16xi32>
      %xor3A_913 = arith.xori %iota3A_910, %xor3A_912 : vector<16xi32>
      %gather3A_914 = tpu.vector_load_idx %arg14[%xor3A_913] : memref<16xf32, #tpu.memory_space<vmem>>[vector<16xi32>], vector<16xf32>,
      %add3A_915 = arith.addf %add3A_907, %gather3A_914 : vector<16xf32>
      %swap3A_916 = arith.constant 0 : index
      %swap3A_917 = tpu.vector_load %arg14[%swap3A_916] {strides = array<i32>} : memref<16xf32, #tpu.memory_space<vmem>>, vector<16xf32>,
      tpu.vector_store %arg14[%swap3A_916], %add3A_915 {strides = array<i32>} : memref<16xf32, #tpu.memory_space<vmem>>, vector<16xf32>,
      %iota3A_918 = tpu.iota {dimensions = array<i32: 0>} : vector<16xi32>
      %xor3A_919 = arith.constant 1 : i32
      %xor3A_920 = vector.broadcast %xor3A_919 : i32 to vector<16xi32>
      %xor3A_921 = arith.xori %iota3A_918, %xor3A_920 : vector<16xi32>
      %gather3A_922 = tpu.vector_load_idx %arg14[%xor3A_921] : memref<16xf32, #tpu.memory_space<vmem>>[vector<16xi32>], vector<16xf32>,
      %add3A_923 = arith.addf %add3A_915, %gather3A_922 : vector<16xf32>
      %swap3A_924 = arith.constant 0 : index
      %swap3A_925 = tpu.vector_load %arg14[%swap3A_924] {strides = array<i32>} : memref<16xf32, #tpu.memory_space<vmem>>, vector<16xf32>,
      tpu.vector_store %arg14[%swap3A_924], %add3A_894 {strides = array<i32>} : memref<16xf32, #tpu.memory_space<vmem>>, vector<16xf32>,
      %iota3A_926 = tpu.iota {dimensions = array<i32: 0>} : vector<16xi32>
      %xor3A_927 = arith.constant 8 : i32
      %xor3A_928 = vector.broadcast %xor3A_927 : i32 to vector<16xi32>
      %xor3A_929 = arith.xori %iota3A_926, %xor3A_928 : vector<16xi32>
      %gather3A_930 = tpu.vector_load_idx %arg14[%xor3A_929] : memref<16xf32, #tpu.memory_space<vmem>>[vector<16xi32>], vector<16xf32>,
      %add3A_931 = arith.addf %add3A_894, %gather3A_930 : vector<16xf32>
      %swap3A_932 = arith.constant 0 : index
      %swap3A_933 = tpu.vector_load %arg14[%swap3A_932] {strides = array<i32>} : memref<16xf32, #tpu.memory_space<vmem>>, vector<16xf32>,
      tpu.vector_store %arg14[%swap3A_932], %add3A_931 {strides = array<i32>} : memref<16xf32, #tpu.memory_space<vmem>>, vector<16xf32>,
      %iota3A_934 = tpu.iota {dimensions = array<i32: 0>} : vector<16xi32>
      %xor3A_935 = arith.constant 4 : i32
      %xor3A_936 = vector.broadcast %xor3A_935 : i32 to vector<16xi32>
      %xor3A_937 = arith.xori %iota3A_934, %xor3A_936 : vector<16xi32>
      %gather3A_938 = tpu.vector_load_idx %arg14[%xor3A_937] : memref<16xf32, #tpu.memory_space<vmem>>[vector<16xi32>], vector<16xf32>,
      %add3A_939 = arith.addf %add3A_931, %gather3A_938 : vector<16xf32>
      %swap3A_940 = arith.constant 0 : index
      %swap3A_941 = tpu.vector_load %arg14[%swap3A_940] {strides = array<i32>} : memref<16xf32, #tpu.memory_space<vmem>>, vector<16xf32>,
      tpu.vector_store %arg14[%swap3A_940], %add3A_939 {strides = array<i32>} : memref<16xf32, #tpu.memory_space<vmem>>, vector<16xf32>,
      %iota3A_942 = tpu.iota {dimensions = array<i32: 0>} : vector<16xi32>
      %xor3A_943 = arith.constant 2 : i32
      %xor3A_944 = vector.broadcast %xor3A_943 : i32 to vector<16xi32>
      %xor3A_945 = arith.xori %iota3A_942, %xor3A_944 : vector<16xi32>
      %gather3A_946 = tpu.vector_load_idx %arg14[%xor3A_945] : memref<16xf32, #tpu.memory_space<vmem>>[vector<16xi32>], vector<16xf32>,
      %add3A_947 = arith.addf %add3A_939, %gather3A_946 : vector<16xf32>
      %swap3A_948 = arith.constant 0 : index
      %swap3A_949 = tpu.vector_load %arg14[%swap3A_948] {strides = array<i32>} : memref<16xf32, #tpu.memory_space<vmem>>, vector<16xf32>,
      tpu.vector_store %arg14[%swap3A_948], %add3A_947 {strides = array<i32>} : memref<16xf32, #tpu.memory_space<vmem>>, vector<16xf32>,
      %iota3A_950 = tpu.iota {dimensions = array<i32: 0>} : vector<16xi32>
      %xor3A_951 = arith.constant 1 : i32
      %xor3A_952 = vector.broadcast %xor3A_951 : i32 to vector<16xi32>
      %xor3A_953 = arith.xori %iota3A_950, %xor3A_952 : vector<16xi32>
      %gather3A_954 = tpu.vector_load_idx %arg14[%xor3A_953] : memref<16xf32, #tpu.memory_space<vmem>>[vector<16xi32>], vector<16xf32>,
      %add3A_955 = arith.addf %add3A_947, %gather3A_954 : vector<16xf32>
      %gt3A = arith.constant 0.000000e+00 : f32
      %gt3A_956 = vector.broadcast %gt3A : f32 to vector<16xf32>
      %gt3A_957 = arith.cmpf ogt, %add3A_955, %gt3A_956 : vector<16xf32>
      %max3A = arith.constant 1.000000e+00 : f32
      %max3A_958 = vector.broadcast %max3A : f32 to vector<16xf32>
      %max3A_959 = arith.maximumf %add3A_955, %max3A_958 : vector<16xf32>
      %div3A = arith.divf %add3A_923, %max3A_959 : vector<16xf32>
      %broadcast_in_dim3A_960 = arith.constant 0.000000e+00 : f32
      %broadcast_in_dim3A_961 = vector.broadcast %broadcast_in_dim3A_960 : f32 to vector<16xf32>
      %select_n3A_962 = arith.select %gt3A_957, %div3A, %broadcast_in_dim3A_961 : vector<16xi1>, vector<16xf32>
      %swap3A_963 = arith.constant 0 : index
      %swap3A_964 = tpu.vector_load %arg12[%swap3A_963] {strides = array<i32>} : memref<32xf32, #tpu.memory_space<vmem>>, vector<16xf32>,
      tpu.vector_store %arg12[%swap3A_963], %select_n3A_962 {strides = array<i32>} : memref<32xf32, #tpu.memory_space<vmem>>, vector<16xf32>,
      %swap3A_965 = arith.constant 16 : index
      %swap3A_966 = tpu.vector_load %arg12[%swap3A_965] {strides = array<i32>} : memref<32xf32, #tpu.memory_space<vmem>>, vector<16xf32>,
      tpu.vector_store %arg12[%swap3A_965], %select_n3A_962 {strides = array<i32>} : memref<32xf32, #tpu.memory_space<vmem>>, vector<16xf32>,
      "tpu.region"() ({
        %run_scoped3A = tpu.sem_alloc : memref<!tpu.dma_semaphore, #tpu.memory_space<semaphore_mem>>
        tpu.enqueue_dma source(%arg12 : memref<32xf32, #tpu.memory_space<vmem>>) target(%arg5 : memref<32xf32, #tpu.memory_space<hbm>>) target_semaphore(%run_scoped3A : memref<!tpu.dma_semaphore, #tpu.memory_space<semaphore_mem>>)
        tpu.wait_dma2 semaphore(%run_scoped3A : memref<!tpu.dma_semaphore, #tpu.memory_space<semaphore_mem>>) src(%arg12 : memref<32xf32, #tpu.memory_space<vmem>>) dst(%arg5 : memref<32xf32, #tpu.memory_space<hbm>>)
        tpu.yield
      }) : () -> ()
    } else {
    }
    return
  }
}

</mosaic_0001>

<sc_bundles>
// kernel: _sc_loss.3.cloned.1.call-start
scs
__scs_entry_jumppad:
0x0: {  	(pc) =	sbr.rel $0x88, $3  }
0x1: {  	(tag) =	ssettag $0x0;
	lr =	simm.s32 $0x1  }
0x2: {  	[smem:$0x3F9E] =	sst lr;
	_ =	strace $0xD0000000  }
0x3: {  	_ = 	snop  }
0x4: {  	_ = 	snop  }
0x5: {  	_ = 	snop  }
0x6: {  	_ = 	snop  }
0x7: {  	_ = 	snop  }
__scs_overlays_trampoline_lowered:
0x8: {  	[smem:$0x3FAD] =	sst s0  }
0x9: {  	[smem:$0x3FAE] =	sst s1  }
0xa: {  	[smem:$0x3FAF] =	sst s2  }
0xb: {  	[smem:$0x3FB0] =	sst s3  }
0xc: {  	[smem:$0x3FB1] =	sst s4  }
0xd: {  	[smem:$0x3FB2] =	sst s5  }
0xe: {  	[smem:$0x3FB3] =	sst s6  }
0xf: {  	[smem:$0x3FB4] =	sst s7  }
0x10: {  	[smem:$0x3FB5] =	sst s8  }
0x11: {  	[smem:$0x3FB6] =	sst s9;
	s0 =	simm.s32 @!p0 $0x0  }
0x12: {  	s1 =	sld [smem:$0x3F9C];
	s0 =	simm.s32 @p0 $0x1  }
0x13: {  	[smem:$0x3FB7] =	sst s0;
	s0 =	simm.s32 @!p1 $0x0  }
0x14: {  	s2 =	sld [smem:$0x3F9B];
	s0 =	simm.s32 @p1 $0x1  }
0x15: {  	[smem:$0x3FB8] =	sst s0;
	s0 =	simm.s32 @!p2 $0x0  }
0x16: {  	s3 =	sld [smem:$0x3FDB];
	s0 =	simm.s32 @p2 $0x1  }
0x17: {  	s4 =	simm.s32 $0x1BF5;
	[smem:$0x3FBA] =	sst s0  }
0x18: {  	s0 =	sld [smem:$0x3F9D];
	_ =	swait.ge [sflag:s4], $0x0  }
0x19: {  	s7 =	sld [smem:$0x3F9E]  }
0x1a: {  	s8 =	sadd.s32 $0xFFFFE003, lr  }
0x1b: {  	s9 =	sadd.s32 $0xFFFFFEF7, lr;
	s5 =	simm.s32 $0xFFFFFFFF;
	p2 =	slt.u32 s8, $0xFFFFF086  }
0x1c: {  	p1 =	slt.u32 s9, $0xF7A;
	s5 =	simm.s32 @!p2 $0x0  }
0x1d: {  	s5 =	simm.s32 @p1 $0x1;
	p0 =	seq.s32 s7, s2  }
0x1e: {  	s7 =	smul.u32 @!p0 $0xF7A, s2;
	p2 =	seq.s32 @!p0 s5, $0x0  }
0x1f: {  	s9 =	smul.u32 $0xF7A, s1;
	s8 =	simm.s32 @!p0 $0x1BF5;
	p2 =	por !p2, p0  }
0x20: {  	[sflag:s8] =	ssyncset.s32 @!p0 $0xFFFFF086;
	s6 =	sadd.s32 @!p0 s3, s7;
	s7 =	simm.s32 @!p0 $0x108  }
0x21: {  	s3 =	sadd.s32 s3, s9;
	s6 =	sadd.s32 @!p0 $0x88, s6;
	s7 =	simm.s32 @p2 $0x1082  }
0x22: {  	[simem:s7], [sflag:s8] =	dma.local @!p0 [hbm:s6], $0xF7A  }
0x23: {  	s9 =	sor.u32 $0xD0000000, s2;
	s6 =	simm.s32 $0x108;
	_ =	swait.ge @!p0 [sflag:s8], $0x0  }
0x24: {  	s3 =	sadd.s32 $0x88, s3;
	s6 =	simm.s32 @!p1 $0x1082;
	[sflag:s4] =	ssyncset.s32 $0xFFFFF086  }
0x25: {  	[simem:s6], [sflag:s4] =	dma.local [hbm:s3], $0xF7A  }
0x26: {  	[smem:$0x3F9E] =	sst s1;
	(tag) =	ssettag s2;
	_ =	strace s9  }
0x27: {  	s1 =	sld [smem:$0x3FAE]  }
0x28: {  	s2 =	sld [smem:$0x3FAF]  }
0x29: {  	s4 =	sld [smem:$0x3FB1]  }
0x2a: {  	p0 =	seq.s32 s5, $0x0;
	s5 =	sld [smem:$0x3FB2]  }
0x2b: {  	s6 =	sld [smem:$0x3FB3]  }
0x2c: {  	s7 =	sld [smem:$0x3FB4]  }
0x2d: {  	s3 =	simm.s32 $0x108;
	s8 =	sld [smem:$0x3FB5]  }
0x2e: {  	s3 =	simm.s32 @!p0 $0x1082;
	s9 =	sld [smem:$0x3FB6]  }
0x2f: {  	lr =	sadd.s32 s0, s3;
	s0 =	sld [smem:$0x3FAD]  }
0x30: {  	s3 =	sld [smem:$0x3FB0]  }
0x31: {  	[smem:$0x3FB9] =	sst s10  }
0x32: {  	s10 =	sld [smem:$0x3FB7];
	_ =	sdelay $0x3  }
0x33: {  	p0 =	seq.s32 s10, $0x1;
	s10 =	sld [smem:$0x3FB9];
	_ =	sdelay $0x3  }
0x34: {  	[smem:$0x3FB9] =	sst s10  }
0x35: {  	s10 =	sld [smem:$0x3FB8];
	_ =	sdelay $0x3  }
0x36: {  	p1 =	seq.s32 s10, $0x1;
	s10 =	sld [smem:$0x3FB9];
	_ =	sdelay $0x3  }
0x37: {  	[smem:$0x3FB9] =	sst s10  }
0x38: {  	s10 =	sld [smem:$0x3FBA]  }
0x39: {  	_ = 	snop;
	(pc) =	sbr.ind lr, $3  }
0x3a: {  	_ = 	snop  }
0x3b: {  	_ = 	snop  }
0x3c: {  	p2 =	seq.s32 s10, $0x1;
	s10 =	sld [smem:$0x3FB9]  }
0x3d: {  	_ =	shalt  }
0x3e: {  	_ =	shalt  }
0x3f: {  	_ =	shalt  }
0x40: {  	_ =	shalt  }
0x41: {  	_ =	shalt  }
0x42: {  	_ =	shalt  }
0x43: {  	_ =	shalt  }
0x44: {  	_ =	shalt  }
0x45: {  	_ =	shalt  }
0x46: {  	_ =	shalt  }
0x47: {  	_ =	shalt  }
0x48: {  	_ =	shalt  }
0x49: {  	_ =	shalt  }
0x4a: {  	_ =	shalt  }
0x4b: {  	_ =	shalt  }
0x4c: {  	_ =	shalt  }
0x4d: {  	_ =	shalt  }
0x4e: {  	_ =	shalt  }
0x4f: {  	_ =	shalt  }
0x50: {  	_ =	shalt  }
0x51: {  	_ =	shalt  }
0x52: {  	_ =	shalt  }
0x53: {  	_ =	shalt  }
0x54: {  	_ =	shalt  }
0x55: {  	_ =	shalt  }
0x56: {  	_ =	shalt  }
0x57: {  	_ =	shalt  }
0x58: {  	_ =	shalt  }
0x59: {  	_ =	shalt  }
0x5a: {  	_ =	shalt  }
0x5b: {  	_ =	shalt  }
0x5c: {  	_ =	shalt  }
0x5d: {  	_ =	shalt  }
0x5e: {  	_ =	shalt  }
0x5f: {  	_ =	shalt  }
0x60: {  	_ =	shalt  }
0x61: {  	_ =	shalt  }
0x62: {  	_ =	shalt  }
0x63: {  	_ =	shalt  }
0x64: {  	_ =	shalt  }
0x65: {  	_ =	shalt  }
0x66: {  	_ =	shalt  }
0x67: {  	_ =	shalt  }
0x68: {  	_ =	shalt  }
0x69: {  	_ =	shalt  }
0x6a: {  	_ =	shalt  }
0x6b: {  	_ =	shalt  }
0x6c: {  	_ =	shalt  }
0x6d: {  	_ =	shalt  }
0x6e: {  	_ =	shalt  }
0x6f: {  	_ =	shalt  }
0x70: {  	_ =	shalt  }
0x71: {  	_ =	shalt  }
0x72: {  	_ =	shalt  }
0x73: {  	_ =	shalt  }
0x74: {  	_ =	shalt  }
0x75: {  	_ =	shalt  }
0x76: {  	_ =	shalt  }
0x77: {  	_ =	shalt  }
0x78: {  	_ =	shalt  }
0x79: {  	_ =	shalt  }
0x7a: {  	_ =	shalt  }
0x7b: {  	_ =	shalt  }
0x7c: {  	_ =	shalt  }
0x7d: {  	_ =	shalt  }
0x7e: {  	_ =	shalt  }
0x7f: {  	_ =	shalt  }
0x80: {  	_ =	shalt  }
0x81: {  	_ =	shalt  }
0x82: {  	_ =	shalt  }
0x83: {  	_ =	shalt  }
0x84: {  	_ =	shalt  }
0x85: {  	_ =	shalt  }
0x86: {  	_ =	shalt  }
0x87: {  	_ =	shalt  }
.Lfunc_end0:
.L_simem_size_0:
called_computation_lowered:
.L_overlay_start_0:
0x88: {  	s0 =	sld [smem:$0x3FD9]  }
0x89: {  	s1 =	sld [smem:$0x3FFE];
	_ =	sdelay $0x3  }
0x8a: {  	s0 =	sadd.s32 s1, s0  }
0x8b: {  	[smem:$0x3FC5] =	sst s0  }
0x8c: {  	_ = 	snop  }
0x8d: {  	s0 =	sld [smem:$0x3FC8]  }
0x8e: {  	s16 =	sld [smem:$0x3FC7]  }
0x8f: {  	s2 =	sld [smem:$0x3FD0];
	(tm) =	ssettm $0x1  }
0x90: {  	s3 =	sld [smem:$0x3FFB];
	_ =	sdelay $0x3  }
0x91: {  	_ =	strace s3  }
0x92: {  	s3 =	sld [smem:$0x3FFC];
	_ =	sdelay $0x3  }
0x93: {  	_ =	strace s3  }
0x94: {  	s3 =	sld [smem:$0x3FFD];
	_ =	sdelay $0x3  }
0x95: {  	_ =	strace s3  }
0x96: {  	_ =	strace $0x8FFFFFFF  }
0x97: {  	s17 =	sld [smem:$0x3FDB];
	_ =	sdelay $0x1  }
0x98: {  	s4 =	simm.s32 $_scs_section_size  }
0x99: {  	s5 =	simm.s32 $_size__tile_overlayer_lowered;
	s6 =	simm.s32 $_tile_overlayer_lowered  }
0x9a: {  	s20 =	simm.s32 $0x1BFF;
	s19 =	sshll.u32 s6, $0x1;
	s3 =	sadd.s32 s4, s17  }
0x9b: {  	s7 =	simm.s32 $0x0;
	s18 =	sshll.u32 s5, $0x1;
	s5 =	sadd.s32 s19, s3  }
0x9c: {  	[timem:s7], [sflag:s20] =	dma.local [hbm:s5], s18  }
0x9d: {  	_ =	swait.ge [sflag:s20], s18  }
0x9e: {  	s4 =	ssub.s32 $0x0, s18;
	[sflag:s20] =	ssyncset.done $0x0  }
0x9f: {  	[sflag:s20] =	ssyncadd.s32 s4;
	_ =	sdelay $0x1  }
0xa0: {  	s21 =	simm.s32 $0x1B8B  }
0xa1: {  	_ =	swait.ge [sflag:s21], $0x1  }
0xa2: {  	[sflag:s21] =	ssyncset.done $0x0  }
0xa3: {  	s23 =	simm.s32 $0x1B8E;
	s22 =	sld [smem:$0x3FFE];
	[sflag:s21] =	ssyncadd.s32 $0xFFFFFFFF  }
0xa4: {  	s24 =	simm.s32 $execute0_lowered;
	[smem:$0x3FD2] =	sst s23  }
0xa5: {  	s5 =	sshll.u32 s24, $0x1;
	_ =	strace $0x80000046;
	[dreg:$0x1] =	wrdreg $0xFFFFFFFF  }
0xa6: {  	s25 =	simm.s32 $_size_execute0_lowered;
	s3 =	sadd.s32 s3, s5;
	[dreg:$0x0] =	wrdreg $0x0  }
0xa7: {  	s5 =	sshll.u32 s25, $0x1;
	[dreg:$0x2] =	wrdreg s3  }
0xa8: {  	[dreg:$0x3] =	wrdreg s5  }
0xa9: {  	[dreg:$0x4] =	wrdreg $0xC0  }
0xaa: {  	_ =	task [dreg:s7], $0x5FFFF  }
0xab: {  	[dreg:$0x1] =	wrdreg $0xFFFFFFFF  }
0xac: {  	[dreg:$0x0] =	wrdreg $0x60  }
0xad: {  	[dreg:$0x2] =	wrdreg s22  }
0xae: {  	[dreg:$0x3] =	wrdreg s0  }
0xaf: {  	[dreg:$0x4] =	wrdreg s16  }
0xb0: {  	[dreg:$0x5] =	wrdreg s2  }
0xb1: {  	[dreg:$0x6] =	wrdreg $0xF6500  }
0xb2: {  	[dreg:$0x7] =	wrdreg $0x9  }
0xb3: {  	_ =	task.clear_ibuf [dreg:s7], $0x8FFFF;
	_ =	strace $0x90000046  }
0xb4: {  	s26 =	simm.s32 $0x9;
	_ =	strace $0x80000048  }
0xb5: {  	_ =	swait.ge [sflag:s26], $0x1  }
0xb6: {  	[sflag:s26] =	ssyncadd.s32 $0xFFFFFFFF  }
0xb7: {  	_ =	strace $0x90000048  }
0xb8: {  	_ =	sfence  }
0xb9: {  	s28 =	sld [smem:$0x0];
	_ =	sdelay $0x1  }
0xba: {  	s29 =	srdreg.scid  }
0xbb: {  	s30 =	sshll.u32 s29, $0xD;
	s31 =	sshrl.u32 s29, $0x2  }
0xbc: {  	s1 =	sand.u32 $0x1, s29;
	s2 =	sand.u32 $0x4000, s30;
	s0 =	sadd.s32 s31, s28  }
0xbd: {  	s1 =	sor.u32 s2, s1;
	s0 =	sshll.u32 s0, $0x11  }
0xbe: {  	s0 =	sor.u32 s0, s1  }
0xbf: {  	s0 =	sadd.s32 $0x8F2B, s0  }
0xc0: {  	[sflag:s0] =	ssyncadd.remote.s32 $0x1  }
0xc1: {  	_ =	sfence.sel $0xFFFF  }
0xc2: {  	[dreg:$0x0] =	wrdreg $0xFFFFFFFF;
	(pc) =	sbr.abs _section_cstart, $3  }
0xc3: {  	[dreg:$0x1] =	wrdreg $0xFFFFFFFF  }
0xc4: {  	_ =	task.clear_ibuf [dreg:s7], $0x2FFFF;
	_ =	strace $0x9FFFFFFF  }
0xc5: {  	(tm) =	ssettm $0x7FFFFFFF  }
tec
execute0_lowered:
.L_overlay_start_1:
0x0: {  	(tag) =	ssettag $0x1  }
0x1: {  	s6 =	rddreg [dreg:$0x0]  }
0x2: {  	s5 =	rddreg [dreg:$0x1]  }
0x3: {  	s4 =	rddreg [dreg:$0x2];
	s3 =	stileid.u32  }
0x4: {  	s1 =	rddreg [dreg:$0x3];
	s7 =	smul.u32 $0xF420, s3  }
0x5: {  	s2 =	rddreg [dreg:$0x4];
	s8 =	simm.s32 $0x0  }
0x6: {  	[smem:$0x7FF] =	sst s8;
	s7 =	sshrl.u32 s7, $0x3  }
0x7: {  	s0 =	rddreg [dreg:$0x5];
	_ =	strace $0x80000047;
	s9 =	sadd.s32 s6, s7  }
0x8: {  	[tilespmem:s8], [sflag:$0x1] =	stream.linear.gather [hbm4b:s9+s8], $0x28B0, $0x38;
	[tilespmem:$0xF670] =	vst v63  }
0x9: {  	s10 =	simm.s32 $0x28B0;
	s18 =	sadd.s32 s5, s7  }
0xa: {  	[tilespmem:s10], [sflag:$0x1] =	stream.linear.gather [hbm4b:s18+s8], $0x28B0, $0x38;
	[tilespmem:$0xF670] =	vst v63  }
0xb: {  	s11 =	simm.s32 $0x5160;
	s19 =	sadd.s32 s4, s7;
	s20 =	sadd.s32 $0x516, s7  }
0xc: {  	[tilespmem:s11], [sflag:$0x1] =	stream.linear.gather [hbm4b:s19+s8], $0x28B0, $0x38;
	[tilespmem:$0xF670] =	vst v63  }
0xd: {  	s22 =	simm.s32 $0x7A10;
	s21 =	sadd.s32 s6, s20  }
0xe: {  	[tilespmem:s22], [sflag:$0x2] =	stream.linear.gather [hbm4b:s21+s8], $0x28B0, $0x38;
	[tilespmem:$0xF670] =	vst v63  }
0xf: {  	s24 =	simm.s32 $0xA2C0;
	s23 =	sadd.s32 s5, s20  }
0x10: {  	[tilespmem:s24], [sflag:$0x2] =	stream.linear.gather [hbm4b:s23+s8], $0x28B0, $0x38;
	[tilespmem:$0xF670] =	vst v63  }
0x11: {  	s26 =	simm.s32 $0xCB70;
	s28 =	simm.s32 $0x1;
	s25 =	sadd.s32 s4, s20  }
0x12: {  	[tilespmem:s26], [sflag:$0x2] =	stream.linear.gather [hbm4b:s25+s8], $0x28B0, $0x38;
	[tilespmem:$0xF670] =	vst v63  }
0x13: {  	_ =	swait.ge [sflag:s28], $0x28B0  }
0x14: {  	[sflag:s28] =	ssyncset.done $0x0  }
0x15: {  	[sflag:s28] =	ssyncadd.s32 $0xFFFFD750  }
0x16: {  	_ =	swait.ge [sflag:s28], $0x28B0  }
0x17: {  	[sflag:s28] =	ssyncset.done $0x0  }
0x18: {  	[sflag:s28] =	ssyncadd.s32 $0xFFFFD750  }
0x19: {  	_ =	swait.ge [sflag:s28], $0x28B0  }
0x1a: {  	[sflag:s28] =	ssyncset.done $0x0  }
0x1b: {  	s29 =	simm.s32 $0x40;
	[sflag:s28] =	ssyncadd.s32 $0xFFFFD750  }
0x1c: {  	s30 =	simm.s32 $0x51A0;
	v1 =	vld [tilespmem:s29+$0xFFFFFFC0]  }
0x1d: {  	s31 =	simm.s32 $0x28F0;
	v2 =	vld [tilespmem:s30+$0x0]  }
0x1e: {  	v0 =	vld [tilespmem:s31+$0xFFFFFFC0]  }
0x1f: {  	v4 =	vld [tilespmem:s29+$0x0]  }
0x20: {  	v5 =	vld [tilespmem:s31+$0xFFFFFFE0]  }
0x21: {  	v17 =	vld [tilespmem:s30+$0xFFFFFFC0]  }
0x22: {  	v3 =	vld [tilespmem:s31+$0x0]  }
0x23: {  	v9 =	vld [tilespmem:s30+$0xFFFFFFF0]  }
0x24: {  	v10 =	vld [tilespmem:s30+$0xFFFFFFD0]  }
0x25: {  	v7 =	vld [tilespmem:s31+$0x20];
	v6 =	vsub.s32 $0x0, v0;
	v2 =	vsub.f32 v4, v2  }
0x26: {  	v8 =	vld [tilespmem:s30+$0x20];
	v12 =	vsub.s32 $0x0, v5;
	v1 =	vsub.f32 v1, v17;
	v6 =	vmin.u32 v0, v6  }
0x27: {  	v13 =	vld [tilespmem:s30+$0x10];
	v0 =	vimm.f32 $0.0e+00;
	v5 =	vmin.u32 v5, v12;
	vm0 =	veq.s32 v6, $0x1  }
0x28: {  	v4 =	vld [tilespmem:s31+$0xFFFFFFD0];
	v6 =	vsub.s32 $0x0, v3;
	v14 =	vand.u32 $0x7FFFFFFF, v2;
	v15 =	vmul.f32 $5.000000000e-01, v2  }
0x29: {  	v12 =	vld [tilespmem:s29+$0x20];
	vm2 =	veq.s32 v5, $0x1;
	v11 =	vsel vm0, $0x3F800000, v0;
	v16 =	vadd.f32 $-5.000000000e-01, v14  }
0x2a: {  	v18 =	vld [tilespmem:s29+$0x10];
	v5 =	vsel vm2, $0x3F800000, v0;
	vm1 =	vlt.f32 v14, $1.000000000e+00;
	v3 =	vmin.u32 v3, v6  }
0x2b: {  	v14 =	vld [tilespmem:s29+$0xFFFFFFD0];
	v2 =	vmul.f32 v15, v2;
	v6 =	vadd.f32 v5, v0;
	v5 =	vsub.s32 $0x0, v7  }
0x2c: {  	v17 =	vmul.f32 $5.000000000e-01, v1;
	v11 =	vadd.f32 v11, v0;
	v15 =	vld [tilespmem:s29+$0xFFFFFFF0];
	v5 =	vmin.u32 v7, v5  }
0x2d: {  	v2 =	vsel vm1, v2, v16;
	vm1 =	veq.s32 v3, $0x1;
	v16 =	vsub.s32 $0x0, v4  }
0x2e: {  	v12 =	vsub.f32 v12, v8;
	v7 =	vsel vm1, $0x3F800000, v0;
	v8 =	vnsel vm1, $0x0, v2  }
0x2f: {  	v3 =	vld [tilespmem:s31+$0x10];
	vm1 =	veq.s32 v5, $0x1;
	v4 =	vmin.u32 v4, v16;
	v7 =	vadd.f32 v7, v11  }
0x30: {  	v20 =	vld [tilespmem:s29+$0xFFFFFFE0];
	v5 =	vand.u32 $0x7FFFFFFF, v12;
	v11 =	vmul.f32 $5.000000000e-01, v12;
	v14 =	vsub.f32 v14, v10  }
0x31: {  	v2 =	vld [tilespmem:s31+$0xFFFFFFF0];
	vm3 =	veq.s32 v4, $0x1;
	v10 =	vsub.f32 v18, v13;
	v9 =	vsub.f32 v15, v9  }
0x32: {  	v16 =	vld [tilespmem:s29+$0x30];
	vm4 =	vlt.f32 v5, $1.000000000e+00;
	v19 =	vsel vm3, $0x3F800000, v0;
	v5 =	vadd.f32 $-5.000000000e-01, v5  }
0x33: {  	v13 =	vld [tilespmem:s30+$0x30];
	v11 =	vmul.f32 v11, v12;
	v18 =	vand.u32 $0x7FFFFFFF, v14;
	v27 =	vand.u32 $0x7FFFFFFF, v10  }
0x34: {  	v4 =	vld [tilespmem:s30+$0xFFFFFFE0];
	v19 =	vadd.f32 v19, v0;
	v12 =	vmul.f32 $5.000000000e-01, v10;
	v15 =	vsub.s32 $0x0, v3  }
0x35: {  	v23 =	vand.u32 $0x7FFFFFFF, v9;
	vm5 =	vlt.f32 v18, $1.000000000e+00;
	v25 =	vmul.f32 $5.000000000e-01, v9  }
0x36: {  	v22 =	vld [tilespmem:s31+$0x30];
	vm6 =	vlt.f32 v27, $1.000000000e+00;
	v21 =	vsub.s32 $0x0, v2;
	v3 =	vmin.u32 v3, v15  }
0x37: {  	v15 =	vmul.f32 $5.000000000e-01, v14;
	v5 =	vsel vm4, v11, v5;
	vm8 =	vlt.f32 v23, $1.000000000e+00  }
0x38: {  	v2 =	vmin.u32 v2, v21;
	vm4 =	veq.s32 v3, $0x1;
	v3 =	vsub.f32 v16, v13  }
0x39: {  	v26 =	vsub.f32 v20, v4;
	v16 =	vand.u32 $0x7FFFFFFF, v1;
	v13 =	vadd.f32 $-5.000000000e-01, v18  }
0x3a: {  	v21 =	vadd.f32 $-5.000000000e-01, v23;
	v25 =	vmul.f32 v25, v9;
	v9 =	vimm.f32 $0.0e+00  }
0x3b: {  	v11 =	vmul.f32 v15, v14;
	v4 =	vsel vm4, $0x3F800000, v0;
	v14 =	vsub.s32 $0x0, v22  }
0x3c: {  	v15 =	vmul.f32 v17, v1;
	vm7 =	veq.s32 v2, $0x1;
	v28 =	vmul.f32 $5.000000000e-01, v3  }
0x3d: {  	v4 =	vadd.f32 v4, v19;
	v18 =	vmin.u32 v22, v14;
	v1 =	vand.u32 $0x7FFFFFFF, v26  }
0x3e: {  	v20 =	vand.u32 $0x7FFFFFFF, v3;
	v2 =	vmul.f32 $5.000000000e-01, v26;
	v17 =	vsel vm7, $0x3F800000, v0  }
0x3f: {  	v14 =	vadd.f32 $-5.000000000e-01, v27;
	v22 =	vadd.f32 $-5.000000000e-01, v16;
	v19 =	vnsel vm1, $0x0, v5  }
0x40: {  	v5 =	vimm.f32 $0.0e+00;
	vm10 =	vlt.f32 v1, $1.000000000e+00;
	v24 =	vadd.f32 $-5.000000000e-01, v1  }
0x41: {  	s9 =	simm.s32 $0xC0;
	vm9 =	vlt.f32 v20, $1.000000000e+00;
	v1 =	vimm.f32 $0.0e+00;
	v26 =	vmul.f32 v2, v26  }
0x42: {  	s10 =	simm.s32 $0x5220;
	s11 =	simm.s32 $0x2970;
	s8 =	simm.s32 $0x0;
	v23 =	vmul.f32 v28, v3;
	v3 =	vimm.f32 $0.0e+00;
	v2 =	vimm.f32 $0.0e+00  }
.LBB2_1:
0x43: {  	v27 =	vld [tilespmem:s9+$0xFFFFFFC0];
	s8 =	sadd.s32 $0x80, s8;
	v24 =	vsel vm10, v26, v24;
	v21 =	vsel vm8, v25, v21;
	v10 =	vmul.f32 v12, v10  }
0x44: {  	vm8 =	vlt.f32 v16, $1.000000000e+00;
	v20 =	vadd.f32 $-5.000000000e-01, v20;
	v12 =	vld [tilespmem:s10+$0x0];
	p0 =	slt.u32 s8, $0x2800;
	v16 =	vnsel vm2, $0x0, v24  }
0x45: {  	vm2 =	veq.s32 v18, $0x1;
	v24 =	vld [tilespmem:s11+$0xFFFFFFC0];
	v3 =	vadd.f32 v16, v3;
	v16 =	vnsel vm7, $0x0, v21  }
0x46: {  	v11 =	vsel vm5, v11, v13;
	v15 =	vsel vm8, v15, v22;
	v13 =	vsel vm9, v23, v20;
	v18 =	vld [tilespmem:s11+$0x0]  }
0x47: {  	v2 =	vadd.f32 v17, v2;
	v5 =	vadd.f32 v16, v5;
	v16 =	vsel vm2, $0x3F800000, v0;
	v20 =	vld [tilespmem:s9+$0x0]  }
0x48: {  	v11 =	vnsel vm3, $0x0, v11;
	v15 =	vnsel vm0, $0x0, v15;
	v3 =	vadd.f32 v19, v3;
	v17 =	vld [tilespmem:s11+$0xFFFFFFE0]  }
0x49: {  	v1 =	vadd.f32 v11, v1;
	v10 =	vsel vm6, v10, v14;
	v11 =	vnsel vm2, $0x0, v13;
	v19 =	vld [tilespmem:s10+$0xFFFFFFF0]  }
0x4a: {  	v10 =	vnsel vm4, $0x0, v10;
	v2 =	vadd.f32 v16, v2;
	v13 =	vsub.s32 $0x0, v24;
	v14 =	vld [tilespmem:s10+$0xFFFFFFD0]  }
0x4b: {  	v22 =	vsel vm1, $0x3F800000, v0;
	v13 =	vmin.u32 v24, v13;
	v16 =	vsub.s32 $0x0, v18;
	v21 =	vld [tilespmem:s11+$0x20]  }
0x4c: {  	v1 =	vadd.f32 v10, v1;
	vm0 =	veq.s32 v13, $0x1;
	v12 =	vsub.f32 v20, v12;
	v13 =	vld [tilespmem:s10+$0x20]  }
0x4d: {  	v5 =	vadd.f32 v11, v5;
	v10 =	vsel vm0, $0x3F800000, v0;
	v20 =	vld [tilespmem:s11+$0xFFFFFFD0];
	v23 =	vsub.s32 $0x0, v17  }
0x4e: {  	v6 =	vadd.f32 v22, v6;
	v11 =	vand.u32 $0x7FFFFFFF, v12;
	v24 =	vmul.f32 $5.000000000e-01, v12;
	v25 =	vld [tilespmem:s10+$0x10]  }
0x4f: {  	v9 =	vadd.f32 v15, v9;
	v17 =	vmin.u32 v17, v23;
	v22 =	vadd.f32 $-5.000000000e-01, v11;
	v23 =	vld [tilespmem:s9+$0x20]  }
0x50: {  	v7 =	vadd.f32 v10, v7;
	vm2 =	veq.s32 v17, $0x1;
	v15 =	vld [tilespmem:s10+$0xFFFFFFC0];
	v10 =	vmul.f32 v24, v12  }
0x51: {  	vm1 =	vlt.f32 v11, $1.000000000e+00;
	v11 =	vmin.u32 v18, v16;
	v12 =	vsel vm2, $0x3F800000, v0;
	v17 =	vld [tilespmem:s9+$0xFFFFFFF0]  }
0x52: {  	v6 =	vadd.f32 v12, v6;
	v12 =	vsub.s32 $0x0, v21;
	v16 =	vld [tilespmem:s9+$0xFFFFFFD0];
	v10 =	vsel vm1, v10, v22  }
0x53: {  	v9 =	vadd.f32 v8, v9;
	vm1 =	veq.s32 v11, $0x1;
	v12 =	vmin.u32 v21, v12;
	v11 =	vld [tilespmem:s11+$0x10]  }
0x54: {  	v18 =	vsub.s32 $0x0, v20;
	v21 =	vsel vm1, $0x3F800000, v0;
	v13 =	vsub.f32 v23, v13;
	v22 =	vld [tilespmem:s9+$0x30]  }
0x55: {  	v8 =	vnsel vm1, $0x0, v10;
	vm1 =	veq.s32 v12, $0x1;
	v7 =	vadd.f32 v21, v7;
	v10 =	vld [tilespmem:s9+$0x10]  }
0x56: {  	v12 =	vmin.u32 v20, v18;
	v18 =	vld [tilespmem:s11+$0xFFFFFFF0];
	v20 =	vand.u32 $0x7FFFFFFF, v13;
	v21 =	vmul.f32 $5.000000000e-01, v13  }
0x57: {  	v15 =	vsub.f32 v27, v15;
	v19 =	vsub.f32 v17, v19  }
0x58: {  	v14 =	vsub.f32 v16, v14;
	v16 =	vsub.s32 $0x0, v11;
	v17 =	vld [tilespmem:s11+$0x30]  }
0x59: {  	vm3 =	veq.s32 v12, $0x1;
	v23 =	vmul.f32 $5.000000000e-01, v15;
	vm4 =	vlt.f32 v20, $1.000000000e+00;
	v24 =	vld [tilespmem:s10+$0xFFFFFFE0]  }
0x5a: {  	v12 =	vsel vm3, $0x3F800000, v0;
	v13 =	vmul.f32 v21, v13;
	v10 =	vsub.f32 v10, v25;
	v21 =	vld [tilespmem:s10+$0x30]  }
0x5b: {  	v20 =	vadd.f32 $-5.000000000e-01, v20;
	v25 =	vand.u32 $0x7FFFFFFF, v14;
	v26 =	vld [tilespmem:s9+$0xFFFFFFE0];
	v27 =	vsub.s32 $0x0, v18  }
0x5c: {  	v28 =	vand.u32 $0x7FFFFFFF, v19;
	v16 =	vmin.u32 v11, v16;
	v29 =	vand.u32 $0x7FFFFFFF, v10  }
0x5d: {  	v4 =	vadd.f32 v12, v4;
	v11 =	vmul.f32 $5.000000000e-01, v14;
	v12 =	vmul.f32 $5.000000000e-01, v10  }
0x5e: {  	v30 =	vsel vm4, v13, v20;
	vm5 =	vlt.f32 v25, $1.000000000e+00;
	v27 =	vmin.u32 v18, v27  }
0x5f: {  	vm4 =	veq.s32 v16, $0x1;
	v11 =	vmul.f32 v11, v14;
	v31 =	vsub.f32 v22, v21  }
0x60: {  	v14 =	vsel vm4, $0x3F800000, v0;
	v18 =	vsub.s32 $0x0, v17;
	v26 =	vsub.f32 v26, v24  }
0x61: {  	vm8 =	vlt.f32 v28, $1.000000000e+00;
	v16 =	vand.u32 $0x7FFFFFFF, v15;
	v32 =	vmul.f32 $5.000000000e-01, v31  }
0x62: {  	v13 =	vadd.f32 $-5.000000000e-01, v25;
	v22 =	vmul.f32 $5.000000000e-01, v19;
	v21 =	vadd.f32 $-5.000000000e-01, v28  }
0x63: {  	v15 =	vmul.f32 v23, v15;
	v4 =	vadd.f32 v14, v4;
	v18 =	vmin.u32 v17, v18  }
.Ltmp0:
0x64: {  	vm7 =	veq.s32 v27, $0x1;
	v20 =	vand.u32 $0x7FFFFFFF, v31;
	v14 =	vand.u32 $0x7FFFFFFF, v26;
	(pc) =	sbr.rel @p0 .LBB2_1-.Ltmp0, $4  }
0x65: {  	v17 =	vsel vm7, $0x3F800000, v0;
	v23 =	vmul.f32 $5.000000000e-01, v26;
	vm10 =	vlt.f32 v14, $1.000000000e+00  }
0x66: {  	v25 =	vmul.f32 v22, v19;
	v24 =	vadd.f32 $-5.000000000e-01, v14;
	v14 =	vadd.f32 $-5.000000000e-01, v29  }
0x67: {  	vm6 =	vlt.f32 v29, $1.000000000e+00;
	v22 =	vadd.f32 $-5.000000000e-01, v16;
	v26 =	vmul.f32 v23, v26  }
0x68: {  	s11 =	sadd.s32 $0x80, s11;
	s10 =	sadd.s32 $0x80, s10;
	s9 =	sadd.s32 $0x80, s9;
	v19 =	vnsel vm1, $0x0, v30;
	vm9 =	vlt.f32 v20, $1.000000000e+00;
	v23 =	vmul.f32 v32, v31  }
0x69: {  	v27 =	vld [tilespmem:$0x2880]  }
0x6a: {  	v28 =	vld [tilespmem:$0x79E0]  }
0x6b: {  	v29 =	vld [tilespmem:$0x5130]  }
0x6c: {  	v30 =	vld [tilespmem:$0x2890]  }
0x6d: {  	v31 =	vld [tilespmem:$0x79F0]  }
0x6e: {  	v32 =	vld [tilespmem:$0x5140]  }
0x6f: {  	v33 =	vld [tilespmem:$0x28A0];
	s8 =	sadd.s32 $0xA2C, s7  }
0x70: {  	v34 =	vld [tilespmem:$0x7A00];
	s10 =	simm.s32 $0x0;
	v24 =	vsel vm10, v26, v24;
	v21 =	vsel vm8, v25, v21;
	s9 =	sadd.s32 s6, s8  }
0x71: {  	v35 =	vld [tilespmem:$0x5150];
	v10 =	vmul.f32 v12, v10;
	vm8 =	vlt.f32 v16, $1.000000000e+00;
	v11 =	vsel vm5, v11, v13;
	[tilespmem:s10], [sflag:$0x1] =	stream.linear.gather [hbm4b:s9+s10], $0x28B0, $0x38  }
0x72: {  	s11 =	simm.s32 $0x28B0;
	v2 =	vadd.f32 v17, v2;
	v12 =	vnsel vm2, $0x0, v24;
	s25 =	sadd.s32 s5, s8;
	vm2 =	veq.s32 v18, $0x1  }
0x73: {  	v16 =	vnsel vm7, $0x0, v21;
	v15 =	vsel vm8, v15, v22;
	v3 =	vadd.f32 v12, v3;
	[tilespmem:s11], [sflag:$0x1] =	stream.linear.gather [hbm4b:s25+s10], $0x28B0, $0x38;
	[tilespmem:$0xF670] =	vst v63  }
0x74: {  	s26 =	simm.s32 $0x5160;
	s28 =	simm.s32 $0x2;
	s8 =	sadd.s32 s4, s8;
	v11 =	vnsel vm3, $0x0, v11;
	v12 =	vadd.f32 $-5.000000000e-01, v20;
	v5 =	vadd.f32 v16, v5  }
0x75: {  	v13 =	vsel vm2, $0x3F800000, v0;
	v15 =	vnsel vm0, $0x0, v15;
	v10 =	vsel vm6, v10, v14;
	[tilespmem:s26], [sflag:$0x1] =	stream.linear.gather [hbm4b:s8+s10], $0x28B0, $0x38;
	[tilespmem:$0xF670] =	vst v63  }
0x76: {  	v1 =	vadd.f32 v11, v1;
	v10 =	vnsel vm4, $0x0, v10;
	v14 =	vsub.f32 v27, v28;
	_ =	swait.ge [sflag:s28], $0x28B0  }
0x77: {  	v2 =	vadd.f32 v13, v2;
	v9 =	vadd.f32 v15, v9;
	v12 =	vsel vm9, v23, v12;
	[sflag:s28] =	ssyncset.done $0x0  }
0x78: {  	v11 =	vnsel vm2, $0x0, v12;
	v12 =	vsel vm1, $0x3F800000, v0;
	v0 =	vmul.f32 $5.000000000e-01, v14;
	[sflag:s28] =	ssyncadd.s32 $0xFFFFD750  }
0x79: {  	v3 =	vadd.f32 v19, v3;
	v1 =	vadd.f32 v10, v1;
	v10 =	vand.u32 $0x7FFFFFFF, v14;
	_ =	swait.ge [sflag:s28], $0x28B0  }
0x7a: {  	v5 =	vadd.f32 v11, v5;
	v11 =	vadd.f32 $-5.000000000e-01, v10;
	v0 =	vmul.f32 v0, v14;
	[sflag:s28] =	ssyncset.done $0x0  }
0x7b: {  	v13 =	vsub.f32 v30, v31;
	vm0 =	vlt.f32 v10, $1.000000000e+00;
	v10 =	vsub.s32 $0x0, v29;
	[sflag:s28] =	ssyncadd.s32 $0xFFFFD750  }
0x7c: {  	v8 =	vadd.f32 v8, v9;
	v9 =	vsel vm0, v0, v11;
	v0 =	vmin.u32 v29, v10;
	_ =	swait.ge [sflag:s28], $0x28B0  }
0x7d: {  	v15 =	vsub.f32 v33, v34;
	v14 =	vsub.s32 $0x0, v32;
	vm0 =	veq.s32 v0, $0x1;
	[sflag:s28] =	ssyncset.done $0x0  }
0x7e: {  	s29 =	simm.s32 $0x7A50;
	v10 =	vmul.f32 $5.000000000e-01, v13;
	v11 =	vadd.f32 v12, v6;
	v6 =	vnsel vm0, $0x0, v9;
	[sflag:s28] =	ssyncadd.s32 $0xFFFFD750  }
0x7f: {  	s30 =	simm.s32 $0xCBB0;
	v0 =	vimm.f32 $0.0e+00;
	v6 =	vadd.f32 v6, v8;
	v8 =	vand.u32 $0x7FFFFFFF, v13;
	v12 =	vld [tilespmem:s29+$0xFFFFFFC0]  }
0x80: {  	s31 =	simm.s32 $0xA300;
	v9 =	vsel vm0, $0x3F800000, v0;
	v10 =	vmul.f32 v10, v13;
	v13 =	vadd.f32 $-5.000000000e-01, v8;
	v16 =	vld [tilespmem:s30+$0x0]  }
0x81: {  	v7 =	vadd.f32 v9, v7;
	vm0 =	vlt.f32 v8, $1.000000000e+00;
	v8 =	vmin.u32 v32, v14;
	v9 =	vld [tilespmem:s31+$0xFFFFFFC0]  }
0x82: {  	v18 =	vld [tilespmem:s29+$0x0];
	v10 =	vsel vm0, v10, v13;
	vm0 =	veq.s32 v8, $0x1;
	v8 =	vmul.f32 $5.000000000e-01, v15  }
0x83: {  	v19 =	vsub.s32 $0x0, v35;
	v17 =	vand.u32 $0x7FFFFFFF, v15;
	v24 =	vld [tilespmem:s30+$0xFFFFFFC0];
	v10 =	vnsel vm0, $0x0, v10  }
0x84: {  	v13 =	vld [tilespmem:s31+$0x0];
	v14 =	vsel vm0, $0x3F800000, v0;
	v8 =	vmul.f32 v8, v15;
	v15 =	vadd.f32 $-5.000000000e-01, v17  }
0x85: {  	v20 =	vld [tilespmem:s31+$0xFFFFFFE0];
	vm0 =	vlt.f32 v17, $1.000000000e+00;
	v6 =	vadd.f32 v10, v6;
	v10 =	vmin.u32 v35, v19  }
0x86: {  	v22 =	vld [tilespmem:s29+$0x20];
	v7 =	vadd.f32 v14, v7;
	v8 =	vsel vm0, v8, v15;
	vm0 =	veq.s32 v10, $0x1  }
0x87: {  	v17 =	vld [tilespmem:s30+$0xFFFFFFF0];
	v15 =	vsub.s32 $0x0, v9;
	v8 =	vnsel vm0, $0x0, v8;
	v14 =	vsel vm0, $0x3F800000, v0  }
0x88: {  	v19 =	vld [tilespmem:s31+$0x20];
	v6 =	vadd.f32 v8, v6;
	v8 =	vmin.u32 v9, v15;
	v9 =	vsub.f32 v18, v16  }
0x89: {  	v10 =	vld [tilespmem:s30+$0xFFFFFFD0];
	v24 =	vsub.f32 v12, v24;
	v7 =	vadd.f32 v14, v7;
	v14 =	vsub.s32 $0x0, v13  }
0x8a: {  	v15 =	vld [tilespmem:s30+$0x20];
	vm0 =	veq.s32 v8, $0x1;
	v8 =	vsub.s32 $0x0, v20;
	v18 =	vand.u32 $0x7FFFFFFF, v9  }
0x8b: {  	v16 =	vld [tilespmem:s31+$0xFFFFFFD0];
	v21 =	vmul.f32 $5.000000000e-01, v9;
	v23 =	vsel vm0, $0x3F800000, v0;
	v8 =	vmin.u32 v20, v8  }
0x8c: {  	v20 =	vadd.f32 $-5.000000000e-01, v18;
	vm2 =	veq.s32 v8, $0x1;
	vm1 =	vlt.f32 v18, $1.000000000e+00;
	v18 =	vld [tilespmem:s30+$0x10]  }
0x8d: {  	v23 =	vadd.f32 v23, v7;
	v8 =	vmul.f32 v21, v9;
	v21 =	vld [tilespmem:s29+$0xFFFFFFF0];
	v7 =	vsel vm2, $0x3F800000, v0  }
0x8e: {  	v26 =	vmul.f32 $5.000000000e-01, v24;
	v9 =	vmin.u32 v13, v14;
	v13 =	vld [tilespmem:s29+$0xFFFFFFD0];
	v7 =	vadd.f32 v7, v11  }
0x8f: {  	v14 =	vld [tilespmem:s31+$0x10];
	v11 =	vsub.s32 $0x0, v19;
	v15 =	vsub.f32 v22, v15;
	v8 =	vsel vm1, v8, v20  }
0x90: {  	v22 =	vld [tilespmem:s29+$0x10];
	vm1 =	veq.s32 v9, $0x1;
	v11 =	vmin.u32 v19, v11;
	v19 =	vsub.s32 $0x0, v16  }
0x91: {  	v20 =	vsel vm1, $0x3F800000, v0;
	v9 =	vnsel vm1, $0x0, v8;
	vm1 =	veq.s32 v11, $0x1  }
0x92: {  	v11 =	vmin.u32 v16, v19;
	v8 =	vadd.f32 v20, v23;
	v20 =	vand.u32 $0x7FFFFFFF, v15  }
0x93: {  	v16 =	vld [tilespmem:s31+$0xFFFFFFF0];
	v23 =	vmul.f32 $5.000000000e-01, v15;
	vm3 =	veq.s32 v11, $0x1;
	v25 =	vsub.f32 v21, v17  }
0x94: {  	v13 =	vsub.f32 v13, v10;
	v12 =	vsub.s32 $0x0, v14;
	vm4 =	vlt.f32 v20, $1.000000000e+00  }
0x95: {  	v19 =	vld [tilespmem:s29+$0x30];
	v11 =	vsel vm3, $0x3F800000, v0;
	v20 =	vadd.f32 $-5.000000000e-01, v20;
	v10 =	vsub.f32 v22, v18  }
0x96: {  	v17 =	vld [tilespmem:s31+$0x30];
	v15 =	vmul.f32 v23, v15;
	v14 =	vmin.u32 v14, v12;
	v4 =	vadd.f32 v11, v4  }
0x97: {  	v21 =	vld [tilespmem:s30+$0xFFFFFFE0];
	v22 =	vand.u32 $0x7FFFFFFF, v13;
	v59 =	vand.u32 $0x7FFFFFFF, v25;
	v61 =	vmul.f32 $5.000000000e-01, v13  }
0x98: {  	v18 =	vld [tilespmem:s30+$0x30];
	v27 =	vsub.s32 $0x0, v16;
	v60 =	vand.u32 $0x7FFFFFFF, v10;
	v12 =	vmul.f32 $5.000000000e-01, v10  }
0x99: {  	v23 =	vld [tilespmem:s29+$0xFFFFFFE0];
	vm5 =	vlt.f32 v22, $1.000000000e+00;
	v62 =	vsel vm4, v15, v20;
	vm4 =	veq.s32 v14, $0x1  }
0x9a: {  	vm8 =	vlt.f32 v59, $1.000000000e+00;
	v15 =	vmul.f32 v26, v24;
	v27 =	vmin.u32 v16, v27  }
0x9b: {  	v11 =	vmul.f32 v61, v13;
	v14 =	vsel vm4, $0x3F800000, v0;
	v16 =	vand.u32 $0x7FFFFFFF, v24  }
0x9c: {  	v13 =	vadd.f32 $-5.000000000e-01, v22;
	v22 =	vmul.f32 $5.000000000e-01, v25;
	vm6 =	vlt.f32 v60, $1.000000000e+00  }
0x9d: {  	v4 =	vadd.f32 v14, v4;
	vm7 =	veq.s32 v27, $0x1;
	v63 =	vsub.f32 v19, v18  }
0x9e: {  	v19 =	vsub.f32 v23, v21;
	v18 =	vsub.s32 $0x0, v17;
	v21 =	vadd.f32 $-5.000000000e-01, v59  }
0x9f: {  	v25 =	vmul.f32 v22, v25;
	v22 =	vadd.f32 $-5.000000000e-01, v16;
	v18 =	vmin.u32 v17, v18  }
0xa0: {  	v17 =	vsel vm7, $0x3F800000, v0;
	v14 =	vand.u32 $0x7FFFFFFF, v19;
	v26 =	vmul.f32 $5.000000000e-01, v19  }
0xa1: {  	v23 =	vmul.f32 $5.000000000e-01, v63;
	v20 =	vand.u32 $0x7FFFFFFF, v63;
	vm10 =	vlt.f32 v14, $1.000000000e+00  }
0xa2: {  	s9 =	simm.s32 $0x7AD0;
	v24 =	vadd.f32 $-5.000000000e-01, v14;
	v14 =	vadd.f32 $-5.000000000e-01, v60;
	v26 =	vmul.f32 v26, v19  }
0xa3: {  	s11 =	simm.s32 $0xA380;
	s8 =	simm.s32 $0x0;
	s10 =	simm.s32 $0xCC30;
	vm9 =	vlt.f32 v20, $1.000000000e+00;
	v19 =	vnsel vm1, $0x0, v62;
	v23 =	vmul.f32 v23, v63  }
.LBB2_3:
0xa4: {  	v27 =	vld [tilespmem:s9+$0xFFFFFFC0];
	s8 =	sadd.s32 $0x80, s8;
	v24 =	vsel vm10, v26, v24;
	v21 =	vsel vm8, v25, v21;
	v10 =	vmul.f32 v12, v10  }
0xa5: {  	vm8 =	vlt.f32 v16, $1.000000000e+00;
	v20 =	vadd.f32 $-5.000000000e-01, v20;
	v12 =	vld [tilespmem:s10+$0x0];
	p0 =	slt.u32 s8, $0x2800;
	v16 =	vnsel vm2, $0x0, v24  }
0xa6: {  	vm2 =	veq.s32 v18, $0x1;
	v24 =	vld [tilespmem:s11+$0xFFFFFFC0];
	v3 =	vadd.f32 v16, v3;
	v16 =	vnsel vm7, $0x0, v21  }
0xa7: {  	v11 =	vsel vm5, v11, v13;
	v15 =	vsel vm8, v15, v22;
	v13 =	vsel vm9, v23, v20;
	v18 =	vld [tilespmem:s11+$0x0]  }
0xa8: {  	v2 =	vadd.f32 v17, v2;
	v5 =	vadd.f32 v16, v5;
	v16 =	vsel vm2, $0x3F800000, v0;
	v20 =	vld [tilespmem:s9+$0x0]  }
0xa9: {  	v11 =	vnsel vm3, $0x0, v11;
	v15 =	vnsel vm0, $0x0, v15;
	v3 =	vadd.f32 v19, v3;
	v17 =	vld [tilespmem:s11+$0xFFFFFFE0]  }
0xaa: {  	v1 =	vadd.f32 v11, v1;
	v10 =	vsel vm6, v10, v14;
	v11 =	vnsel vm2, $0x0, v13;
	v19 =	vld [tilespmem:s10+$0xFFFFFFF0]  }
0xab: {  	v10 =	vnsel vm4, $0x0, v10;
	v2 =	vadd.f32 v16, v2;
	v13 =	vsub.s32 $0x0, v24;
	v14 =	vld [tilespmem:s10+$0xFFFFFFD0]  }
0xac: {  	v22 =	vsel vm1, $0x3F800000, v0;
	v13 =	vmin.u32 v24, v13;
	v16 =	vsub.s32 $0x0, v18;
	v21 =	vld [tilespmem:s11+$0x20]  }
0xad: {  	v1 =	vadd.f32 v10, v1;
	vm0 =	veq.s32 v13, $0x1;
	v12 =	vsub.f32 v20, v12;
	v13 =	vld [tilespmem:s10+$0x20]  }
0xae: {  	v5 =	vadd.f32 v11, v5;
	v10 =	vsel vm0, $0x3F800000, v0;
	v20 =	vld [tilespmem:s11+$0xFFFFFFD0];
	v23 =	vsub.s32 $0x0, v17  }
0xaf: {  	v7 =	vadd.f32 v22, v7;
	v11 =	vand.u32 $0x7FFFFFFF, v12;
	v24 =	vmul.f32 $5.000000000e-01, v12;
	v25 =	vld [tilespmem:s10+$0x10]  }
0xb0: {  	v6 =	vadd.f32 v15, v6;
	v17 =	vmin.u32 v17, v23;
	v22 =	vadd.f32 $-5.000000000e-01, v11;
	v23 =	vld [tilespmem:s9+$0x20]  }
0xb1: {  	v8 =	vadd.f32 v10, v8;
	vm2 =	veq.s32 v17, $0x1;
	v15 =	vld [tilespmem:s10+$0xFFFFFFC0];
	v10 =	vmul.f32 v24, v12  }
0xb2: {  	vm1 =	vlt.f32 v11, $1.000000000e+00;
	v11 =	vmin.u32 v18, v16;
	v12 =	vsel vm2, $0x3F800000, v0;
	v17 =	vld [tilespmem:s9+$0xFFFFFFF0]  }
0xb3: {  	v7 =	vadd.f32 v12, v7;
	v12 =	vsub.s32 $0x0, v21;
	v16 =	vld [tilespmem:s9+$0xFFFFFFD0];
	v10 =	vsel vm1, v10, v22  }
0xb4: {  	v6 =	vadd.f32 v9, v6;
	vm1 =	veq.s32 v11, $0x1;
	v12 =	vmin.u32 v21, v12;
	v11 =	vld [tilespmem:s11+$0x10]  }
0xb5: {  	v18 =	vsub.s32 $0x0, v20;
	v21 =	vsel vm1, $0x3F800000, v0;
	v13 =	vsub.f32 v23, v13;
	v22 =	vld [tilespmem:s9+$0x30]  }
0xb6: {  	v9 =	vnsel vm1, $0x0, v10;
	vm1 =	veq.s32 v12, $0x1;
	v8 =	vadd.f32 v21, v8;
	v10 =	vld [tilespmem:s9+$0x10]  }
0xb7: {  	v12 =	vmin.u32 v20, v18;
	v18 =	vld [tilespmem:s11+$0xFFFFFFF0];
	v20 =	vand.u32 $0x7FFFFFFF, v13;
	v21 =	vmul.f32 $5.000000000e-01, v13  }
0xb8: {  	v15 =	vsub.f32 v27, v15;
	v19 =	vsub.f32 v17, v19  }
0xb9: {  	v14 =	vsub.f32 v16, v14;
	v16 =	vsub.s32 $0x0, v11;
	v17 =	vld [tilespmem:s11+$0x30]  }
0xba: {  	vm3 =	veq.s32 v12, $0x1;
	v23 =	vmul.f32 $5.000000000e-01, v15;
	vm4 =	vlt.f32 v20, $1.000000000e+00;
	v24 =	vld [tilespmem:s10+$0xFFFFFFE0]  }
0xbb: {  	v12 =	vsel vm3, $0x3F800000, v0;
	v13 =	vmul.f32 v21, v13;
	v10 =	vsub.f32 v10, v25;
	v21 =	vld [tilespmem:s10+$0x30]  }
0xbc: {  	v20 =	vadd.f32 $-5.000000000e-01, v20;
	v25 =	vand.u32 $0x7FFFFFFF, v14;
	v26 =	vld [tilespmem:s9+$0xFFFFFFE0];
	v27 =	vsub.s32 $0x0, v18  }
0xbd: {  	v28 =	vand.u32 $0x7FFFFFFF, v19;
	v16 =	vmin.u32 v11, v16;
	v29 =	vand.u32 $0x7FFFFFFF, v10  }
0xbe: {  	v4 =	vadd.f32 v12, v4;
	v11 =	vmul.f32 $5.000000000e-01, v14;
	v12 =	vmul.f32 $5.000000000e-01, v10  }
0xbf: {  	v30 =	vsel vm4, v13, v20;
	vm5 =	vlt.f32 v25, $1.000000000e+00;
	v27 =	vmin.u32 v18, v27  }
0xc0: {  	vm4 =	veq.s32 v16, $0x1;
	v11 =	vmul.f32 v11, v14;
	v31 =	vsub.f32 v22, v21  }
0xc1: {  	v14 =	vsel vm4, $0x3F800000, v0;
	v18 =	vsub.s32 $0x0, v17;
	v26 =	vsub.f32 v26, v24  }
0xc2: {  	vm8 =	vlt.f32 v28, $1.000000000e+00;
	v16 =	vand.u32 $0x7FFFFFFF, v15;
	v32 =	vmul.f32 $5.000000000e-01, v31  }
0xc3: {  	v13 =	vadd.f32 $-5.000000000e-01, v25;
	v22 =	vmul.f32 $5.000000000e-01, v19;
	v21 =	vadd.f32 $-5.000000000e-01, v28  }
0xc4: {  	v15 =	vmul.f32 v23, v15;
	v4 =	vadd.f32 v14, v4;
	v18 =	vmin.u32 v17, v18  }
.Ltmp1:
0xc5: {  	vm7 =	veq.s32 v27, $0x1;
	v20 =	vand.u32 $0x7FFFFFFF, v31;
	v14 =	vand.u32 $0x7FFFFFFF, v26;
	(pc) =	sbr.rel @p0 .LBB2_3-.Ltmp1, $4  }
0xc6: {  	v17 =	vsel vm7, $0x3F800000, v0;
	v23 =	vmul.f32 $5.000000000e-01, v26;
	vm10 =	vlt.f32 v14, $1.000000000e+00  }
0xc7: {  	v25 =	vmul.f32 v22, v19;
	v24 =	vadd.f32 $-5.000000000e-01, v14;
	v14 =	vadd.f32 $-5.000000000e-01, v29  }
0xc8: {  	vm6 =	vlt.f32 v29, $1.000000000e+00;
	v22 =	vadd.f32 $-5.000000000e-01, v16;
	v26 =	vmul.f32 v23, v26  }
0xc9: {  	s11 =	sadd.s32 $0x80, s11;
	s10 =	sadd.s32 $0x80, s10;
	s9 =	sadd.s32 $0x80, s9;
	v19 =	vnsel vm1, $0x0, v30;
	vm9 =	vlt.f32 v20, $1.000000000e+00;
	v23 =	vmul.f32 v32, v31  }
0xca: {  	v27 =	vld [tilespmem:$0xA290]  }
0xcb: {  	v28 =	vld [tilespmem:$0xF3F0]  }
0xcc: {  	v29 =	vld [tilespmem:$0xCB40]  }
0xcd: {  	v30 =	vld [tilespmem:$0xA2A0]  }
0xce: {  	v31 =	vld [tilespmem:$0xF400]  }
0xcf: {  	v32 =	vld [tilespmem:$0xCB50]  }
0xd0: {  	v33 =	vld [tilespmem:$0xA2B0];
	s8 =	sadd.s32 $0xF42, s7  }
0xd1: {  	v34 =	vld [tilespmem:$0xF410];
	s10 =	simm.s32 $0x0;
	s11 =	simm.s32 $0x7A10;
	v24 =	vsel vm10, v26, v24;
	v21 =	vsel vm8, v25, v21;
	s9 =	sadd.s32 s6, s8  }
0xd2: {  	v35 =	vld [tilespmem:$0xCB60];
	v10 =	vmul.f32 v12, v10;
	vm8 =	vlt.f32 v16, $1.000000000e+00;
	v11 =	vsel vm5, v11, v13;
	[tilespmem:s11], [sflag:$0x2] =	stream.linear.gather [hbm4b:s9+s10], $0x28B0, $0x38  }
0xd3: {  	s25 =	simm.s32 $0xA2C0;
	v2 =	vadd.f32 v17, v2;
	v12 =	vnsel vm2, $0x0, v24;
	s24 =	sadd.s32 s5, s8;
	vm2 =	veq.s32 v18, $0x1  }
0xd4: {  	v16 =	vnsel vm7, $0x0, v21;
	v15 =	vsel vm8, v15, v22;
	v3 =	vadd.f32 v12, v3;
	[tilespmem:s25], [sflag:$0x2] =	stream.linear.gather [hbm4b:s24+s10], $0x28B0, $0x38;
	[tilespmem:$0xF670] =	vst v63  }
0xd5: {  	s26 =	simm.s32 $0xCB70;
	s28 =	simm.s32 $0x1;
	s8 =	sadd.s32 s4, s8;
	v11 =	vnsel vm3, $0x0, v11;
	v12 =	vadd.f32 $-5.000000000e-01, v20;
	v5 =	vadd.f32 v16, v5  }
0xd6: {  	v13 =	vsel vm2, $0x3F800000, v0;
	v15 =	vnsel vm0, $0x0, v15;
	v10 =	vsel vm6, v10, v14;
	[tilespmem:s26], [sflag:$0x2] =	stream.linear.gather [hbm4b:s8+s10], $0x28B0, $0x38;
	[tilespmem:$0xF670] =	vst v63  }
0xd7: {  	v1 =	vadd.f32 v11, v1;
	v10 =	vnsel vm4, $0x0, v10;
	v14 =	vsub.f32 v27, v28;
	_ =	swait.ge [sflag:s28], $0x28B0  }
0xd8: {  	v2 =	vadd.f32 v13, v2;
	v6 =	vadd.f32 v15, v6;
	v12 =	vsel vm9, v23, v12;
	[sflag:s28] =	ssyncset.done $0x0  }
0xd9: {  	v11 =	vnsel vm2, $0x0, v12;
	v12 =	vsel vm1, $0x3F800000, v0;
	v0 =	vmul.f32 $5.000000000e-01, v14;
	[sflag:s28] =	ssyncadd.s32 $0xFFFFD750  }
0xda: {  	v3 =	vadd.f32 v19, v3;
	v1 =	vadd.f32 v10, v1;
	v10 =	vand.u32 $0x7FFFFFFF, v14;
	_ =	swait.ge [sflag:s28], $0x28B0  }
0xdb: {  	v5 =	vadd.f32 v11, v5;
	v11 =	vadd.f32 $-5.000000000e-01, v10;
	v0 =	vmul.f32 v0, v14;
	[sflag:s28] =	ssyncset.done $0x0  }
0xdc: {  	v13 =	vsub.f32 v30, v31;
	vm0 =	vlt.f32 v10, $1.000000000e+00;
	v10 =	vsub.s32 $0x0, v29;
	[sflag:s28] =	ssyncadd.s32 $0xFFFFD750  }
0xdd: {  	v6 =	vadd.f32 v9, v6;
	v9 =	vsel vm0, v0, v11;
	v0 =	vmin.u32 v29, v10;
	_ =	swait.ge [sflag:s28], $0x28B0  }
0xde: {  	v15 =	vsub.f32 v33, v34;
	v7 =	vadd.f32 v12, v7;
	vm0 =	veq.s32 v0, $0x1;
	[sflag:s28] =	ssyncset.done $0x0  }
0xdf: {  	s29 =	simm.s32 $0x40;
	v14 =	vsub.s32 $0x0, v32;
	v10 =	vmul.f32 $5.000000000e-01, v13;
	v9 =	vnsel vm0, $0x0, v9;
	[sflag:s28] =	ssyncadd.s32 $0xFFFFD750  }
0xe0: {  	s30 =	simm.s32 $0x51A0;
	v0 =	vimm.f32 $0.0e+00;
	v6 =	vadd.f32 v9, v6;
	v9 =	vand.u32 $0x7FFFFFFF, v13;
	v12 =	vld [tilespmem:s29+$0xFFFFFFC0]  }
0xe1: {  	s31 =	simm.s32 $0x28F0;
	v11 =	vsel vm0, $0x3F800000, v0;
	v10 =	vmul.f32 v10, v13;
	v13 =	vadd.f32 $-5.000000000e-01, v9;
	v16 =	vld [tilespmem:s30+$0x0]  }
0xe2: {  	v8 =	vadd.f32 v11, v8;
	vm0 =	vlt.f32 v9, $1.000000000e+00;
	v9 =	vmin.u32 v32, v14;
	v11 =	vld [tilespmem:s31+$0xFFFFFFC0]  }
0xe3: {  	v24 =	vld [tilespmem:s30+$0xFFFFFFC0];
	v10 =	vsel vm0, v10, v13;
	vm0 =	veq.s32 v9, $0x1;
	v9 =	vmul.f32 $5.000000000e-01, v15  }
0xe4: {  	v19 =	vsub.s32 $0x0, v35;
	v17 =	vand.u32 $0x7FFFFFFF, v15;
	v18 =	vld [tilespmem:s29+$0x0];
	v10 =	vnsel vm0, $0x0, v10  }
0xe5: {  	v13 =	vld [tilespmem:s31+$0x0];
	v14 =	vsel vm0, $0x3F800000, v0;
	v9 =	vmul.f32 v9, v15;
	v15 =	vadd.f32 $-5.000000000e-01, v17  }
0xe6: {  	v20 =	vld [tilespmem:s31+$0xFFFFFFE0];
	vm0 =	vlt.f32 v17, $1.000000000e+00;
	v6 =	vadd.f32 v10, v6;
	v10 =	vmin.u32 v35, v19  }
0xe7: {  	v8 =	vadd.f32 v14, v8;
	v9 =	vsel vm0, v9, v15;
	vm0 =	veq.s32 v10, $0x1  }
0xe8: {  	v22 =	vld [tilespmem:s29+$0x20];
	v15 =	vsub.s32 $0x0, v11;
	v24 =	vsub.f32 v12, v24;
	v9 =	vnsel vm0, $0x0, v9  }
0xe9: {  	v17 =	vld [tilespmem:s30+$0xFFFFFFF0];
	v14 =	vsel vm0, $0x3F800000, v0;
	v6 =	vadd.f32 v9, v6;
	v9 =	vmin.u32 v11, v15  }
0xea: {  	v19 =	vld [tilespmem:s31+$0x20];
	v11 =	vsub.f32 v18, v16;
	v8 =	vadd.f32 v14, v8;
	v14 =	vsub.s32 $0x0, v13  }
0xeb: {  	v15 =	vld [tilespmem:s30+$0x20];
	vm0 =	veq.s32 v9, $0x1;
	v9 =	vsub.s32 $0x0, v20;
	v13 =	vmin.u32 v13, v14  }
0xec: {  	v16 =	vld [tilespmem:s31+$0xFFFFFFD0];
	v18 =	vand.u32 $0x7FFFFFFF, v11;
	v21 =	vmul.f32 $5.000000000e-01, v11;
	v9 =	vmin.u32 v20, v9  }
0xed: {  	v10 =	vld [tilespmem:s30+$0xFFFFFFD0];
	v23 =	vsel vm0, $0x3F800000, v0;
	v20 =	vadd.f32 $-5.000000000e-01, v18;
	vm2 =	veq.s32 v9, $0x1  }
0xee: {  	v14 =	vld [tilespmem:s29+$0xFFFFFFD0];
	v8 =	vadd.f32 v23, v8;
	v9 =	vmul.f32 v21, v11;
	v21 =	vsel vm2, $0x3F800000, v0  }
0xef: {  	vm1 =	vlt.f32 v18, $1.000000000e+00;
	v18 =	vsub.s32 $0x0, v19;
	v11 =	vld [tilespmem:s29+$0xFFFFFFF0];
	v7 =	vadd.f32 v21, v7  }
0xf0: {  	v21 =	vld [tilespmem:s30+$0x10];
	v15 =	vsub.f32 v22, v15;
	v9 =	vsel vm1, v9, v20;
	vm1 =	veq.s32 v13, $0x1  }
0xf1: {  	v22 =	vld [tilespmem:s29+$0x10];
	v13 =	vmin.u32 v19, v18;
	v18 =	vsub.s32 $0x0, v16;
	v19 =	vsel vm1, $0x3F800000, v0  }
0xf2: {  	v20 =	vld [tilespmem:s31+$0x10];
	v9 =	vnsel vm1, $0x0, v9;
	vm1 =	veq.s32 v13, $0x1;
	v13 =	vmin.u32 v16, v18  }
0xf3: {  	v23 =	vmul.f32 $5.000000000e-01, v15;
	v8 =	vadd.f32 v19, v8;
	v19 =	vand.u32 $0x7FFFFFFF, v15  }
0xf4: {  	v16 =	vld [tilespmem:s31+$0xFFFFFFF0];
	vm3 =	veq.s32 v13, $0x1;
	v25 =	vsub.f32 v11, v17;
	v11 =	vsub.f32 v14, v10  }
0xf5: {  	v17 =	vmul.f32 $5.000000000e-01, v24;
	vm4 =	vlt.f32 v19, $1.000000000e+00;
	v26 =	vsel vm3, $0x3F800000, v0  }
0xf6: {  	v13 =	vld [tilespmem:s30+$0xFFFFFFE0];
	v15 =	vmul.f32 v23, v15;
	v19 =	vadd.f32 $-5.000000000e-01, v19;
	v10 =	vsub.f32 v22, v21  }
0xf7: {  	v14 =	vld [tilespmem:s31+$0x30];
	v4 =	vadd.f32 v26, v4;
	v12 =	vsub.s32 $0x0, v20;
	v22 =	vand.u32 $0x7FFFFFFF, v11  }
0xf8: {  	v23 =	vld [tilespmem:s29+$0xFFFFFFE0];
	v60 =	vand.u32 $0x7FFFFFFF, v25;
	v62 =	vmul.f32 $5.000000000e-01, v11;
	v19 =	vsel vm4, v15, v19  }
0xf9: {  	v18 =	vld [tilespmem:s29+$0x30];
	v15 =	vmul.f32 v17, v24;
	v27 =	vsub.s32 $0x0, v16;
	v61 =	vand.u32 $0x7FFFFFFF, v10  }
0xfa: {  	v21 =	vld [tilespmem:s30+$0x30];
	v20 =	vmin.u32 v20, v12;
	v12 =	vmul.f32 $5.000000000e-01, v10;
	vm5 =	vlt.f32 v22, $1.000000000e+00  }
0xfb: {  	vm8 =	vlt.f32 v60, $1.000000000e+00;
	v19 =	vnsel vm1, $0x0, v19;
	v26 =	vmin.u32 v16, v27  }
0xfc: {  	v11 =	vmul.f32 v62, v11;
	vm4 =	veq.s32 v20, $0x1;
	v16 =	vand.u32 $0x7FFFFFFF, v24  }
0xfd: {  	vm6 =	vlt.f32 v61, $1.000000000e+00;
	v23 =	vsub.f32 v23, v13;
	v20 =	vsub.s32 $0x0, v14  }
0xfe: {  	v13 =	vadd.f32 $-5.000000000e-01, v22;
	v22 =	vmul.f32 $5.000000000e-01, v25;
	vm7 =	veq.s32 v26, $0x1  }
0xff: {  	v27 =	vsub.f32 v18, v21;
	v18 =	vsel vm4, $0x3F800000, v0;
	v21 =	vadd.f32 $-5.000000000e-01, v60  }
0x100: {  	v17 =	vsel vm7, $0x3F800000, v0;
	v4 =	vadd.f32 v18, v4;
	v18 =	vmin.u32 v14, v20  }
0x101: {  	v14 =	vand.u32 $0x7FFFFFFF, v23;
	v26 =	vmul.f32 $5.000000000e-01, v23;
	v25 =	vmul.f32 v22, v25  }
0x102: {  	v22 =	vadd.f32 $-5.000000000e-01, v16;
	v63 =	vmul.f32 $5.000000000e-01, v27;
	v20 =	vand.u32 $0x7FFFFFFF, v27  }
0x103: {  	s9 =	simm.s32 $0xC0;
	vm10 =	vlt.f32 v14, $1.000000000e+00;
	v24 =	vadd.f32 $-5.000000000e-01, v14;
	v26 =	vmul.f32 v26, v23  }
0x104: {  	s11 =	simm.s32 $0x2970;
	s8 =	simm.s32 $0x0;
	s10 =	simm.s32 $0x5220;
	v14 =	vadd.f32 $-5.000000000e-01, v61;
	vm9 =	vlt.f32 v20, $1.000000000e+00;
	v23 =	vmul.f32 v63, v27  }
.LBB2_5:
0x105: {  	v27 =	vld [tilespmem:s9+$0xFFFFFFC0];
	s8 =	sadd.s32 $0x80, s8;
	v24 =	vsel vm10, v26, v24;
	v21 =	vsel vm8, v25, v21;
	v10 =	vmul.f32 v12, v10  }
0x106: {  	vm8 =	vlt.f32 v16, $1.000000000e+00;
	v20 =	vadd.f32 $-5.000000000e-01, v20;
	v12 =	vld [tilespmem:s10+$0x0];
	p0 =	slt.u32 s8, $0x2800;
	v16 =	vnsel vm2, $0x0, v24  }
0x107: {  	vm2 =	veq.s32 v18, $0x1;
	v24 =	vld [tilespmem:s11+$0xFFFFFFC0];
	v3 =	vadd.f32 v16, v3;
	v16 =	vnsel vm7, $0x0, v21  }
0x108: {  	v11 =	vsel vm5, v11, v13;
	v15 =	vsel vm8, v15, v22;
	v13 =	vsel vm9, v23, v20;
	v18 =	vld [tilespmem:s11+$0x0]  }
0x109: {  	v2 =	vadd.f32 v17, v2;
	v5 =	vadd.f32 v16, v5;
	v16 =	vsel vm2, $0x3F800000, v0;
	v20 =	vld [tilespmem:s9+$0x0]  }
0x10a: {  	v11 =	vnsel vm3, $0x0, v11;
	v15 =	vnsel vm0, $0x0, v15;
	v3 =	vadd.f32 v19, v3;
	v17 =	vld [tilespmem:s11+$0xFFFFFFE0]  }
0x10b: {  	v1 =	vadd.f32 v11, v1;
	v10 =	vsel vm6, v10, v14;
	v11 =	vnsel vm2, $0x0, v13;
	v19 =	vld [tilespmem:s10+$0xFFFFFFF0]  }
0x10c: {  	v10 =	vnsel vm4, $0x0, v10;
	v2 =	vadd.f32 v16, v2;
	v13 =	vsub.s32 $0x0, v24;
	v14 =	vld [tilespmem:s10+$0xFFFFFFD0]  }
0x10d: {  	v22 =	vsel vm1, $0x3F800000, v0;
	v13 =	vmin.u32 v24, v13;
	v16 =	vsub.s32 $0x0, v18;
	v21 =	vld [tilespmem:s11+$0x20]  }
0x10e: {  	v1 =	vadd.f32 v10, v1;
	vm0 =	veq.s32 v13, $0x1;
	v12 =	vsub.f32 v20, v12;
	v13 =	vld [tilespmem:s10+$0x20]  }
0x10f: {  	v5 =	vadd.f32 v11, v5;
	v10 =	vsel vm0, $0x3F800000, v0;
	v20 =	vld [tilespmem:s11+$0xFFFFFFD0];
	v23 =	vsub.s32 $0x0, v17  }
0x110: {  	v7 =	vadd.f32 v22, v7;
	v11 =	vand.u32 $0x7FFFFFFF, v12;
	v24 =	vmul.f32 $5.000000000e-01, v12;
	v25 =	vld [tilespmem:s10+$0x10]  }
0x111: {  	v6 =	vadd.f32 v15, v6;
	v17 =	vmin.u32 v17, v23;
	v22 =	vadd.f32 $-5.000000000e-01, v11;
	v23 =	vld [tilespmem:s9+$0x20]  }
0x112: {  	v8 =	vadd.f32 v10, v8;
	vm2 =	veq.s32 v17, $0x1;
	v15 =	vld [tilespmem:s10+$0xFFFFFFC0];
	v10 =	vmul.f32 v24, v12  }
0x113: {  	vm1 =	vlt.f32 v11, $1.000000000e+00;
	v11 =	vmin.u32 v18, v16;
	v12 =	vsel vm2, $0x3F800000, v0;
	v17 =	vld [tilespmem:s9+$0xFFFFFFF0]  }
0x114: {  	v7 =	vadd.f32 v12, v7;
	v12 =	vsub.s32 $0x0, v21;
	v16 =	vld [tilespmem:s9+$0xFFFFFFD0];
	v10 =	vsel vm1, v10, v22  }
0x115: {  	v6 =	vadd.f32 v9, v6;
	vm1 =	veq.s32 v11, $0x1;
	v12 =	vmin.u32 v21, v12;
	v11 =	vld [tilespmem:s11+$0x10]  }
0x116: {  	v18 =	vsub.s32 $0x0, v20;
	v21 =	vsel vm1, $0x3F800000, v0;
	v13 =	vsub.f32 v23, v13;
	v22 =	vld [tilespmem:s9+$0x30]  }
0x117: {  	v9 =	vnsel vm1, $0x0, v10;
	vm1 =	veq.s32 v12, $0x1;
	v8 =	vadd.f32 v21, v8;
	v10 =	vld [tilespmem:s9+$0x10]  }
0x118: {  	v12 =	vmin.u32 v20, v18;
	v18 =	vld [tilespmem:s11+$0xFFFFFFF0];
	v20 =	vand.u32 $0x7FFFFFFF, v13;
	v21 =	vmul.f32 $5.000000000e-01, v13  }
0x119: {  	v15 =	vsub.f32 v27, v15;
	v19 =	vsub.f32 v17, v19  }
0x11a: {  	v14 =	vsub.f32 v16, v14;
	v16 =	vsub.s32 $0x0, v11;
	v17 =	vld [tilespmem:s11+$0x30]  }
0x11b: {  	vm3 =	veq.s32 v12, $0x1;
	v23 =	vmul.f32 $5.000000000e-01, v15;
	vm4 =	vlt.f32 v20, $1.000000000e+00;
	v24 =	vld [tilespmem:s10+$0xFFFFFFE0]  }
0x11c: {  	v12 =	vsel vm3, $0x3F800000, v0;
	v13 =	vmul.f32 v21, v13;
	v10 =	vsub.f32 v10, v25;
	v21 =	vld [tilespmem:s10+$0x30]  }
0x11d: {  	v20 =	vadd.f32 $-5.000000000e-01, v20;
	v25 =	vand.u32 $0x7FFFFFFF, v14;
	v26 =	vld [tilespmem:s9+$0xFFFFFFE0];
	v27 =	vsub.s32 $0x0, v18  }
0x11e: {  	v28 =	vand.u32 $0x7FFFFFFF, v19;
	v16 =	vmin.u32 v11, v16;
	v29 =	vand.u32 $0x7FFFFFFF, v10  }
0x11f: {  	v4 =	vadd.f32 v12, v4;
	v11 =	vmul.f32 $5.000000000e-01, v14;
	v12 =	vmul.f32 $5.000000000e-01, v10  }
0x120: {  	v30 =	vsel vm4, v13, v20;
	vm5 =	vlt.f32 v25, $1.000000000e+00;
	v27 =	vmin.u32 v18, v27  }
0x121: {  	vm4 =	veq.s32 v16, $0x1;
	v11 =	vmul.f32 v11, v14;
	v31 =	vsub.f32 v22, v21  }
0x122: {  	v14 =	vsel vm4, $0x3F800000, v0;
	v18 =	vsub.s32 $0x0, v17;
	v26 =	vsub.f32 v26, v24  }
0x123: {  	vm8 =	vlt.f32 v28, $1.000000000e+00;
	v16 =	vand.u32 $0x7FFFFFFF, v15;
	v32 =	vmul.f32 $5.000000000e-01, v31  }
0x124: {  	v13 =	vadd.f32 $-5.000000000e-01, v25;
	v22 =	vmul.f32 $5.000000000e-01, v19;
	v21 =	vadd.f32 $-5.000000000e-01, v28  }
0x125: {  	v15 =	vmul.f32 v23, v15;
	v4 =	vadd.f32 v14, v4;
	v18 =	vmin.u32 v17, v18  }
.Ltmp2:
0x126: {  	vm7 =	veq.s32 v27, $0x1;
	v20 =	vand.u32 $0x7FFFFFFF, v31;
	v14 =	vand.u32 $0x7FFFFFFF, v26;
	(pc) =	sbr.rel @p0 .LBB2_5-.Ltmp2, $4  }
0x127: {  	v17 =	vsel vm7, $0x3F800000, v0;
	v23 =	vmul.f32 $5.000000000e-01, v26;
	vm10 =	vlt.f32 v14, $1.000000000e+00  }
0x128: {  	v25 =	vmul.f32 v22, v19;
	v24 =	vadd.f32 $-5.000000000e-01, v14;
	v14 =	vadd.f32 $-5.000000000e-01, v29  }
0x129: {  	vm6 =	vlt.f32 v29, $1.000000000e+00;
	v22 =	vadd.f32 $-5.000000000e-01, v16;
	v26 =	vmul.f32 v23, v26  }
0x12a: {  	s11 =	sadd.s32 $0x80, s11;
	s10 =	sadd.s32 $0x80, s10;
	s9 =	sadd.s32 $0x80, s9;
	v19 =	vnsel vm1, $0x0, v30;
	vm9 =	vlt.f32 v20, $1.000000000e+00;
	v23 =	vmul.f32 v32, v31  }
0x12b: {  	v27 =	vld [tilespmem:$0x2880]  }
0x12c: {  	v28 =	vld [tilespmem:$0x79E0]  }
0x12d: {  	v29 =	vld [tilespmem:$0x5130]  }
0x12e: {  	v30 =	vld [tilespmem:$0x2890]  }
0x12f: {  	v31 =	vld [tilespmem:$0x79F0]  }
0x130: {  	v32 =	vld [tilespmem:$0x5140]  }
0x131: {  	v33 =	vld [tilespmem:$0x28A0];
	s8 =	sadd.s32 $0x1458, s7  }
0x132: {  	v34 =	vld [tilespmem:$0x7A00];
	s10 =	simm.s32 $0x0;
	v24 =	vsel vm10, v26, v24;
	v21 =	vsel vm8, v25, v21;
	s9 =	sadd.s32 s6, s8  }
0x133: {  	v35 =	vld [tilespmem:$0x5150];
	v10 =	vmul.f32 v12, v10;
	vm8 =	vlt.f32 v16, $1.000000000e+00;
	v11 =	vsel vm5, v11, v13;
	[tilespmem:s10], [sflag:$0x1] =	stream.linear.gather [hbm4b:s9+s10], $0x28B0, $0x38  }
0x134: {  	s11 =	simm.s32 $0x28B0;
	v2 =	vadd.f32 v17, v2;
	v12 =	vnsel vm2, $0x0, v24;
	s25 =	sadd.s32 s5, s8;
	vm2 =	veq.s32 v18, $0x1  }
0x135: {  	v16 =	vnsel vm7, $0x0, v21;
	v15 =	vsel vm8, v15, v22;
	v3 =	vadd.f32 v12, v3;
	[tilespmem:s11], [sflag:$0x1] =	stream.linear.gather [hbm4b:s25+s10], $0x28B0, $0x38;
	[tilespmem:$0xF670] =	vst v63  }
0x136: {  	s26 =	simm.s32 $0x5160;
	s28 =	simm.s32 $0x2;
	s8 =	sadd.s32 s4, s8;
	v11 =	vnsel vm3, $0x0, v11;
	v12 =	vadd.f32 $-5.000000000e-01, v20;
	v5 =	vadd.f32 v16, v5  }
0x137: {  	v13 =	vsel vm2, $0x3F800000, v0;
	v15 =	vnsel vm0, $0x0, v15;
	v10 =	vsel vm6, v10, v14;
	[tilespmem:s26], [sflag:$0x1] =	stream.linear.gather [hbm4b:s8+s10], $0x28B0, $0x38;
	[tilespmem:$0xF670] =	vst v63  }
0x138: {  	v1 =	vadd.f32 v11, v1;
	v10 =	vnsel vm4, $0x0, v10;
	v14 =	vsub.f32 v27, v28;
	_ =	swait.ge [sflag:s28], $0x28B0  }
0x139: {  	v2 =	vadd.f32 v13, v2;
	v6 =	vadd.f32 v15, v6;
	v12 =	vsel vm9, v23, v12;
	[sflag:s28] =	ssyncset.done $0x0  }
0x13a: {  	v11 =	vnsel vm2, $0x0, v12;
	v12 =	vsel vm1, $0x3F800000, v0;
	v0 =	vmul.f32 $5.000000000e-01, v14;
	[sflag:s28] =	ssyncadd.s32 $0xFFFFD750  }
0x13b: {  	v3 =	vadd.f32 v19, v3;
	v1 =	vadd.f32 v10, v1;
	v10 =	vand.u32 $0x7FFFFFFF, v14;
	_ =	swait.ge [sflag:s28], $0x28B0  }
0x13c: {  	v5 =	vadd.f32 v11, v5;
	v11 =	vadd.f32 $-5.000000000e-01, v10;
	v0 =	vmul.f32 v0, v14;
	[sflag:s28] =	ssyncset.done $0x0  }
0x13d: {  	v13 =	vsub.f32 v30, v31;
	vm0 =	vlt.f32 v10, $1.000000000e+00;
	v10 =	vsub.s32 $0x0, v29;
	[sflag:s28] =	ssyncadd.s32 $0xFFFFD750  }
0x13e: {  	v6 =	vadd.f32 v9, v6;
	v9 =	vsel vm0, v0, v11;
	v0 =	vmin.u32 v29, v10;
	_ =	swait.ge [sflag:s28], $0x28B0  }
0x13f: {  	v15 =	vsub.f32 v33, v34;
	v7 =	vadd.f32 v12, v7;
	vm0 =	veq.s32 v0, $0x1;
	[sflag:s28] =	ssyncset.done $0x0  }
0x140: {  	s29 =	simm.s32 $0x7A50;
	v14 =	vsub.s32 $0x0, v32;
	v10 =	vmul.f32 $5.000000000e-01, v13;
	v9 =	vnsel vm0, $0x0, v9;
	[sflag:s28] =	ssyncadd.s32 $0xFFFFD750  }
0x141: {  	s30 =	simm.s32 $0xCBB0;
	v0 =	vimm.f32 $0.0e+00;
	v6 =	vadd.f32 v9, v6;
	v9 =	vand.u32 $0x7FFFFFFF, v13;
	v12 =	vld [tilespmem:s29+$0xFFFFFFC0]  }
0x142: {  	s31 =	simm.s32 $0xA300;
	v11 =	vsel vm0, $0x3F800000, v0;
	v10 =	vmul.f32 v10, v13;
	v13 =	vadd.f32 $-5.000000000e-01, v9;
	v16 =	vld [tilespmem:s30+$0x0]  }
0x143: {  	v8 =	vadd.f32 v11, v8;
	vm0 =	vlt.f32 v9, $1.000000000e+00;
	v9 =	vmin.u32 v32, v14;
	v11 =	vld [tilespmem:s31+$0xFFFFFFC0]  }
0x144: {  	v24 =	vld [tilespmem:s30+$0xFFFFFFC0];
	v10 =	vsel vm0, v10, v13;
	vm0 =	veq.s32 v9, $0x1;
	v9 =	vmul.f32 $5.000000000e-01, v15  }
0x145: {  	v19 =	vsub.s32 $0x0, v35;
	v17 =	vand.u32 $0x7FFFFFFF, v15;
	v18 =	vld [tilespmem:s29+$0x0];
	v10 =	vnsel vm0, $0x0, v10  }
0x146: {  	v13 =	vld [tilespmem:s31+$0x0];
	v14 =	vsel vm0, $0x3F800000, v0;
	v9 =	vmul.f32 v9, v15;
	v15 =	vadd.f32 $-5.000000000e-01, v17  }
0x147: {  	v20 =	vld [tilespmem:s31+$0xFFFFFFE0];
	vm0 =	vlt.f32 v17, $1.000000000e+00;
	v6 =	vadd.f32 v10, v6;
	v10 =	vmin.u32 v35, v19  }
0x148: {  	v8 =	vadd.f32 v14, v8;
	v9 =	vsel vm0, v9, v15;
	vm0 =	veq.s32 v10, $0x1  }
0x149: {  	v22 =	vld [tilespmem:s29+$0x20];
	v15 =	vsub.s32 $0x0, v11;
	v24 =	vsub.f32 v12, v24;
	v9 =	vnsel vm0, $0x0, v9  }
0x14a: {  	v17 =	vld [tilespmem:s30+$0xFFFFFFF0];
	v14 =	vsel vm0, $0x3F800000, v0;
	v6 =	vadd.f32 v9, v6;
	v9 =	vmin.u32 v11, v15  }
0x14b: {  	v19 =	vld [tilespmem:s31+$0x20];
	v11 =	vsub.f32 v18, v16;
	v8 =	vadd.f32 v14, v8;
	v14 =	vsub.s32 $0x0, v13  }
0x14c: {  	v15 =	vld [tilespmem:s30+$0x20];
	vm0 =	veq.s32 v9, $0x1;
	v9 =	vsub.s32 $0x0, v20;
	v13 =	vmin.u32 v13, v14  }
0x14d: {  	v16 =	vld [tilespmem:s31+$0xFFFFFFD0];
	v18 =	vand.u32 $0x7FFFFFFF, v11;
	v21 =	vmul.f32 $5.000000000e-01, v11;
	v9 =	vmin.u32 v20, v9  }
0x14e: {  	v10 =	vld [tilespmem:s30+$0xFFFFFFD0];
	v23 =	vsel vm0, $0x3F800000, v0;
	v20 =	vadd.f32 $-5.000000000e-01, v18;
	vm2 =	veq.s32 v9, $0x1  }
0x14f: {  	v14 =	vld [tilespmem:s29+$0xFFFFFFD0];
	v8 =	vadd.f32 v23, v8;
	v9 =	vmul.f32 v21, v11;
	v21 =	vsel vm2, $0x3F800000, v0  }
0x150: {  	vm1 =	vlt.f32 v18, $1.000000000e+00;
	v18 =	vsub.s32 $0x0, v19;
	v11 =	vld [tilespmem:s29+$0xFFFFFFF0];
	v7 =	vadd.f32 v21, v7  }
0x151: {  	v21 =	vld [tilespmem:s30+$0x10];
	v15 =	vsub.f32 v22, v15;
	v9 =	vsel vm1, v9, v20;
	vm1 =	veq.s32 v13, $0x1  }
0x152: {  	v22 =	vld [tilespmem:s29+$0x10];
	v13 =	vmin.u32 v19, v18;
	v18 =	vsub.s32 $0x0, v16;
	v19 =	vsel vm1, $0x3F800000, v0  }
0x153: {  	v20 =	vld [tilespmem:s31+$0x10];
	v9 =	vnsel vm1, $0x0, v9;
	vm1 =	veq.s32 v13, $0x1;
	v13 =	vmin.u32 v16, v18  }
0x154: {  	v23 =	vmul.f32 $5.000000000e-01, v15;
	v8 =	vadd.f32 v19, v8;
	v19 =	vand.u32 $0x7FFFFFFF, v15  }
0x155: {  	v16 =	vld [tilespmem:s31+$0xFFFFFFF0];
	vm3 =	veq.s32 v13, $0x1;
	v25 =	vsub.f32 v11, v17;
	v11 =	vsub.f32 v14, v10  }
0x156: {  	v17 =	vmul.f32 $5.000000000e-01, v24;
	vm4 =	vlt.f32 v19, $1.000000000e+00;
	v26 =	vsel vm3, $0x3F800000, v0  }
0x157: {  	v13 =	vld [tilespmem:s30+$0xFFFFFFE0];
	v15 =	vmul.f32 v23, v15;
	v19 =	vadd.f32 $-5.000000000e-01, v19;
	v10 =	vsub.f32 v22, v21  }
0x158: {  	v14 =	vld [tilespmem:s31+$0x30];
	v4 =	vadd.f32 v26, v4;
	v12 =	vsub.s32 $0x0, v20;
	v22 =	vand.u32 $0x7FFFFFFF, v11  }
0x159: {  	v23 =	vld [tilespmem:s29+$0xFFFFFFE0];
	v60 =	vand.u32 $0x7FFFFFFF, v25;
	v62 =	vmul.f32 $5.000000000e-01, v11;
	v19 =	vsel vm4, v15, v19  }
0x15a: {  	v18 =	vld [tilespmem:s29+$0x30];
	v15 =	vmul.f32 v17, v24;
	v27 =	vsub.s32 $0x0, v16;
	v61 =	vand.u32 $0x7FFFFFFF, v10  }
0x15b: {  	v21 =	vld [tilespmem:s30+$0x30];
	v20 =	vmin.u32 v20, v12;
	v12 =	vmul.f32 $5.000000000e-01, v10;
	vm5 =	vlt.f32 v22, $1.000000000e+00  }
0x15c: {  	vm8 =	vlt.f32 v60, $1.000000000e+00;
	v19 =	vnsel vm1, $0x0, v19;
	v26 =	vmin.u32 v16, v27  }
0x15d: {  	v11 =	vmul.f32 v62, v11;
	vm4 =	veq.s32 v20, $0x1;
	v16 =	vand.u32 $0x7FFFFFFF, v24  }
0x15e: {  	vm6 =	vlt.f32 v61, $1.000000000e+00;
	v23 =	vsub.f32 v23, v13;
	v20 =	vsub.s32 $0x0, v14  }
0x15f: {  	v13 =	vadd.f32 $-5.000000000e-01, v22;
	v22 =	vmul.f32 $5.000000000e-01, v25;
	vm7 =	veq.s32 v26, $0x1  }
0x160: {  	v27 =	vsub.f32 v18, v21;
	v18 =	vsel vm4, $0x3F800000, v0;
	v21 =	vadd.f32 $-5.000000000e-01, v60  }
0x161: {  	v17 =	vsel vm7, $0x3F800000, v0;
	v4 =	vadd.f32 v18, v4;
	v18 =	vmin.u32 v14, v20  }
0x162: {  	v14 =	vand.u32 $0x7FFFFFFF, v23;
	v26 =	vmul.f32 $5.000000000e-01, v23;
	v25 =	vmul.f32 v22, v25  }
0x163: {  	v22 =	vadd.f32 $-5.000000000e-01, v16;
	v63 =	vmul.f32 $5.000000000e-01, v27;
	v20 =	vand.u32 $0x7FFFFFFF, v27  }
0x164: {  	s9 =	simm.s32 $0x7AD0;
	vm10 =	vlt.f32 v14, $1.000000000e+00;
	v24 =	vadd.f32 $-5.000000000e-01, v14;
	v26 =	vmul.f32 v26, v23  }
0x165: {  	s11 =	simm.s32 $0xA380;
	s8 =	simm.s32 $0x0;
	s10 =	simm.s32 $0xCC30;
	v14 =	vadd.f32 $-5.000000000e-01, v61;
	vm9 =	vlt.f32 v20, $1.000000000e+00;
	v23 =	vmul.f32 v63, v27  }
.LBB2_7:
0x166: {  	v27 =	vld [tilespmem:s9+$0xFFFFFFC0];
	s8 =	sadd.s32 $0x80, s8;
	v24 =	vsel vm10, v26, v24;
	v21 =	vsel vm8, v25, v21;
	v10 =	vmul.f32 v12, v10  }
0x167: {  	vm8 =	vlt.f32 v16, $1.000000000e+00;
	v20 =	vadd.f32 $-5.000000000e-01, v20;
	v12 =	vld [tilespmem:s10+$0x0];
	p0 =	slt.u32 s8, $0x2800;
	v16 =	vnsel vm2, $0x0, v24  }
0x168: {  	vm2 =	veq.s32 v18, $0x1;
	v24 =	vld [tilespmem:s11+$0xFFFFFFC0];
	v3 =	vadd.f32 v16, v3;
	v16 =	vnsel vm7, $0x0, v21  }
0x169: {  	v11 =	vsel vm5, v11, v13;
	v15 =	vsel vm8, v15, v22;
	v13 =	vsel vm9, v23, v20;
	v18 =	vld [tilespmem:s11+$0x0]  }
0x16a: {  	v2 =	vadd.f32 v17, v2;
	v5 =	vadd.f32 v16, v5;
	v16 =	vsel vm2, $0x3F800000, v0;
	v20 =	vld [tilespmem:s9+$0x0]  }
0x16b: {  	v11 =	vnsel vm3, $0x0, v11;
	v15 =	vnsel vm0, $0x0, v15;
	v3 =	vadd.f32 v19, v3;
	v17 =	vld [tilespmem:s11+$0xFFFFFFE0]  }
0x16c: {  	v1 =	vadd.f32 v11, v1;
	v10 =	vsel vm6, v10, v14;
	v11 =	vnsel vm2, $0x0, v13;
	v19 =	vld [tilespmem:s10+$0xFFFFFFF0]  }
0x16d: {  	v10 =	vnsel vm4, $0x0, v10;
	v2 =	vadd.f32 v16, v2;
	v13 =	vsub.s32 $0x0, v24;
	v14 =	vld [tilespmem:s10+$0xFFFFFFD0]  }
0x16e: {  	v22 =	vsel vm1, $0x3F800000, v0;
	v13 =	vmin.u32 v24, v13;
	v16 =	vsub.s32 $0x0, v18;
	v21 =	vld [tilespmem:s11+$0x20]  }
0x16f: {  	v1 =	vadd.f32 v10, v1;
	vm0 =	veq.s32 v13, $0x1;
	v12 =	vsub.f32 v20, v12;
	v13 =	vld [tilespmem:s10+$0x20]  }
0x170: {  	v5 =	vadd.f32 v11, v5;
	v10 =	vsel vm0, $0x3F800000, v0;
	v20 =	vld [tilespmem:s11+$0xFFFFFFD0];
	v23 =	vsub.s32 $0x0, v17  }
0x171: {  	v7 =	vadd.f32 v22, v7;
	v11 =	vand.u32 $0x7FFFFFFF, v12;
	v24 =	vmul.f32 $5.000000000e-01, v12;
	v25 =	vld [tilespmem:s10+$0x10]  }
0x172: {  	v6 =	vadd.f32 v15, v6;
	v17 =	vmin.u32 v17, v23;
	v22 =	vadd.f32 $-5.000000000e-01, v11;
	v23 =	vld [tilespmem:s9+$0x20]  }
0x173: {  	v8 =	vadd.f32 v10, v8;
	vm2 =	veq.s32 v17, $0x1;
	v15 =	vld [tilespmem:s10+$0xFFFFFFC0];
	v10 =	vmul.f32 v24, v12  }
0x174: {  	vm1 =	vlt.f32 v11, $1.000000000e+00;
	v11 =	vmin.u32 v18, v16;
	v12 =	vsel vm2, $0x3F800000, v0;
	v17 =	vld [tilespmem:s9+$0xFFFFFFF0]  }
0x175: {  	v7 =	vadd.f32 v12, v7;
	v12 =	vsub.s32 $0x0, v21;
	v16 =	vld [tilespmem:s9+$0xFFFFFFD0];
	v10 =	vsel vm1, v10, v22  }
0x176: {  	v6 =	vadd.f32 v9, v6;
	vm1 =	veq.s32 v11, $0x1;
	v12 =	vmin.u32 v21, v12;
	v11 =	vld [tilespmem:s11+$0x10]  }
0x177: {  	v18 =	vsub.s32 $0x0, v20;
	v21 =	vsel vm1, $0x3F800000, v0;
	v13 =	vsub.f32 v23, v13;
	v22 =	vld [tilespmem:s9+$0x30]  }
0x178: {  	v9 =	vnsel vm1, $0x0, v10;
	vm1 =	veq.s32 v12, $0x1;
	v8 =	vadd.f32 v21, v8;
	v10 =	vld [tilespmem:s9+$0x10]  }
0x179: {  	v12 =	vmin.u32 v20, v18;
	v18 =	vld [tilespmem:s11+$0xFFFFFFF0];
	v20 =	vand.u32 $0x7FFFFFFF, v13;
	v21 =	vmul.f32 $5.000000000e-01, v13  }
0x17a: {  	v15 =	vsub.f32 v27, v15;
	v19 =	vsub.f32 v17, v19  }
0x17b: {  	v14 =	vsub.f32 v16, v14;
	v16 =	vsub.s32 $0x0, v11;
	v17 =	vld [tilespmem:s11+$0x30]  }
0x17c: {  	vm3 =	veq.s32 v12, $0x1;
	v23 =	vmul.f32 $5.000000000e-01, v15;
	vm4 =	vlt.f32 v20, $1.000000000e+00;
	v24 =	vld [tilespmem:s10+$0xFFFFFFE0]  }
0x17d: {  	v12 =	vsel vm3, $0x3F800000, v0;
	v13 =	vmul.f32 v21, v13;
	v10 =	vsub.f32 v10, v25;
	v21 =	vld [tilespmem:s10+$0x30]  }
0x17e: {  	v20 =	vadd.f32 $-5.000000000e-01, v20;
	v25 =	vand.u32 $0x7FFFFFFF, v14;
	v26 =	vld [tilespmem:s9+$0xFFFFFFE0];
	v27 =	vsub.s32 $0x0, v18  }
0x17f: {  	v28 =	vand.u32 $0x7FFFFFFF, v19;
	v16 =	vmin.u32 v11, v16;
	v29 =	vand.u32 $0x7FFFFFFF, v10  }
0x180: {  	v4 =	vadd.f32 v12, v4;
	v11 =	vmul.f32 $5.000000000e-01, v14;
	v12 =	vmul.f32 $5.000000000e-01, v10  }
0x181: {  	v30 =	vsel vm4, v13, v20;
	vm5 =	vlt.f32 v25, $1.000000000e+00;
	v27 =	vmin.u32 v18, v27  }
0x182: {  	vm4 =	veq.s32 v16, $0x1;
	v11 =	vmul.f32 v11, v14;
	v31 =	vsub.f32 v22, v21  }
0x183: {  	v14 =	vsel vm4, $0x3F800000, v0;
	v18 =	vsub.s32 $0x0, v17;
	v26 =	vsub.f32 v26, v24  }
0x184: {  	vm8 =	vlt.f32 v28, $1.000000000e+00;
	v16 =	vand.u32 $0x7FFFFFFF, v15;
	v32 =	vmul.f32 $5.000000000e-01, v31  }
0x185: {  	v13 =	vadd.f32 $-5.000000000e-01, v25;
	v22 =	vmul.f32 $5.000000000e-01, v19;
	v21 =	vadd.f32 $-5.000000000e-01, v28  }
0x186: {  	v15 =	vmul.f32 v23, v15;
	v4 =	vadd.f32 v14, v4;
	v18 =	vmin.u32 v17, v18  }
.Ltmp3:
0x187: {  	vm7 =	veq.s32 v27, $0x1;
	v20 =	vand.u32 $0x7FFFFFFF, v31;
	v14 =	vand.u32 $0x7FFFFFFF, v26;
	(pc) =	sbr.rel @p0 .LBB2_7-.Ltmp3, $4  }
0x188: {  	v17 =	vsel vm7, $0x3F800000, v0;
	v23 =	vmul.f32 $5.000000000e-01, v26;
	vm10 =	vlt.f32 v14, $1.000000000e+00  }
0x189: {  	v25 =	vmul.f32 v22, v19;
	v24 =	vadd.f32 $-5.000000000e-01, v14;
	v14 =	vadd.f32 $-5.000000000e-01, v29  }
0x18a: {  	vm6 =	vlt.f32 v29, $1.000000000e+00;
	v22 =	vadd.f32 $-5.000000000e-01, v16;
	v26 =	vmul.f32 v23, v26  }
0x18b: {  	s11 =	sadd.s32 $0x80, s11;
	s10 =	sadd.s32 $0x80, s10;
	s9 =	sadd.s32 $0x80, s9;
	v19 =	vnsel vm1, $0x0, v30;
	vm9 =	vlt.f32 v20, $1.000000000e+00;
	v23 =	vmul.f32 v32, v31  }
0x18c: {  	v27 =	vld [tilespmem:$0xA290]  }
0x18d: {  	v28 =	vld [tilespmem:$0xF3F0]  }
0x18e: {  	v29 =	vld [tilespmem:$0xCB40]  }
0x18f: {  	v30 =	vld [tilespmem:$0xA2A0]  }
0x190: {  	v31 =	vld [tilespmem:$0xF400]  }
0x191: {  	v32 =	vld [tilespmem:$0xCB50]  }
0x192: {  	v33 =	vld [tilespmem:$0xA2B0];
	s7 =	sadd.s32 $0x196E, s7  }
0x193: {  	v34 =	vld [tilespmem:$0xF410];
	s9 =	simm.s32 $0x0;
	s10 =	simm.s32 $0x7A10;
	v24 =	vsel vm10, v26, v24;
	v21 =	vsel vm8, v25, v21;
	s8 =	sadd.s32 s6, s7  }
0x194: {  	v35 =	vld [tilespmem:$0xCB60];
	v10 =	vmul.f32 v12, v10;
	vm8 =	vlt.f32 v16, $1.000000000e+00;
	v11 =	vsel vm5, v11, v13;
	[tilespmem:s10], [sflag:$0x2] =	stream.linear.gather [hbm4b:s8+s9], $0x28B0, $0x38  }
0x195: {  	s25 =	simm.s32 $0xA2C0;
	v2 =	vadd.f32 v17, v2;
	v12 =	vnsel vm2, $0x0, v24;
	s24 =	sadd.s32 s5, s7;
	vm2 =	veq.s32 v18, $0x1  }
0x196: {  	v16 =	vnsel vm7, $0x0, v21;
	v15 =	vsel vm8, v15, v22;
	v3 =	vadd.f32 v12, v3;
	[tilespmem:s25], [sflag:$0x2] =	stream.linear.gather [hbm4b:s24+s9], $0x28B0, $0x38;
	[tilespmem:$0xF670] =	vst v63  }
0x197: {  	s26 =	simm.s32 $0xCB70;
	s28 =	simm.s32 $0x1;
	s7 =	sadd.s32 s4, s7;
	v11 =	vnsel vm3, $0x0, v11;
	v12 =	vadd.f32 $-5.000000000e-01, v20;
	v5 =	vadd.f32 v16, v5  }
0x198: {  	v13 =	vsel vm2, $0x3F800000, v0;
	v15 =	vnsel vm0, $0x0, v15;
	v10 =	vsel vm6, v10, v14;
	[tilespmem:s26], [sflag:$0x2] =	stream.linear.gather [hbm4b:s7+s9], $0x28B0, $0x38;
	[tilespmem:$0xF670] =	vst v63  }
0x199: {  	v1 =	vadd.f32 v11, v1;
	v10 =	vnsel vm4, $0x0, v10;
	v14 =	vsub.f32 v27, v28;
	_ =	swait.ge [sflag:s28], $0x28B0  }
0x19a: {  	v2 =	vadd.f32 v13, v2;
	v6 =	vadd.f32 v15, v6;
	v12 =	vsel vm9, v23, v12;
	[sflag:s28] =	ssyncset.done $0x0  }
0x19b: {  	v11 =	vnsel vm2, $0x0, v12;
	v12 =	vsel vm1, $0x3F800000, v0;
	v0 =	vmul.f32 $5.000000000e-01, v14;
	[sflag:s28] =	ssyncadd.s32 $0xFFFFD750  }
0x19c: {  	v3 =	vadd.f32 v19, v3;
	v1 =	vadd.f32 v10, v1;
	v10 =	vand.u32 $0x7FFFFFFF, v14;
	_ =	swait.ge [sflag:s28], $0x28B0  }
0x19d: {  	v5 =	vadd.f32 v11, v5;
	v11 =	vadd.f32 $-5.000000000e-01, v10;
	v0 =	vmul.f32 v0, v14;
	[sflag:s28] =	ssyncset.done $0x0  }
0x19e: {  	v13 =	vsub.f32 v30, v31;
	vm0 =	vlt.f32 v10, $1.000000000e+00;
	v10 =	vsub.s32 $0x0, v29;
	[sflag:s28] =	ssyncadd.s32 $0xFFFFD750  }
0x19f: {  	v6 =	vadd.f32 v9, v6;
	v9 =	vsel vm0, v0, v11;
	v0 =	vmin.u32 v29, v10;
	_ =	swait.ge [sflag:s28], $0x28B0  }
0x1a0: {  	v15 =	vsub.f32 v33, v34;
	v7 =	vadd.f32 v12, v7;
	vm0 =	veq.s32 v0, $0x1;
	[sflag:s28] =	ssyncset.done $0x0  }
0x1a1: {  	s29 =	simm.s32 $0x40;
	v14 =	vsub.s32 $0x0, v32;
	v10 =	vmul.f32 $5.000000000e-01, v13;
	v9 =	vnsel vm0, $0x0, v9;
	[sflag:s28] =	ssyncadd.s32 $0xFFFFD750  }
0x1a2: {  	s30 =	simm.s32 $0x51A0;
	v0 =	vimm.f32 $0.0e+00;
	v6 =	vadd.f32 v9, v6;
	v9 =	vand.u32 $0x7FFFFFFF, v13;
	v12 =	vld [tilespmem:s29+$0xFFFFFFC0]  }
0x1a3: {  	s31 =	simm.s32 $0x28F0;
	v11 =	vsel vm0, $0x3F800000, v0;
	v10 =	vmul.f32 v10, v13;
	v13 =	vadd.f32 $-5.000000000e-01, v9;
	v16 =	vld [tilespmem:s30+$0x0]  }
0x1a4: {  	v8 =	vadd.f32 v11, v8;
	vm0 =	vlt.f32 v9, $1.000000000e+00;
	v9 =	vmin.u32 v32, v14;
	v11 =	vld [tilespmem:s31+$0xFFFFFFC0]  }
0x1a5: {  	v24 =	vld [tilespmem:s30+$0xFFFFFFC0];
	v10 =	vsel vm0, v10, v13;
	vm0 =	veq.s32 v9, $0x1;
	v9 =	vmul.f32 $5.000000000e-01, v15  }
0x1a6: {  	v19 =	vsub.s32 $0x0, v35;
	v17 =	vand.u32 $0x7FFFFFFF, v15;
	v18 =	vld [tilespmem:s29+$0x0];
	v10 =	vnsel vm0, $0x0, v10  }
0x1a7: {  	v13 =	vld [tilespmem:s31+$0x0];
	v14 =	vsel vm0, $0x3F800000, v0;
	v9 =	vmul.f32 v9, v15;
	v15 =	vadd.f32 $-5.000000000e-01, v17  }
0x1a8: {  	v20 =	vld [tilespmem:s31+$0xFFFFFFE0];
	vm0 =	vlt.f32 v17, $1.000000000e+00;
	v6 =	vadd.f32 v10, v6;
	v10 =	vmin.u32 v35, v19  }
0x1a9: {  	v8 =	vadd.f32 v14, v8;
	v9 =	vsel vm0, v9, v15;
	vm0 =	veq.s32 v10, $0x1  }
0x1aa: {  	v22 =	vld [tilespmem:s29+$0x20];
	v15 =	vsub.s32 $0x0, v11;
	v24 =	vsub.f32 v12, v24;
	v9 =	vnsel vm0, $0x0, v9  }
0x1ab: {  	v17 =	vld [tilespmem:s30+$0xFFFFFFF0];
	v14 =	vsel vm0, $0x3F800000, v0;
	v6 =	vadd.f32 v9, v6;
	v9 =	vmin.u32 v11, v15  }
0x1ac: {  	v19 =	vld [tilespmem:s31+$0x20];
	v11 =	vsub.f32 v18, v16;
	v8 =	vadd.f32 v14, v8;
	v14 =	vsub.s32 $0x0, v13  }
0x1ad: {  	v15 =	vld [tilespmem:s30+$0x20];
	vm0 =	veq.s32 v9, $0x1;
	v9 =	vsub.s32 $0x0, v20;
	v13 =	vmin.u32 v13, v14  }
0x1ae: {  	v16 =	vld [tilespmem:s31+$0xFFFFFFD0];
	v18 =	vand.u32 $0x7FFFFFFF, v11;
	v21 =	vmul.f32 $5.000000000e-01, v11;
	v9 =	vmin.u32 v20, v9  }
0x1af: {  	v10 =	vld [tilespmem:s30+$0xFFFFFFD0];
	v23 =	vsel vm0, $0x3F800000, v0;
	v20 =	vadd.f32 $-5.000000000e-01, v18;
	vm2 =	veq.s32 v9, $0x1  }
0x1b0: {  	v14 =	vld [tilespmem:s29+$0xFFFFFFD0];
	v8 =	vadd.f32 v23, v8;
	v9 =	vmul.f32 v21, v11;
	v21 =	vsel vm2, $0x3F800000, v0  }
0x1b1: {  	vm1 =	vlt.f32 v18, $1.000000000e+00;
	v18 =	vsub.s32 $0x0, v19;
	v11 =	vld [tilespmem:s29+$0xFFFFFFF0];
	v7 =	vadd.f32 v21, v7  }
0x1b2: {  	v21 =	vld [tilespmem:s30+$0x10];
	v15 =	vsub.f32 v22, v15;
	v9 =	vsel vm1, v9, v20;
	vm1 =	veq.s32 v13, $0x1  }
0x1b3: {  	v22 =	vld [tilespmem:s29+$0x10];
	v13 =	vmin.u32 v19, v18;
	v18 =	vsub.s32 $0x0, v16;
	v19 =	vsel vm1, $0x3F800000, v0  }
0x1b4: {  	v20 =	vld [tilespmem:s31+$0x10];
	v9 =	vnsel vm1, $0x0, v9;
	vm1 =	veq.s32 v13, $0x1;
	v13 =	vmin.u32 v16, v18  }
0x1b5: {  	v23 =	vmul.f32 $5.000000000e-01, v15;
	v8 =	vadd.f32 v19, v8;
	v19 =	vand.u32 $0x7FFFFFFF, v15  }
0x1b6: {  	v16 =	vld [tilespmem:s31+$0xFFFFFFF0];
	vm3 =	veq.s32 v13, $0x1;
	v25 =	vsub.f32 v11, v17;
	v11 =	vsub.f32 v14, v10  }
0x1b7: {  	v17 =	vmul.f32 $5.000000000e-01, v24;
	vm4 =	vlt.f32 v19, $1.000000000e+00;
	v26 =	vsel vm3, $0x3F800000, v0  }
0x1b8: {  	v18 =	vld [tilespmem:s29+$0x30];
	v15 =	vmul.f32 v23, v15;
	v19 =	vadd.f32 $-5.000000000e-01, v19;
	v10 =	vsub.f32 v22, v21  }
0x1b9: {  	v13 =	vld [tilespmem:s30+$0xFFFFFFE0];
	v4 =	vadd.f32 v26, v4;
	v12 =	vsub.s32 $0x0, v20;
	v22 =	vand.u32 $0x7FFFFFFF, v11  }
0x1ba: {  	v23 =	vld [tilespmem:s29+$0xFFFFFFE0];
	v60 =	vand.u32 $0x7FFFFFFF, v25;
	v62 =	vmul.f32 $5.000000000e-01, v11;
	v19 =	vsel vm4, v15, v19  }
0x1bb: {  	v14 =	vld [tilespmem:s31+$0x30];
	v15 =	vmul.f32 v17, v24;
	v27 =	vsub.s32 $0x0, v16;
	v61 =	vand.u32 $0x7FFFFFFF, v10  }
0x1bc: {  	v21 =	vld [tilespmem:s30+$0x30];
	v20 =	vmin.u32 v20, v12;
	v12 =	vmul.f32 $5.000000000e-01, v10;
	vm5 =	vlt.f32 v22, $1.000000000e+00  }
0x1bd: {  	vm7 =	vlt.f32 v60, $1.000000000e+00;
	v19 =	vnsel vm1, $0x0, v19;
	v26 =	vmin.u32 v16, v27  }
0x1be: {  	v11 =	vmul.f32 v62, v11;
	vm4 =	veq.s32 v20, $0x1;
	v16 =	vand.u32 $0x7FFFFFFF, v24  }
0x1bf: {  	v20 =	vadd.f32 $-5.000000000e-01, v60;
	vm6 =	vlt.f32 v61, $1.000000000e+00;
	v23 =	vsub.f32 v23, v13  }
0x1c0: {  	v13 =	vadd.f32 $-5.000000000e-01, v22;
	v22 =	vmul.f32 $5.000000000e-01, v25;
	vm8 =	veq.s32 v26, $0x1  }
0x1c1: {  	v27 =	vsub.f32 v18, v21;
	v18 =	vsel vm4, $0x3F800000, v0;
	v21 =	vsub.s32 $0x0, v14  }
0x1c2: {  	v17 =	vsel vm8, $0x3F800000, v0;
	v4 =	vadd.f32 v18, v4;
	v18 =	vmin.u32 v14, v21  }
0x1c3: {  	v14 =	vand.u32 $0x7FFFFFFF, v23;
	v26 =	vmul.f32 $5.000000000e-01, v23;
	v25 =	vmul.f32 v22, v25  }
0x1c4: {  	v22 =	vadd.f32 $-5.000000000e-01, v16;
	v63 =	vmul.f32 $5.000000000e-01, v27;
	v21 =	vand.u32 $0x7FFFFFFF, v27  }
0x1c5: {  	s8 =	simm.s32 $0xC0;
	vm10 =	vlt.f32 v14, $1.000000000e+00;
	v24 =	vadd.f32 $-5.000000000e-01, v14;
	v26 =	vmul.f32 v26, v23  }
0x1c6: {  	s10 =	simm.s32 $0x2970;
	s7 =	simm.s32 $0x0;
	s9 =	simm.s32 $0x5220;
	v14 =	vadd.f32 $-5.000000000e-01, v61;
	vm9 =	vlt.f32 v21, $1.000000000e+00;
	v23 =	vmul.f32 v63, v27  }
.LBB2_9:
0x1c7: {  	v27 =	vld [tilespmem:s8+$0xFFFFFFC0];
	s7 =	sadd.s32 $0x80, s7;
	v24 =	vsel vm10, v26, v24;
	v20 =	vsel vm7, v25, v20;
	v10 =	vmul.f32 v12, v10  }
0x1c8: {  	vm7 =	vlt.f32 v16, $1.000000000e+00;
	v21 =	vadd.f32 $-5.000000000e-01, v21;
	v12 =	vld [tilespmem:s9+$0x0];
	p0 =	slt.u32 s7, $0x2800;
	v16 =	vnsel vm2, $0x0, v24  }
0x1c9: {  	vm2 =	veq.s32 v18, $0x1;
	v24 =	vld [tilespmem:s10+$0xFFFFFFC0];
	v3 =	vadd.f32 v16, v3;
	v16 =	vnsel vm8, $0x0, v20  }
0x1ca: {  	v11 =	vsel vm5, v11, v13;
	v15 =	vsel vm7, v15, v22;
	v13 =	vsel vm9, v23, v21;
	v18 =	vld [tilespmem:s10+$0x0]  }
0x1cb: {  	v2 =	vadd.f32 v17, v2;
	v5 =	vadd.f32 v16, v5;
	v16 =	vsel vm2, $0x3F800000, v0;
	v20 =	vld [tilespmem:s8+$0x0]  }
0x1cc: {  	v11 =	vnsel vm3, $0x0, v11;
	v15 =	vnsel vm0, $0x0, v15;
	v3 =	vadd.f32 v19, v3;
	v17 =	vld [tilespmem:s10+$0xFFFFFFE0]  }
0x1cd: {  	v1 =	vadd.f32 v11, v1;
	v10 =	vsel vm6, v10, v14;
	v11 =	vnsel vm2, $0x0, v13;
	v19 =	vld [tilespmem:s9+$0xFFFFFFF0]  }
0x1ce: {  	v10 =	vnsel vm4, $0x0, v10;
	v2 =	vadd.f32 v16, v2;
	v13 =	vsub.s32 $0x0, v24;
	v14 =	vld [tilespmem:s9+$0xFFFFFFD0]  }
0x1cf: {  	v22 =	vsel vm1, $0x3F800000, v0;
	v13 =	vmin.u32 v24, v13;
	v16 =	vsub.s32 $0x0, v18;
	v21 =	vld [tilespmem:s10+$0x20]  }
0x1d0: {  	v1 =	vadd.f32 v10, v1;
	vm0 =	veq.s32 v13, $0x1;
	v12 =	vsub.f32 v20, v12;
	v13 =	vld [tilespmem:s9+$0x20]  }
0x1d1: {  	v5 =	vadd.f32 v11, v5;
	v10 =	vsel vm0, $0x3F800000, v0;
	v20 =	vld [tilespmem:s10+$0xFFFFFFD0];
	v23 =	vsub.s32 $0x0, v17  }
0x1d2: {  	v7 =	vadd.f32 v22, v7;
	v11 =	vand.u32 $0x7FFFFFFF, v12;
	v24 =	vmul.f32 $5.000000000e-01, v12;
	v25 =	vld [tilespmem:s9+$0x10]  }
0x1d3: {  	v6 =	vadd.f32 v15, v6;
	v17 =	vmin.u32 v17, v23;
	v22 =	vadd.f32 $-5.000000000e-01, v11;
	v23 =	vld [tilespmem:s8+$0x20]  }
0x1d4: {  	v8 =	vadd.f32 v10, v8;
	vm2 =	veq.s32 v17, $0x1;
	v15 =	vld [tilespmem:s9+$0xFFFFFFC0];
	v10 =	vmul.f32 v24, v12  }
0x1d5: {  	vm1 =	vlt.f32 v11, $1.000000000e+00;
	v11 =	vmin.u32 v18, v16;
	v12 =	vsel vm2, $0x3F800000, v0;
	v17 =	vld [tilespmem:s8+$0xFFFFFFF0]  }
0x1d6: {  	v7 =	vadd.f32 v12, v7;
	v12 =	vsub.s32 $0x0, v21;
	v16 =	vld [tilespmem:s8+$0xFFFFFFD0];
	v10 =	vsel vm1, v10, v22  }
0x1d7: {  	v6 =	vadd.f32 v9, v6;
	vm1 =	veq.s32 v11, $0x1;
	v12 =	vmin.u32 v21, v12;
	v11 =	vld [tilespmem:s10+$0x10]  }
0x1d8: {  	v18 =	vsub.s32 $0x0, v20;
	v21 =	vsel vm1, $0x3F800000, v0;
	v13 =	vsub.f32 v23, v13;
	v22 =	vld [tilespmem:s8+$0x30]  }
0x1d9: {  	v9 =	vnsel vm1, $0x0, v10;
	vm1 =	veq.s32 v12, $0x1;
	v8 =	vadd.f32 v21, v8;
	v10 =	vld [tilespmem:s8+$0x10]  }
0x1da: {  	v12 =	vmin.u32 v20, v18;
	v18 =	vld [tilespmem:s10+$0xFFFFFFF0];
	v20 =	vand.u32 $0x7FFFFFFF, v13;
	v21 =	vmul.f32 $5.000000000e-01, v13  }
0x1db: {  	v15 =	vsub.f32 v27, v15;
	v19 =	vsub.f32 v17, v19  }
0x1dc: {  	v14 =	vsub.f32 v16, v14;
	v16 =	vsub.s32 $0x0, v11;
	v17 =	vld [tilespmem:s10+$0x30]  }
0x1dd: {  	vm3 =	veq.s32 v12, $0x1;
	v23 =	vmul.f32 $5.000000000e-01, v15;
	vm4 =	vlt.f32 v20, $1.000000000e+00;
	v24 =	vld [tilespmem:s9+$0xFFFFFFE0]  }
0x1de: {  	v12 =	vsel vm3, $0x3F800000, v0;
	v13 =	vmul.f32 v21, v13;
	v10 =	vsub.f32 v10, v25;
	v21 =	vld [tilespmem:s9+$0x30]  }
0x1df: {  	v20 =	vadd.f32 $-5.000000000e-01, v20;
	v25 =	vand.u32 $0x7FFFFFFF, v14;
	v26 =	vld [tilespmem:s8+$0xFFFFFFE0];
	v27 =	vsub.s32 $0x0, v18  }
0x1e0: {  	v28 =	vand.u32 $0x7FFFFFFF, v19;
	v16 =	vmin.u32 v11, v16;
	v29 =	vand.u32 $0x7FFFFFFF, v10  }
0x1e1: {  	v4 =	vadd.f32 v12, v4;
	v11 =	vmul.f32 $5.000000000e-01, v14;
	v12 =	vmul.f32 $5.000000000e-01, v10  }
0x1e2: {  	v30 =	vsel vm4, v13, v20;
	vm5 =	vlt.f32 v25, $1.000000000e+00;
	v27 =	vmin.u32 v18, v27  }
0x1e3: {  	vm4 =	veq.s32 v16, $0x1;
	v11 =	vmul.f32 v11, v14;
	v31 =	vsub.f32 v22, v21  }
0x1e4: {  	v14 =	vsel vm4, $0x3F800000, v0;
	v18 =	vsub.s32 $0x0, v17;
	v26 =	vsub.f32 v26, v24  }
0x1e5: {  	vm7 =	vlt.f32 v28, $1.000000000e+00;
	v16 =	vand.u32 $0x7FFFFFFF, v15;
	v32 =	vmul.f32 $5.000000000e-01, v31  }
0x1e6: {  	v20 =	vadd.f32 $-5.000000000e-01, v28;
	v13 =	vadd.f32 $-5.000000000e-01, v25;
	v22 =	vmul.f32 $5.000000000e-01, v19  }
0x1e7: {  	v15 =	vmul.f32 v23, v15;
	v4 =	vadd.f32 v14, v4;
	v18 =	vmin.u32 v17, v18  }
.Ltmp4:
0x1e8: {  	vm8 =	veq.s32 v27, $0x1;
	v21 =	vand.u32 $0x7FFFFFFF, v31;
	v14 =	vand.u32 $0x7FFFFFFF, v26;
	(pc) =	sbr.rel @p0 .LBB2_9-.Ltmp4, $4  }
0x1e9: {  	v17 =	vsel vm8, $0x3F800000, v0;
	v23 =	vmul.f32 $5.000000000e-01, v26;
	vm10 =	vlt.f32 v14, $1.000000000e+00  }
0x1ea: {  	v25 =	vmul.f32 v22, v19;
	v24 =	vadd.f32 $-5.000000000e-01, v14;
	v14 =	vadd.f32 $-5.000000000e-01, v29  }
0x1eb: {  	vm6 =	vlt.f32 v29, $1.000000000e+00;
	v22 =	vadd.f32 $-5.000000000e-01, v16;
	v26 =	vmul.f32 v23, v26  }
0x1ec: {  	s10 =	sadd.s32 $0x80, s10;
	s9 =	sadd.s32 $0x80, s9;
	s8 =	sadd.s32 $0x80, s8;
	v19 =	vnsel vm1, $0x0, v30;
	vm9 =	vlt.f32 v21, $1.000000000e+00;
	v23 =	vmul.f32 v32, v31  }
0x1ed: {  	v27 =	vld [tilespmem:$0x2880]  }
0x1ee: {  	v28 =	vld [tilespmem:$0x79E0]  }
0x1ef: {  	v29 =	vld [tilespmem:$0x5130];
	v24 =	vsel vm10, v26, v24;
	v20 =	vsel vm7, v25, v20  }
0x1f0: {  	v25 =	vld [tilespmem:$0x2890];
	v10 =	vmul.f32 v12, v10;
	vm7 =	vlt.f32 v16, $1.000000000e+00;
	v21 =	vadd.f32 $-5.000000000e-01, v21  }
0x1f1: {  	v16 =	vld [tilespmem:$0x79F0];
	v11 =	vsel vm5, v11, v13;
	v2 =	vadd.f32 v17, v2;
	v12 =	vnsel vm2, $0x0, v24  }
0x1f2: {  	v13 =	vld [tilespmem:$0x28A0];
	vm2 =	veq.s32 v18, $0x1;
	v15 =	vsel vm7, v15, v22;
	v11 =	vnsel vm3, $0x0, v11  }
0x1f3: {  	v3 =	vadd.f32 v12, v3;
	v12 =	vnsel vm8, $0x0, v20;
	v20 =	vld [tilespmem:$0x5140];
	v18 =	vsel vm9, v23, v21  }
0x1f4: {  	s7 =	simm.s32 $0x2;
	v17 =	vsel vm2, $0x3F800000, v0;
	v15 =	vnsel vm0, $0x0, v15;
	v21 =	vld [tilespmem:$0x5150];
	v1 =	vadd.f32 v11, v1  }
0x1f5: {  	v10 =	vsel vm6, v10, v14;
	v5 =	vadd.f32 v12, v5;
	v12 =	vld [tilespmem:$0x7A00];
	_ =	swait.ge [sflag:s7], $0x28B0;
	v14 =	vsub.f32 v27, v28  }
0x1f6: {  	v11 =	vnsel vm2, $0x0, v18;
	v10 =	vnsel vm4, $0x0, v10;
	v2 =	vadd.f32 v17, v2;
	[sflag:s7] =	ssyncset.done $0x0  }
0x1f7: {  	v17 =	vsel vm1, $0x3F800000, v0;
	v6 =	vadd.f32 v15, v6;
	[sflag:s7] =	ssyncadd.s32 $0xFFFFD750;
	v0 =	vmul.f32 $5.000000000e-01, v14  }
0x1f8: {  	v3 =	vadd.f32 v19, v3;
	v1 =	vadd.f32 v10, v1;
	_ =	swait.ge [sflag:s7], $0x28B0;
	v10 =	vand.u32 $0x7FFFFFFF, v14  }
0x1f9: {  	v5 =	vadd.f32 v11, v5;
	[sflag:s7] =	ssyncset.done $0x0;
	v11 =	vadd.f32 $-5.000000000e-01, v10;
	v0 =	vmul.f32 v0, v14  }
0x1fa: {  	v6 =	vadd.f32 v9, v6;
	vm0 =	vlt.f32 v10, $1.000000000e+00;
	v10 =	vsub.s32 $0x0, v29;
	[sflag:s7] =	ssyncadd.s32 $0xFFFFD750  }
0x1fb: {  	v14 =	vsub.f32 v25, v16;
	_ =	swait.ge [sflag:s7], $0x28B0;
	v9 =	vsel vm0, v0, v11;
	v0 =	vmin.u32 v29, v10  }
0x1fc: {  	v12 =	vsub.f32 v13, v12;
	v16 =	vsub.s32 $0x0, v20;
	[sflag:s7] =	ssyncset.done $0x0;
	vm0 =	veq.s32 v0, $0x1  }
0x1fd: {  	s8 =	simm.s32 $0xCBB0;
	v10 =	vmul.f32 $5.000000000e-01, v14;
	v11 =	vadd.f32 v17, v7;
	[sflag:s7] =	ssyncadd.s32 $0xFFFFD750;
	v7 =	vnsel vm0, $0x0, v9  }
0x1fe: {  	s31 =	simm.s32 $0x7A50;
	v0 =	vimm.f32 $0.0e+00;
	v13 =	vld [tilespmem:s8+$0x0];
	v6 =	vadd.f32 v7, v6;
	v7 =	vand.u32 $0x7FFFFFFF, v14  }
0x1ff: {  	v18 =	vld [tilespmem:s31+$0x0];
	v9 =	vsel vm0, $0x3F800000, v0;
	v10 =	vmul.f32 v10, v14;
	v15 =	vadd.f32 $-5.000000000e-01, v7  }
0x200: {  	s9 =	simm.s32 $0xA300;
	v24 =	vld [tilespmem:s8+$0xFFFFFFC0];
	v8 =	vadd.f32 v9, v8;
	vm0 =	vlt.f32 v7, $1.000000000e+00;
	v7 =	vmin.u32 v20, v16  }
0x201: {  	v9 =	vld [tilespmem:s9+$0xFFFFFFC0];
	v10 =	vsel vm0, v10, v15;
	vm0 =	veq.s32 v7, $0x1;
	v7 =	vmul.f32 $5.000000000e-01, v12  }
0x202: {  	v19 =	vsub.s32 $0x0, v21;
	v17 =	vand.u32 $0x7FFFFFFF, v12;
	v14 =	vld [tilespmem:s31+$0xFFFFFFC0];
	v10 =	vnsel vm0, $0x0, v10  }
0x203: {  	v15 =	vld [tilespmem:s9+$0x0];
	v16 =	vsel vm0, $0x3F800000, v0;
	v7 =	vmul.f32 v7, v12;
	v12 =	vadd.f32 $-5.000000000e-01, v17  }
0x204: {  	v20 =	vld [tilespmem:s9+$0xFFFFFFE0];
	vm0 =	vlt.f32 v17, $1.000000000e+00;
	v6 =	vadd.f32 v10, v6;
	v10 =	vmin.u32 v21, v19  }
0x205: {  	v8 =	vadd.f32 v16, v8;
	v7 =	vsel vm0, v7, v12;
	vm0 =	veq.s32 v10, $0x1  }
0x206: {  	v22 =	vld [tilespmem:s31+$0x20];
	v16 =	vsub.s32 $0x0, v9;
	v7 =	vnsel vm0, $0x0, v7;
	v12 =	vsel vm0, $0x3F800000, v0  }
0x207: {  	v17 =	vld [tilespmem:s8+$0xFFFFFFF0];
	v7 =	vadd.f32 v7, v6;
	v6 =	vmin.u32 v9, v16;
	v9 =	vsub.f32 v18, v13  }
0x208: {  	v19 =	vld [tilespmem:s9+$0x20];
	v14 =	vsub.f32 v14, v24;
	v8 =	vadd.f32 v12, v8;
	v12 =	vsub.s32 $0x0, v15  }
0x209: {  	v13 =	vld [tilespmem:s8+$0x20];
	vm0 =	veq.s32 v6, $0x1;
	v6 =	vsub.s32 $0x0, v20;
	v18 =	vand.u32 $0x7FFFFFFF, v9  }
0x20a: {  	v16 =	vld [tilespmem:s9+$0xFFFFFFD0];
	v21 =	vmul.f32 $5.000000000e-01, v9;
	v23 =	vsel vm0, $0x3F800000, v0;
	v6 =	vmin.u32 v20, v6  }
0x20b: {  	v10 =	vld [tilespmem:s8+$0xFFFFFFD0];
	v20 =	vadd.f32 $-5.000000000e-01, v18;
	v23 =	vadd.f32 v23, v8;
	vm2 =	veq.s32 v6, $0x1  }
0x20c: {  	vm1 =	vlt.f32 v18, $1.000000000e+00;
	v18 =	vld [tilespmem:s8+$0x10];
	v8 =	vmul.f32 v21, v9;
	v6 =	vsel vm2, $0x3F800000, v0  }
0x20d: {  	v25 =	vmul.f32 $5.000000000e-01, v14;
	v21 =	vld [tilespmem:s31+$0xFFFFFFF0];
	v9 =	vmin.u32 v15, v12;
	v6 =	vadd.f32 v6, v11  }
0x20e: {  	v12 =	vld [tilespmem:s31+$0xFFFFFFD0];
	v11 =	vsub.s32 $0x0, v19;
	v13 =	vsub.f32 v22, v13;
	v8 =	vsel vm1, v8, v20  }
0x20f: {  	v15 =	vld [tilespmem:s9+$0x10];
	vm1 =	veq.s32 v9, $0x1;
	v11 =	vmin.u32 v19, v11;
	v19 =	vsub.s32 $0x0, v16  }
0x210: {  	v20 =	vld [tilespmem:s31+$0x10];
	v9 =	vsel vm1, $0x3F800000, v0;
	v8 =	vnsel vm1, $0x0, v8;
	vm1 =	veq.s32 v11, $0x1  }
0x211: {  	v11 =	vmin.u32 v16, v19;
	v22 =	vand.u32 $0x7FFFFFFF, v13;
	v9 =	vadd.f32 v9, v23  }
0x212: {  	v16 =	vld [tilespmem:s9+$0xFFFFFFF0];
	v23 =	vmul.f32 $5.000000000e-01, v13;
	vm4 =	vlt.f32 v22, $1.000000000e+00;
	v22 =	vadd.f32 $-5.000000000e-01, v22  }
0x213: {  	vm3 =	veq.s32 v11, $0x1;
	v24 =	vsub.f32 v21, v17;
	v17 =	vsub.f32 v12, v10  }
0x214: {  	v12 =	vsub.s32 $0x0, v15;
	v11 =	vsel vm3, $0x3F800000, v0;
	v13 =	vmul.f32 v23, v13  }
0x215: {  	v26 =	vld [tilespmem:s8+$0xFFFFFFE0];
	v15 =	vmin.u32 v15, v12;
	v4 =	vadd.f32 v11, v4;
	v10 =	vsub.f32 v20, v18  }
0x216: {  	v19 =	vld [tilespmem:s31+$0x30];
	v20 =	vand.u32 $0x7FFFFFFF, v17;
	v61 =	vand.u32 $0x7FFFFFFF, v24;
	v30 =	vmul.f32 $5.000000000e-01, v17  }
0x217: {  	v23 =	vld [tilespmem:s31+$0xFFFFFFE0];
	v27 =	vsub.s32 $0x0, v16;
	vm5 =	vlt.f32 v20, $1.000000000e+00;
	v31 =	vsel vm4, v13, v22  }
0x218: {  	v18 =	vld [tilespmem:s8+$0x30];
	vm4 =	veq.s32 v15, $0x1;
	vm7 =	vlt.f32 v61, $1.000000000e+00;
	v13 =	vadd.f32 $-5.000000000e-01, v20  }
0x219: {  	v21 =	vld [tilespmem:s9+$0x30];
	v22 =	vmul.f32 $5.000000000e-01, v24;
	v20 =	vadd.f32 $-5.000000000e-01, v61;
	v15 =	vmul.f32 v25, v14  }
0x21a: {  	v62 =	vand.u32 $0x7FFFFFFF, v10;
	v12 =	vmul.f32 $5.000000000e-01, v10;
	v27 =	vmin.u32 v16, v27  }
0x21b: {  	v11 =	vmul.f32 v30, v17;
	v17 =	vsel vm4, $0x3F800000, v0;
	v16 =	vand.u32 $0x7FFFFFFF, v14  }
0x21c: {  	v4 =	vadd.f32 v17, v4;
	v24 =	vmul.f32 v22, v24;
	v22 =	vadd.f32 $-5.000000000e-01, v16  }
0x21d: {  	vm8 =	veq.s32 v27, $0x1;
	v63 =	vsub.f32 v19, v18;
	v19 =	vsub.f32 v23, v26  }
0x21e: {  	vm6 =	vlt.f32 v62, $1.000000000e+00;
	v17 =	vsel vm8, $0x3F800000, v0;
	v18 =	vsub.s32 $0x0, v21  }
0x21f: {  	v18 =	vmin.u32 v21, v18;
	v14 =	vand.u32 $0x7FFFFFFF, v19;
	v26 =	vmul.f32 $5.000000000e-01, v19  }
0x220: {  	v23 =	vmul.f32 $5.000000000e-01, v63;
	v21 =	vand.u32 $0x7FFFFFFF, v63;
	vm10 =	vlt.f32 v14, $1.000000000e+00  }
0x221: {  	s10 =	simm.s32 $0xA380;
	v25 =	vadd.f32 $-5.000000000e-01, v14;
	v14 =	vadd.f32 $-5.000000000e-01, v62;
	v26 =	vmul.f32 v26, v19  }
0x222: {  	s7 =	simm.s32 $0x0;
	s9 =	simm.s32 $0xCC30;
	s8 =	simm.s32 $0x7AD0;
	vm9 =	vlt.f32 v21, $1.000000000e+00;
	v19 =	vnsel vm1, $0x0, v31;
	v23 =	vmul.f32 v23, v63  }
.LBB2_11:
0x223: {  	v27 =	vld [tilespmem:s8+$0xFFFFFFC0];
	s7 =	sadd.s32 $0x80, s7;
	v25 =	vsel vm10, v26, v25;
	v20 =	vsel vm7, v24, v20;
	v10 =	vmul.f32 v12, v10  }
0x224: {  	vm7 =	vlt.f32 v16, $1.000000000e+00;
	v21 =	vadd.f32 $-5.000000000e-01, v21;
	v12 =	vld [tilespmem:s9+$0x0];
	p0 =	slt.u32 s7, $0x2800;
	v16 =	vnsel vm2, $0x0, v25  }
0x225: {  	vm2 =	veq.s32 v18, $0x1;
	v24 =	vld [tilespmem:s10+$0xFFFFFFC0];
	v3 =	vadd.f32 v16, v3;
	v16 =	vnsel vm8, $0x0, v20  }
0x226: {  	v11 =	vsel vm5, v11, v13;
	v15 =	vsel vm7, v15, v22;
	v13 =	vsel vm9, v23, v21;
	v18 =	vld [tilespmem:s10+$0x0]  }
0x227: {  	v2 =	vadd.f32 v17, v2;
	v5 =	vadd.f32 v16, v5;
	v16 =	vsel vm2, $0x3F800000, v0;
	v20 =	vld [tilespmem:s8+$0x0]  }
0x228: {  	v11 =	vnsel vm3, $0x0, v11;
	v15 =	vnsel vm0, $0x0, v15;
	v3 =	vadd.f32 v19, v3;
	v17 =	vld [tilespmem:s10+$0xFFFFFFE0]  }
0x229: {  	v1 =	vadd.f32 v11, v1;
	v10 =	vsel vm6, v10, v14;
	v11 =	vnsel vm2, $0x0, v13;
	v19 =	vld [tilespmem:s9+$0xFFFFFFF0]  }
0x22a: {  	v10 =	vnsel vm4, $0x0, v10;
	v2 =	vadd.f32 v16, v2;
	v13 =	vsub.s32 $0x0, v24;
	v14 =	vld [tilespmem:s9+$0xFFFFFFD0]  }
0x22b: {  	v22 =	vsel vm1, $0x3F800000, v0;
	v13 =	vmin.u32 v24, v13;
	v16 =	vsub.s32 $0x0, v18;
	v21 =	vld [tilespmem:s10+$0x20]  }
0x22c: {  	v1 =	vadd.f32 v10, v1;
	vm0 =	veq.s32 v13, $0x1;
	v12 =	vsub.f32 v20, v12;
	v13 =	vld [tilespmem:s9+$0x20]  }
0x22d: {  	v5 =	vadd.f32 v11, v5;
	v10 =	vsel vm0, $0x3F800000, v0;
	v20 =	vld [tilespmem:s10+$0xFFFFFFD0];
	v23 =	vsub.s32 $0x0, v17  }
0x22e: {  	v6 =	vadd.f32 v22, v6;
	v11 =	vand.u32 $0x7FFFFFFF, v12;
	v24 =	vmul.f32 $5.000000000e-01, v12;
	v25 =	vld [tilespmem:s9+$0x10]  }
0x22f: {  	v7 =	vadd.f32 v15, v7;
	v17 =	vmin.u32 v17, v23;
	v22 =	vadd.f32 $-5.000000000e-01, v11;
	v23 =	vld [tilespmem:s8+$0x20]  }
0x230: {  	v9 =	vadd.f32 v10, v9;
	vm2 =	veq.s32 v17, $0x1;
	v15 =	vld [tilespmem:s9+$0xFFFFFFC0];
	v10 =	vmul.f32 v24, v12  }
0x231: {  	vm1 =	vlt.f32 v11, $1.000000000e+00;
	v11 =	vmin.u32 v18, v16;
	v12 =	vsel vm2, $0x3F800000, v0;
	v17 =	vld [tilespmem:s8+$0xFFFFFFF0]  }
0x232: {  	v6 =	vadd.f32 v12, v6;
	v12 =	vsub.s32 $0x0, v21;
	v16 =	vld [tilespmem:s8+$0xFFFFFFD0];
	v10 =	vsel vm1, v10, v22  }
0x233: {  	v7 =	vadd.f32 v8, v7;
	vm1 =	veq.s32 v11, $0x1;
	v12 =	vmin.u32 v21, v12;
	v11 =	vld [tilespmem:s10+$0x10]  }
0x234: {  	v18 =	vsub.s32 $0x0, v20;
	v21 =	vsel vm1, $0x3F800000, v0;
	v13 =	vsub.f32 v23, v13;
	v22 =	vld [tilespmem:s8+$0x30]  }
0x235: {  	v8 =	vnsel vm1, $0x0, v10;
	vm1 =	veq.s32 v12, $0x1;
	v9 =	vadd.f32 v21, v9;
	v10 =	vld [tilespmem:s8+$0x10]  }
0x236: {  	v12 =	vmin.u32 v20, v18;
	v18 =	vld [tilespmem:s10+$0xFFFFFFF0];
	v20 =	vand.u32 $0x7FFFFFFF, v13;
	v21 =	vmul.f32 $5.000000000e-01, v13  }
0x237: {  	v15 =	vsub.f32 v27, v15;
	v19 =	vsub.f32 v17, v19  }
0x238: {  	v14 =	vsub.f32 v16, v14;
	v16 =	vsub.s32 $0x0, v11;
	v17 =	vld [tilespmem:s10+$0x30]  }
0x239: {  	vm3 =	veq.s32 v12, $0x1;
	v23 =	vmul.f32 $5.000000000e-01, v15;
	vm4 =	vlt.f32 v20, $1.000000000e+00;
	v24 =	vld [tilespmem:s9+$0xFFFFFFE0]  }
0x23a: {  	v12 =	vsel vm3, $0x3F800000, v0;
	v13 =	vmul.f32 v21, v13;
	v10 =	vsub.f32 v10, v25;
	v21 =	vld [tilespmem:s9+$0x30]  }
0x23b: {  	v20 =	vadd.f32 $-5.000000000e-01, v20;
	v25 =	vand.u32 $0x7FFFFFFF, v14;
	v26 =	vld [tilespmem:s8+$0xFFFFFFE0];
	v27 =	vsub.s32 $0x0, v18  }
0x23c: {  	v28 =	vand.u32 $0x7FFFFFFF, v19;
	v16 =	vmin.u32 v11, v16;
	v29 =	vand.u32 $0x7FFFFFFF, v10  }
0x23d: {  	v4 =	vadd.f32 v12, v4;
	v11 =	vmul.f32 $5.000000000e-01, v14;
	v12 =	vmul.f32 $5.000000000e-01, v10  }
0x23e: {  	v30 =	vsel vm4, v13, v20;
	vm5 =	vlt.f32 v25, $1.000000000e+00;
	v27 =	vmin.u32 v18, v27  }
0x23f: {  	vm4 =	veq.s32 v16, $0x1;
	v11 =	vmul.f32 v11, v14;
	v31 =	vsub.f32 v22, v21  }
0x240: {  	v14 =	vsel vm4, $0x3F800000, v0;
	v18 =	vsub.s32 $0x0, v17;
	v26 =	vsub.f32 v26, v24  }
0x241: {  	vm7 =	vlt.f32 v28, $1.000000000e+00;
	v16 =	vand.u32 $0x7FFFFFFF, v15;
	v32 =	vmul.f32 $5.000000000e-01, v31  }
0x242: {  	v20 =	vadd.f32 $-5.000000000e-01, v28;
	v13 =	vadd.f32 $-5.000000000e-01, v25;
	v22 =	vmul.f32 $5.000000000e-01, v19  }
0x243: {  	v15 =	vmul.f32 v23, v15;
	v4 =	vadd.f32 v14, v4;
	v18 =	vmin.u32 v17, v18  }
.Ltmp5:
0x244: {  	vm8 =	veq.s32 v27, $0x1;
	v21 =	vand.u32 $0x7FFFFFFF, v31;
	v14 =	vand.u32 $0x7FFFFFFF, v26;
	(pc) =	sbr.rel @p0 .LBB2_11-.Ltmp5, $4  }
0x245: {  	v17 =	vsel vm8, $0x3F800000, v0;
	v23 =	vmul.f32 $5.000000000e-01, v26;
	vm10 =	vlt.f32 v14, $1.000000000e+00  }
0x246: {  	v24 =	vmul.f32 v22, v19;
	v25 =	vadd.f32 $-5.000000000e-01, v14;
	v14 =	vadd.f32 $-5.000000000e-01, v29  }
0x247: {  	vm6 =	vlt.f32 v29, $1.000000000e+00;
	v22 =	vadd.f32 $-5.000000000e-01, v16;
	v26 =	vmul.f32 v23, v26  }
0x248: {  	s10 =	sadd.s32 $0x80, s10;
	s9 =	sadd.s32 $0x80, s9;
	s8 =	sadd.s32 $0x80, s8;
	v19 =	vnsel vm1, $0x0, v30;
	vm9 =	vlt.f32 v21, $1.000000000e+00;
	v23 =	vmul.f32 v32, v31  }
0x249: {  	v27 =	vld [tilespmem:$0xA290]  }
0x24a: {  	v28 =	vld [tilespmem:$0xF3F0]  }
0x24b: {  	v25 =	vsel vm10, v26, v25;
	v32 =	vld [tilespmem:$0xCB40]  }
0x24c: {  	v20 =	vsel vm7, v24, v20;
	v10 =	vmul.f32 v12, v10;
	vm14 =	vlt.f32 v16, $1.000000000e+00;
	v34 =	vld [tilespmem:$0xA2A0]  }
0x24d: {  	v30 =	vadd.f32 $-5.000000000e-01, v21;
	vm15 =	veq.s32 v18, $0x1;
	v11 =	vsel vm5, v11, v13;
	v37 =	vld [tilespmem:$0xF400]  }
0x24e: {  	v2 =	vadd.f32 v17, v2;
	v39 =	vld [tilespmem:$0xCB50];
	v40 =	vsel vm1, $0x3F800000, v0;
	v49 =	vimm.f32 $0.0e+00  }
0x24f: {  	v42 =	vld [tilespmem:$0xA2B0];
	v29 =	vnsel vm2, $0x0, v25;
	v31 =	vnsel vm8, $0x0, v20;
	v15 =	vsel vm14, v15, v22  }
0x250: {  	v45 =	vld [tilespmem:$0xF410];
	v35 =	vsel vm15, $0x3F800000, v0;
	v11 =	vnsel vm3, $0x0, v11;
	v0 =	vadd.f32 v40, v6  }
0x251: {  	v52 =	vld [tilespmem:$0xCB60];
	v3 =	vadd.f32 v29, v3;
	v33 =	vsel vm9, v23, v30;
	v5 =	vadd.f32 v31, v5  }
0x252: {  	v15 =	vnsel vm0, $0x0, v15;
	v1 =	vadd.f32 v11, v1;
	v10 =	vsel vm6, v10, v14  }
0x253: {  	v2 =	vadd.f32 v35, v2;
	v13 =	vnsel vm15, $0x0, v33;
	v7 =	vadd.f32 v15, v7  }
0x254: {  	v10 =	vnsel vm4, $0x0, v10;
	v3 =	vadd.f32 v19, v3;
	v36 =	vsub.f32 v27, v28  }
0x255: {  	v44 =	vsub.s32 $0x0, v32;
	v12 =	vsub.f32 v34, v37;
	v7 =	vadd.f32 v8, v7  }
0x256: {  	v54 =	vsub.s32 $0x0, v39;
	v17 =	vsub.f32 v42, v45;
	v59 =	vsub.s32 $0x0, v52  }
0x257: {  	v46 =	vmin.u32 v32, v44;
	v55 =	vmin.u32 v39, v54;
	v61 =	vmin.u32 v52, v59  }
0x258: {  	v38 =	vmul.f32 $5.000000000e-01, v36;
	v41 =	vand.u32 $0x7FFFFFFF, v36;
	vm11 =	veq.s32 v46, $0x1  }
0x259: {  	v47 =	vmul.f32 $5.000000000e-01, v12;
	v51 =	vand.u32 $0x7FFFFFFF, v12;
	vm13 =	veq.s32 v55, $0x1  }
0x25a: {  	v56 =	vmul.f32 $5.000000000e-01, v17;
	v57 =	vand.u32 $0x7FFFFFFF, v17;
	vm15 =	veq.s32 v61, $0x1  }
0x25b: {  	v43 =	vadd.f32 $-5.000000000e-01, v41;
	vm10 =	vlt.f32 v41, $1.000000000e+00;
	v11 =	vmul.f32 v38, v36  }
0x25c: {  	v50 =	vsel vm11, $0x3F800000, v49;
	v53 =	vadd.f32 $-5.000000000e-01, v51;
	vm12 =	vlt.f32 v51, $1.000000000e+00  }
0x25d: {  	v58 =	vadd.f32 $-5.000000000e-01, v57;
	v12 =	vmul.f32 v47, v12;
	v11 =	vsel vm10, v11, v43  }
0x25e: {  	v60 =	vsel vm13, $0x3F800000, v49;
	v9 =	vadd.f32 v50, v9;
	v48 =	vnsel vm11, $0x0, v11  }
0x25f: {  	v8 =	vmul.f32 v56, v17;
	v12 =	vsel vm12, v12, v53;
	v7 =	vadd.f32 v48, v7  }
0x260: {  	vm14 =	vlt.f32 v57, $1.000000000e+00;
	v9 =	vadd.f32 v60, v9;
	v12 =	vnsel vm13, $0x0, v12  }
0x261: {  	v62 =	vsel vm15, $0x3F800000, v49;
	v8 =	vsel vm14, v8, v58;
	v7 =	vadd.f32 v12, v7  }
0x262: {  	v1 =	vadd.f32 v10, v1;
	v8 =	vnsel vm15, $0x0, v8;
	v63 =	vadd.f32 v62, v9  }
0x263: {  	v5 =	vadd.f32 v13, v5;
	v7 =	vadd.f32 v8, v7  }
0x264: {  	v0 =	vadd.f32 v2, v0;
	v4 =	vadd.f32 v63, v4  }
0x265: {  	v3 =	vadd.f32 v5, v3;
	v1 =	vadd.f32 v7, v1  }
0x266: {  	p0 =	sgt.u32 s3, $0x3;
	v0 =	vadd.f32 v4, v0  }
0x267: {  	s7 =	sshll.u32 @!p0 s3, $0x1;
	v1 =	vadd.f32 v1, v3  }
0x268: {  	s7 =	sor.u32 @!p0 $0x1E840, s7;
	[tilespmem:$0xF430] =	vst v0  }
0x269: {  	s8 =	simm.s32 @!p0 $0x0;
	s6 =	sadd.s32 @!p0 s6, s7;
	[tilespmem:$0xF420] =	vst v1  }
0x26a: {  	[tilespmem:s8], [sflag:$0x3] =	stream.linear.gather @!p0 [hbm4b:s6+s8], $0x10, $0x38;
	[tilespmem:$0xF670] =	vst v63  }
0x26b: {  	s6 =	simm.s32 @!p0 $0x3  }
0x26c: {  	_ =	swait.ge @!p0 [sflag:s6], $0x10  }
0x26d: {  	[sflag:s6] =	ssyncset.done @!p0 $0x0  }
0x26e: {  	s9 =	simm.s32 @!p0 $0x28B0;
	s5 =	sadd.s32 @!p0 s5, s7;
	[sflag:s6] =	ssyncadd.s32 @!p0 $0xFFFFFFF0  }
0x26f: {  	[tilespmem:s9], [sflag:$0x3] =	stream.linear.gather @!p0 [hbm4b:s5+s8], $0x10, $0x38;
	[tilespmem:$0xF670] =	vst v63  }
0x270: {  	_ =	swait.ge @!p0 [sflag:s6], $0x10  }
0x271: {  	[sflag:s6] =	ssyncset.done @!p0 $0x0  }
0x272: {  	s4 =	sadd.s32 @!p0 s4, s7;
	s5 =	simm.s32 @!p0 $0x5160;
	[sflag:s6] =	ssyncadd.s32 @!p0 $0xFFFFFFF0  }
0x273: {  	[tilespmem:s5], [sflag:$0x3] =	stream.linear.gather @!p0 [hbm4b:s4+s8], $0x10, $0x38;
	[tilespmem:$0xF670] =	vst v63  }
0x274: {  	_ =	swait.ge @!p0 [sflag:s6], $0x10  }
0x275: {  	[sflag:s6] =	ssyncset.done @!p0 $0x0  }
0x276: {  	[sflag:s6] =	ssyncadd.s32 @!p0 $0xFFFFFFF0  }
0x277: {  	v0 =	vld @!p0 [tilespmem:$0x0]  }
0x278: {  	v1 =	vld @!p0 [tilespmem:$0x5160];
	_ =	sdelay $0x3  }
0x279: {  	v2 =	vld @!p0 [tilespmem:$0x28B0]  }
0x27a: {  	v0 =	vsub.f32 @!p0 v0, v1;
	_ =	sdelay $0x1  }
0x27b: {  	v1 =	vmul.f32 @!p0 $5.000000000e-01, v0  }
0x27c: {  	v4 =	vld @!p0 [tilespmem:$0xF420];
	v3 =	vand.u32 @!p0 $0x7FFFFFFF, v0  }
0x27d: {  	v6 =	vld @!p0 [tilespmem:$0xF430];
	v5 =	vsub.s32 @!p0 $0x0, v2;
	v0 =	vmul.f32 @!p0 v1, v0;
	v1 =	vadd.f32 @!p0 $-5.000000000e-01, v3  }
0x27e: {  	v2 =	vmin.u32 @!p0 v2, v5;
	vm0 =	vlt.f32 @!p0 v3, $1.000000000e+00  }
0x27f: {  	v0 =	vsel @!p0 vm0, v0, v1;
	vm0 =	veq.s32 @!p0 v2, $0x1  }
0x280: {  	v1 =	vimm.f32 @!p0 $0.0e+00;
	v0 =	vnsel @!p0 vm0, $0x0, v0  }
0x281: {  	v1 =	vsel @!p0 vm0, $0x3F800000, v1;
	v0 =	vadd.f32 @!p0 v0, v4  }
0x282: {  	v1 =	vadd.f32 @!p0 v1, v6  }
0x283: {  	s31 =	sshll.u32 s3, $0x5;
	[tilespmem:$0xF420] =	vst @!p0 v0  }
0x284: {  	s4 =	sadd.s32 s31, s2;
	s5 =	simm.s32 $0xF420;
	[tilespmem:$0xF430] =	vst @!p0 v1  }
0x285: {  	[spmem:s4] =	stream.linear.scatter [tilespmem:s5], [sflag:$0x3], $0x20, $0x38;
	[tilespmem:$0xF670] =	vst v63  }
0x286: {  	s4 =	simm.s32 $0x3  }
0x287: {  	_ =	swait.ge [sflag:s4], $0x20  }
0x288: {  	[sflag:s4] =	ssyncset.done $0x0  }
0x289: {  	[sflag:s4] =	ssyncadd.s32 $0xFFFFFFE0  }
0x28a: {  	p0 =	sne.s32 s3, $0x0;
	[bflag:$0x0] =	sbarrier.arrive $0xFFFF  }
0x28b: {  	_ =	sfence.sel @p0 $0x180000  }
0x28c: {  	[bflag:$0x0] =	sbarrier.arrive @p0 $0xFFFF  }
0x28d: {  	_ =	strace @p0 $0x90000047  }
0x28e: {  	[bflag:$0x2] =	sbarrier.arrive @p0 $0xFFFF  }
0x28f: {  	_ =	shalt @p0  }
.LBB2_13:
0x290: {  	s3 =	simm.s32 $0xF440  }
0x291: {  	[tilespmem:s3], [sflag:$0x3] =	stream.linear.gather [spmem:s2], $0x200, $0x38;
	[tilespmem:$0xF670] =	vst v63  }
0x292: {  	_ =	swait.ge [sflag:s4], $0x200  }
0x293: {  	[sflag:s4] =	ssyncset.done $0x0  }
0x294: {  	[sflag:s4] =	ssyncadd.s32 $0xFFFFFE00  }
0x295: {  	v0 =	vld [tilespmem:$0xF440]  }
0x296: {  	v1 =	vld [tilespmem:$0xF460];
	_ =	sdelay $0x1  }
0x297: {  	v2 =	vld [tilespmem:$0xF480];
	_ =	sdelay $0x1  }
0x298: {  	v3 =	vld [tilespmem:$0xF4A0]  }
0x299: {  	v0 =	vadd.f32 v1, v0  }
0x29a: {  	v20 =	vld [tilespmem:$0xF4C0]  }
0x29b: {  	v0 =	vadd.f32 v2, v0  }
0x29c: {  	v21 =	vld [tilespmem:$0xF4E0]  }
0x29d: {  	v0 =	vadd.f32 v3, v0  }
0x29e: {  	v22 =	vld [tilespmem:$0xF500]  }
0x29f: {  	v0 =	vadd.f32 v20, v0  }
0x2a0: {  	v23 =	vld [tilespmem:$0xF520]  }
0x2a1: {  	v0 =	vadd.f32 v21, v0  }
0x2a2: {  	v24 =	vld [tilespmem:$0xF540]  }
0x2a3: {  	v0 =	vadd.f32 v22, v0  }
0x2a4: {  	v25 =	vld [tilespmem:$0xF560]  }
0x2a5: {  	v0 =	vadd.f32 v23, v0  }
0x2a6: {  	v26 =	vld [tilespmem:$0xF580]  }
0x2a7: {  	v0 =	vadd.f32 v24, v0  }
0x2a8: {  	v27 =	vld [tilespmem:$0xF5A0]  }
0x2a9: {  	v0 =	vadd.f32 v25, v0  }
0x2aa: {  	v28 =	vld [tilespmem:$0xF5C0]  }
0x2ab: {  	v4 =	vld [tilespmem:$0xF450];
	v0 =	vadd.f32 v26, v0  }
0x2ac: {  	v5 =	vimm.s32 $0xFEDCBA98;
	v29 =	vld [tilespmem:$0xF5E0]  }
0x2ad: {  	v30 =	vimm.s32 $0x76543210;
	v5 =	vunpack.c.l.s4.s8 v5;
	v6 =	vld [tilespmem:$0xF470];
	v0 =	vadd.f32 v27, v0  }
0x2ae: {  	v7 =	vld [tilespmem:$0xF600];
	v2 =	vunpack.c.l.s4.s8 v30  }
0x2af: {  	v31 =	vunpack.c.0.s8.s32 v5;
	v8 =	vld [tilespmem:$0xF490];
	v0 =	vadd.f32 v28, v0  }
0x2b0: {  	v32 =	vld [tilespmem:$0xF620];
	v2 =	vunpack.c.0.s8.s32 v2  }
0x2b1: {  	v9 =	vld [tilespmem:$0xF4B0];
	v33 =	vand.u32 $0xF, v31;
	v0 =	vadd.f32 v29, v0  }
0x2b2: {  	v34 =	vadd.f32 v6, v4;
	v1 =	vcombine.low v33, v2  }
0x2b3: {  	v35 =	vld [tilespmem:$0xF4D0];
	v0 =	vadd.f32 v7, v0  }
0x2b4: {  	v36 =	vimm.s32 $0xBA98FEDC;
	v37 =	vimm.s32 $0x32107654;
	v3 =	vadd.f32 v8, v34  }
0x2b5: {  	v39 =	vunpack.c.l.s4.s8 v37;
	v38 =	vld [tilespmem:$0xF4F0];
	v4 =	vunpack.c.l.s4.s8 v36;
	v0 =	vadd.f32 v32, v0  }
0x2b6: {  	v3 =	vadd.f32 v9, v3  }
0x2b7: {  	s30 =	simm.s32 $0xF640;
	v5 =	vunpack.c.0.s8.s32 v39;
	v40 =	vld [tilespmem:$0xF510];
	v4 =	vunpack.c.0.s8.s32 v4;
	[tilespmem:$0xF640] =	vst v0  }
0x2b8: {  	v2 =	vadd.f32 v35, v3;
	v41 =	vld.idx.msk [tilespmem:v1+s30+$0x0], $0xffff  }
0x2b9: {  	v42 =	vld [tilespmem:$0xF530];
	v4 =	vcombine.low v5, v4  }
0x2ba: {  	v2 =	vadd.f32 v38, v2  }
0x2bb: {  	v43 =	vld [tilespmem:$0xF550];
	v4 =	vand.u32 $0xF, v4  }
0x2bc: {  	v44 =	vimm.s32 $0xDCFE98BA;
	v45 =	vimm.s32 $0x54761032;
	v2 =	vadd.f32 v40, v2  }
0x2bd: {  	v47 =	vunpack.c.l.s4.s8 v44;
	v48 =	vunpack.c.l.s4.s8 v45;
	v46 =	vld [tilespmem:$0xF570];
	v0 =	vadd.f32 v41, v0  }
0x2be: {  	v2 =	vadd.f32 v42, v2  }
0x2bf: {  	v49 =	vld [tilespmem:$0xF590];
	v6 =	vunpack.c.0.s8.s32 v48;
	v3 =	vunpack.c.0.s8.s32 v47;
	[tilespmem:$0xF640] =	vst v0  }
0x2c0: {  	v2 =	vadd.f32 v43, v2;
	v50 =	vld.idx.msk [tilespmem:v4+s30+$0x0], $0xffff  }
0x2c1: {  	v51 =	vld [tilespmem:$0xF5B0];
	v3 =	vcombine.low v6, v3  }
0x2c2: {  	v2 =	vadd.f32 v46, v2  }
0x2c3: {  	v52 =	vld [tilespmem:$0xF5D0];
	v3 =	vand.u32 $0xF, v3  }
0x2c4: {  	v53 =	vimm.s32 $0xEFCDAB89;
	v54 =	vimm.s32 $0x67452301;
	v2 =	vadd.f32 v49, v2  }
0x2c5: {  	v55 =	vunpack.c.l.s4.s8 v53;
	v56 =	vunpack.c.l.s4.s8 v54;
	v57 =	vld [tilespmem:$0xF5F0];
	v0 =	vadd.f32 v50, v0  }
0x2c6: {  	v2 =	vadd.f32 v51, v2  }
0x2c7: {  	v58 =	vld [tilespmem:$0xF610];
	v5 =	vunpack.c.0.s8.s32 v55;
	v8 =	vunpack.c.0.s8.s32 v56;
	[tilespmem:$0xF640] =	vst v0  }
0x2c8: {  	v2 =	vadd.f32 v52, v2;
	v10 =	vld.idx.msk [tilespmem:v3+s30+$0x0], $0xffff  }
0x2c9: {  	v59 =	vld [tilespmem:$0xF630];
	v5 =	vcombine.low v8, v5  }
0x2ca: {  	v2 =	vadd.f32 v57, v2  }
0x2cb: {  	v5 =	vand.u32 $0xF, v5  }
0x2cc: {  	v2 =	vadd.f32 v58, v2  }
0x2cd: {  	v0 =	vadd.f32 v10, v0  }
0x2ce: {  	v2 =	vadd.f32 v59, v2  }
0x2cf: {  	[tilespmem:$0xF640] =	vst v0  }
0x2d0: {  	v60 =	vld.idx.msk [tilespmem:v5+s30+$0x0], $0xffff;
	[tilespmem:$0xF640] =	vst v2  }
0x2d1: {  	v1 =	vld.idx.msk [tilespmem:v1+s30+$0x0], $0xffff;
	_ =	sdelay $0x4  }
0x2d2: {  	v1 =	vadd.f32 v1, v2;
	_ =	sdelay $0x1  }
0x2d3: {  	[tilespmem:$0xF640] =	vst v1  }
0x2d4: {  	v61 =	vld.idx.msk [tilespmem:v4+s30+$0x0], $0xffff;
	_ =	sdelay $0x4  }
0x2d5: {  	v1 =	vadd.f32 v61, v1;
	_ =	sdelay $0x1  }
0x2d6: {  	[tilespmem:$0xF640] =	vst v1  }
0x2d7: {  	v62 =	vld.idx.msk [tilespmem:v3+s30+$0x0], $0xffff;
	_ =	sdelay $0x4  }
0x2d8: {  	v1 =	vadd.f32 v62, v1;
	_ =	sdelay $0x1  }
0x2d9: {  	[tilespmem:$0xF640] =	vst v1  }
0x2da: {  	v63 =	vld.idx.msk [tilespmem:v5+s30+$0x0], $0xffff;
	_ =	sdelay $0x4  }
0x2db: {  	v1 =	vadd.f32 v63, v1;
	_ =	sdelay $0x1  }
0x2dc: {  	v2 =	vmax.f32 v1, $1.000000000e+00  }
0x2dd: {  	(erf) = vrcp.f32 v2;
	_ =	sdelay $0x7  }
0x2de: {  	v0 =	vadd.f32 v60, v0  }
0x2df: {  	v2 =	vpop (erf)  }
0x2e0: {  	v0 =	vmul.f32 v2, v0  }
0x2e1: {  	vm0 =	vgt.f32 v1, $0.0e+00  }
0x2e2: {  	v0 =	vnsel vm0, $0x0, v0  }
0x2e3: {  	[tilespmem:$0xF420] =	vst v0  }
0x2e4: {  	s31 =	simm.s32 $0x0;
	[tilespmem:$0xF430] =	vst v0  }
0x2e5: {  	[hbm4b:s1+s31] =	stream.linear.scatter [tilespmem:s5], [sflag:$0x3], $0x20, $0x38;
	[tilespmem:$0xF670] =	vst v63  }
0x2e6: {  	_ =	swait.ge [sflag:s4], $0x20  }
0x2e7: {  	[sflag:s4] =	ssyncset.done $0x0  }
0x2e8: {  	[sflag:s4] =	ssyncadd.s32 $0xFFFFFFE0  }
0x2e9: {  	_ =	sfence.sel $0x180000  }
0x2ea: {  	[bflag:$0x0] =	sbarrier.arrive $0xFFFF  }
0x2eb: {  	_ =	strace $0x90000047  }
0x2ec: {  	s0 =	sadd.s32 $0x100000, s0;
	[bflag:$0x2] =	sbarrier.arrive $0xFFFF  }
0x2ed: {  	[sflag:s0] =	ssyncadd.tile.s32 $0x1;
	_ =	shalt  }
.Lfunc_end2:
_tile_overlayer_lowered:
.L_overlay_start_2:
0x2ee: {  	(tag) =	ssettag $0x2  }
0x2ef: {  	s0 =	rddreg [dreg:$0x0];
	s2 =	stileid.u32  }
0x2f0: {  	s1 =	rddreg [dreg:$0x1];
	p0 =	sne.s32 s2, $0x0  }
0x2f1: {  	s3 =	rddreg [dreg:$0x2];
	[bflag:$0x3] =	sbarrier.arrive $0xFFFF;
	s2 =	simm.s32 @!p0 $0x1C03  }
0x2f2: {  	[timem:s3], [sflag:s2] =	dma.local @!p0 [hbm:s0], s1  }
0x2f3: {  	s0 =	simm.s32 @!p0 $0x3  }
0x2f4: {  	_ =	swait.ge @!p0 [sflag:s0], s1  }
0x2f5: {  	s1 =	ssub.s32 @!p0 $0x0, s1;
	[sflag:s0] =	ssyncset.done @!p0 $0x0  }
0x2f6: {  	[sflag:s0] =	ssyncadd.s32 @!p0 s1  }
0x2f7: {  	[bflag:$0x3] =	sbarrier.arrive $0xFFFF  }
0x2f8: {  	_ =	shalt  }

</sc_bundles>
